<compile_context>
chip_gen: v7x
topology: tpu7x:2x2x1
jax: 0.10.2.dev20260603
libtpu: 0.0.44.dev20260713+nightly
codegen_flags: <defaults>
</compile_context>

<pallas_src>
import functools

import jax
import jax.numpy as jnp
from jax import lax
from jax.experimental import pallas as pl
from jax.experimental.pallas import tpu as pltpu
from jax.experimental.pallas import tpu_sc as plsc

_D = 32
_NB = 8


@functools.cache
def _make_lookup(BATCH, SEQ):
    info = plsc.get_sparse_core_info()
    nc = info.num_cores
    nw = nc * info.num_subcores
    rows_w = BATCH // nw
    n_body = rows_w // _NB
    assert n_body * _NB == rows_w and n_body >= 2
    mesh = plsc.VectorSubcoreMesh(core_axis_name="c", subcore_axis_name="s")

    @functools.partial(
        pl.kernel,
        mesh=mesh,
        compiler_params=pltpu.CompilerParams(use_tc_tiling_on_sc=False),
        out_type=jax.ShapeDtypeStruct((BATCH, SEQ, _D), jnp.float32),
        scratch_types=[
            pltpu.VMEM((rows_w, SEQ), jnp.int32),
            pltpu.VMEM((_NB, SEQ, _D), jnp.float32),
            pltpu.SemaphoreType.DMA((_NB,)),
            pltpu.SemaphoreType.DMA((_NB,)),
        ],
    )
    def k(table_hbm, idx_hbm, out_hbm, idx_v, rows_v, gsem, ssem):
        wid = lax.axis_index("s") * nc + lax.axis_index("c")
        base = pl.multiple_of(wid * rows_w, _NB)
        pltpu.sync_copy(idx_hbm.at[pl.ds(base, rows_w)], idx_v)

        def fire(c, slot):
            return pltpu.async_copy(
                table_hbm.at[idx_v.at[c]], rows_v.at[slot], gsem.at[slot]
            )

        def process(c, slot, first, fire_next):
            pltpu.make_async_copy(
                table_hbm.at[idx_v.at[c]], rows_v.at[slot], gsem.at[slot]
            ).wait()
            if not first:
                pltpu.make_async_copy(
                    rows_v.at[slot], out_hbm.at[base], ssem.at[slot]
                ).wait()
            pltpu.async_copy(
                rows_v.at[slot], out_hbm.at[base + c], ssem.at[slot]
            )
            if fire_next:
                fire(c + _NB, slot)

        for i in range(_NB):
            fire(i, i)
        for i in range(_NB):
            process(i, i, first=True, fire_next=True)

        def body(t, carry):
            for i in range(_NB):
                process(t * _NB + i, i, first=False, fire_next=True)
            return carry

        lax.fori_loop(1, n_body - 1, body, 0)

        for i in range(_NB):
            process((n_body - 1) * _NB + i, i, first=False, fire_next=False)
        for i in range(_NB):
            pltpu.make_async_copy(
                rows_v.at[i], out_hbm.at[base], ssem.at[i]
            ).wait()

    return k


def kernel(input, table):
    return _make_lookup(*input.shape)(table, input)

# --- scband reference (transcript-rebuilt; emitter-appended) ---
"""Pipeline reference for scband-edl-embedding-58755152609980 (READ-ONLY COPY).

The authoritative reference and input builder live on the scoring server;
editing this copy changes nothing except your own understanding.
"""

import jax, jax.numpy as jnp
import numpy as np

VOCAB = 1000000
EMBED_DIM = 32
BATCH = 4096
SEQ = 50

def setup_inputs(seed: int = 0) -> dict:
    key = jax.random.key(seed)
    k1, k2 = jax.random.split(key)
    indices = jax.random.randint(k1, (BATCH, SEQ), 0, VOCAB, dtype=jnp.int32)
    # embedding table held by the parameter-server 'worker' in the original code;
    # materialized here as a learned parameter (uniform init, matching keras 'uniform')
    table = jax.random.uniform(k2, (VOCAB, EMBED_DIM), dtype=jnp.float32, minval=-0.05, maxval=0.05)
    return {"input": indices, "table": table}

def reference(input, table):
    ids = input
    flat_ids = ids.reshape(-1)
    # tf.unique -> unique ids + inverse index mapping (fixed size for jit-compat)
    unique_ids, idx = jnp.unique(flat_ids, return_inverse=True, size=flat_ids.shape[0], fill_value=0)
    # worker.embedding_lookup(unique_ids, ...) -> gather unique rows from the table
    batch_embedding_tensor = jnp.take(table, unique_ids, axis=0)
    # tf.gather(batch_embedding_tensor, idx)
    outputs = jnp.take(batch_embedding_tensor, idx.reshape(-1), axis=0)
    outputs = outputs.reshape(ids.shape + (EMBED_DIM,))
    return outputs

if __name__ == "__main__":
    import jax
    _d = setup_inputs()
    print(jax.jit(kernel)(*tuple(_d.values())))

</pallas_src>

<mosaic_0001>
#map = affine_map<(d0, d1) -> (0, 0)>
#map1 = affine_map<(d0, d1) -> (0, 0, 0)>
module attributes {stable_mosaic.version = 14 : i64} {
  func.func @k(%arg0: i32, %arg1: i32, %arg2: memref<1000000x32xf32, #tpu.memory_space<hbm>>, %arg3: memref<4096x50xi32, #tpu.memory_space<hbm>>, %arg4: memref<4096x50x32xf32, #tpu.memory_space<hbm>>, %arg5: memref<128x50xi32, #tpu.memory_space<vmem>>, %arg6: memref<8x50x32xf32, #tpu.memory_space<vmem>>, %arg7: memref<8x!tpu.dma_semaphore, #tpu.memory_space<semaphore_mem>>, %arg8: memref<8x!tpu.dma_semaphore, #tpu.memory_space<semaphore_mem>>) attributes {dimension_semantics = [#tpu.dimension_semantics<core_parallel>, #tpu.dimension_semantics<subcore_parallel>], iteration_bounds = array<i64: 2, 16>, scalar_prefetch = 0 : i64, scratch_operands = 4 : i64, tpu.core_type = #tpu.core_type<sc_vector_subcore>, window_params = [{transform_indices = #map}, {transform_indices = #map}, {transform_indices = #map1}]} {
    %mul3A = arith.constant 2 : i32
    %mul3A_0 = arith.muli %arg1, %mul3A : i32
    %add3A = arith.addi %mul3A_0, %arg0 : i32
    %mul3A_1 = arith.constant 128 : i32
    %mul3A_2 = arith.muli %add3A, %mul3A_1 : i32
    %multiple_of3A = tpu.assume_multiple %mul3A_2, 8 : i32
    "tpu.region"() ({
      %run_scoped3A = tpu.sem_alloc : memref<!tpu.dma_semaphore, #tpu.memory_space<semaphore_mem>>
      %dma_start3A_1158 = arith.constant 0 : i32
      %dma_start3A_1159 = tpu.memref_slice %arg3[%multiple_of3A, %dma_start3A_1158] : memref<4096x50xi32, #tpu.memory_space<hbm>> -> memref<128x50xi32, #tpu.memory_space<hbm>>
      %dma_start3A_1160 = arith.constant 0 : i32
      %dma_start3A_1161 = tpu.memref_slice %arg3[%multiple_of3A, %dma_start3A_1160] : memref<4096x50xi32, #tpu.memory_space<hbm>> -> memref<128x50xi32, #tpu.memory_space<hbm>>
      tpu.enqueue_dma source(%dma_start3A_1161 : memref<128x50xi32, #tpu.memory_space<hbm>>) target(%arg5 : memref<128x50xi32, #tpu.memory_space<vmem>>) target_semaphore(%run_scoped3A : memref<!tpu.dma_semaphore, #tpu.memory_space<semaphore_mem>>)
      %dma_wait3A_1162 = arith.constant 0 : i32
      %dma_wait3A_1163 = tpu.memref_slice %arg3[%multiple_of3A, %dma_wait3A_1162] : memref<4096x50xi32, #tpu.memory_space<hbm>> -> memref<128x50xi32, #tpu.memory_space<hbm>>
      %dma_wait3A_1164 = arith.constant 0 : i32
      %dma_wait3A_1165 = tpu.memref_slice %arg3[%multiple_of3A, %dma_wait3A_1164] : memref<4096x50xi32, #tpu.memory_space<hbm>> -> memref<128x50xi32, #tpu.memory_space<hbm>>
      tpu.wait_dma2 semaphore(%run_scoped3A : memref<!tpu.dma_semaphore, #tpu.memory_space<semaphore_mem>>) src(%dma_wait3A_1165 : memref<128x50xi32, #tpu.memory_space<hbm>>) dst(%arg5 : memref<128x50xi32, #tpu.memory_space<vmem>>)
      tpu.yield
    }) : () -> ()
    %dma_start3A = arith.constant 0 : i32
    %dma_start3A_3 = arith.constant 0 : i32
    %dma_start3A_4 = arith.constant 0 : i32
    %dma_start3A_5 = arith.constant 0 : i32
    %dma_start3A_6 = arith.constant 0 : i32
    %dma_start3A_7 = tpu.memref_slice %arg6[%dma_start3A_3, %dma_start3A_5, %dma_start3A_6] : memref<8x50x32xf32, #tpu.memory_space<vmem>> -> memref<1x50x32xf32, #tpu.memory_space<vmem>>
    %dma_start3A_8 = tpu.memref_squeeze %dma_start3A_7 : memref<1x50x32xf32, #tpu.memory_space<vmem>> -> memref<50x32xf32, #tpu.memory_space<vmem>>
    %dma_start3A_9 = arith.constant 0 : i32
    %dma_start3A_10 = tpu.memref_slice %arg5[%dma_start3A, %dma_start3A_9] : memref<128x50xi32, #tpu.memory_space<vmem>> -> memref<1x50xi32, #tpu.memory_space<vmem>>
    %dma_start3A_11 = tpu.memref_squeeze %dma_start3A_10 : memref<1x50xi32, #tpu.memory_space<vmem>> -> memref<50xi32, #tpu.memory_space<vmem>>
    %dma_start3A_12 = arith.constant 0 : i32
    %dma_start3A_13 = arith.constant 0 : i32
    %dma_start3A_14 = tpu.memref_slice %arg2[%dma_start3A_12, %dma_start3A_13] : memref<1000000x32xf32, #tpu.memory_space<hbm>> -> memref<1000000x32xf32, #tpu.memory_space<hbm>>
    %dma_start3A_15 = tpu.memref_slice %arg7[%dma_start3A_4] : memref<8x!tpu.dma_semaphore, #tpu.memory_space<semaphore_mem>> -> memref<1x!tpu.dma_semaphore, #tpu.memory_space<semaphore_mem>>
    %dma_start3A_16 = tpu.memref_squeeze %dma_start3A_15 : memref<1x!tpu.dma_semaphore, #tpu.memory_space<semaphore_mem>> -> memref<!tpu.dma_semaphore, #tpu.memory_space<semaphore_mem>>
    tpu.enqueue_indirect_dma source(%dma_start3A_14 : memref<1000000x32xf32, #tpu.memory_space<hbm>>) target(%dma_start3A_8 : memref<50x32xf32, #tpu.memory_space<vmem>>) offsets(%dma_start3A_11 : memref<50xi32, #tpu.memory_space<vmem>>) semaphore(%dma_start3A_16 : memref<!tpu.dma_semaphore, #tpu.memory_space<semaphore_mem>>)
    %dma_start3A_17 = arith.constant 1 : i32
    %dma_start3A_18 = arith.constant 1 : i32
    %dma_start3A_19 = arith.constant 1 : i32
    %dma_start3A_20 = arith.constant 0 : i32
    %dma_start3A_21 = arith.constant 0 : i32
    %dma_start3A_22 = tpu.memref_slice %arg6[%dma_start3A_18, %dma_start3A_20, %dma_start3A_21] : memref<8x50x32xf32, #tpu.memory_space<vmem>> -> memref<1x50x32xf32, #tpu.memory_space<vmem>>
    %dma_start3A_23 = tpu.memref_squeeze %dma_start3A_22 : memref<1x50x32xf32, #tpu.memory_space<vmem>> -> memref<50x32xf32, #tpu.memory_space<vmem>>
    %dma_start3A_24 = arith.constant 0 : i32
    %dma_start3A_25 = tpu.memref_slice %arg5[%dma_start3A_17, %dma_start3A_24] : memref<128x50xi32, #tpu.memory_space<vmem>> -> memref<1x50xi32, #tpu.memory_space<vmem>>
    %dma_start3A_26 = tpu.memref_squeeze %dma_start3A_25 : memref<1x50xi32, #tpu.memory_space<vmem>> -> memref<50xi32, #tpu.memory_space<vmem>>
    %dma_start3A_27 = arith.constant 0 : i32
    %dma_start3A_28 = arith.constant 0 : i32
    %dma_start3A_29 = tpu.memref_slice %arg2[%dma_start3A_27, %dma_start3A_28] : memref<1000000x32xf32, #tpu.memory_space<hbm>> -> memref<1000000x32xf32, #tpu.memory_space<hbm>>
    %dma_start3A_30 = tpu.memref_slice %arg7[%dma_start3A_19] : memref<8x!tpu.dma_semaphore, #tpu.memory_space<semaphore_mem>> -> memref<1x!tpu.dma_semaphore, #tpu.memory_space<semaphore_mem>>
    %dma_start3A_31 = tpu.memref_squeeze %dma_start3A_30 : memref<1x!tpu.dma_semaphore, #tpu.memory_space<semaphore_mem>> -> memref<!tpu.dma_semaphore, #tpu.memory_space<semaphore_mem>>
    tpu.enqueue_indirect_dma source(%dma_start3A_29 : memref<1000000x32xf32, #tpu.memory_space<hbm>>) target(%dma_start3A_23 : memref<50x32xf32, #tpu.memory_space<vmem>>) offsets(%dma_start3A_26 : memref<50xi32, #tpu.memory_space<vmem>>) semaphore(%dma_start3A_31 : memref<!tpu.dma_semaphore, #tpu.memory_space<semaphore_mem>>)
    %dma_start3A_32 = arith.constant 2 : i32
    %dma_start3A_33 = arith.constant 2 : i32
    %dma_start3A_34 = arith.constant 2 : i32
    %dma_start3A_35 = arith.constant 0 : i32
    %dma_start3A_36 = arith.constant 0 : i32
    %dma_start3A_37 = tpu.memref_slice %arg6[%dma_start3A_33, %dma_start3A_35, %dma_start3A_36] : memref<8x50x32xf32, #tpu.memory_space<vmem>> -> memref<1x50x32xf32, #tpu.memory_space<vmem>>
    %dma_start3A_38 = tpu.memref_squeeze %dma_start3A_37 : memref<1x50x32xf32, #tpu.memory_space<vmem>> -> memref<50x32xf32, #tpu.memory_space<vmem>>
    %dma_start3A_39 = arith.constant 0 : i32
    %dma_start3A_40 = tpu.memref_slice %arg5[%dma_start3A_32, %dma_start3A_39] : memref<128x50xi32, #tpu.memory_space<vmem>> -> memref<1x50xi32, #tpu.memory_space<vmem>>
    %dma_start3A_41 = tpu.memref_squeeze %dma_start3A_40 : memref<1x50xi32, #tpu.memory_space<vmem>> -> memref<50xi32, #tpu.memory_space<vmem>>
    %dma_start3A_42 = arith.constant 0 : i32
    %dma_start3A_43 = arith.constant 0 : i32
    %dma_start3A_44 = tpu.memref_slice %arg2[%dma_start3A_42, %dma_start3A_43] : memref<1000000x32xf32, #tpu.memory_space<hbm>> -> memref<1000000x32xf32, #tpu.memory_space<hbm>>
    %dma_start3A_45 = tpu.memref_slice %arg7[%dma_start3A_34] : memref<8x!tpu.dma_semaphore, #tpu.memory_space<semaphore_mem>> -> memref<1x!tpu.dma_semaphore, #tpu.memory_space<semaphore_mem>>
    %dma_start3A_46 = tpu.memref_squeeze %dma_start3A_45 : memref<1x!tpu.dma_semaphore, #tpu.memory_space<semaphore_mem>> -> memref<!tpu.dma_semaphore, #tpu.memory_space<semaphore_mem>>
    tpu.enqueue_indirect_dma source(%dma_start3A_44 : memref<1000000x32xf32, #tpu.memory_space<hbm>>) target(%dma_start3A_38 : memref<50x32xf32, #tpu.memory_space<vmem>>) offsets(%dma_start3A_41 : memref<50xi32, #tpu.memory_space<vmem>>) semaphore(%dma_start3A_46 : memref<!tpu.dma_semaphore, #tpu.memory_space<semaphore_mem>>)
    %dma_start3A_47 = arith.constant 3 : i32
    %dma_start3A_48 = arith.constant 3 : i32
    %dma_start3A_49 = arith.constant 3 : i32
    %dma_start3A_50 = arith.constant 0 : i32
    %dma_start3A_51 = arith.constant 0 : i32
    %dma_start3A_52 = tpu.memref_slice %arg6[%dma_start3A_48, %dma_start3A_50, %dma_start3A_51] : memref<8x50x32xf32, #tpu.memory_space<vmem>> -> memref<1x50x32xf32, #tpu.memory_space<vmem>>
    %dma_start3A_53 = tpu.memref_squeeze %dma_start3A_52 : memref<1x50x32xf32, #tpu.memory_space<vmem>> -> memref<50x32xf32, #tpu.memory_space<vmem>>
    %dma_start3A_54 = arith.constant 0 : i32
    %dma_start3A_55 = tpu.memref_slice %arg5[%dma_start3A_47, %dma_start3A_54] : memref<128x50xi32, #tpu.memory_space<vmem>> -> memref<1x50xi32, #tpu.memory_space<vmem>>
    %dma_start3A_56 = tpu.memref_squeeze %dma_start3A_55 : memref<1x50xi32, #tpu.memory_space<vmem>> -> memref<50xi32, #tpu.memory_space<vmem>>
    %dma_start3A_57 = arith.constant 0 : i32
    %dma_start3A_58 = arith.constant 0 : i32
    %dma_start3A_59 = tpu.memref_slice %arg2[%dma_start3A_57, %dma_start3A_58] : memref<1000000x32xf32, #tpu.memory_space<hbm>> -> memref<1000000x32xf32, #tpu.memory_space<hbm>>
    %dma_start3A_60 = tpu.memref_slice %arg7[%dma_start3A_49] : memref<8x!tpu.dma_semaphore, #tpu.memory_space<semaphore_mem>> -> memref<1x!tpu.dma_semaphore, #tpu.memory_space<semaphore_mem>>
    %dma_start3A_61 = tpu.memref_squeeze %dma_start3A_60 : memref<1x!tpu.dma_semaphore, #tpu.memory_space<semaphore_mem>> -> memref<!tpu.dma_semaphore, #tpu.memory_space<semaphore_mem>>
    tpu.enqueue_indirect_dma source(%dma_start3A_59 : memref<1000000x32xf32, #tpu.memory_space<hbm>>) target(%dma_start3A_53 : memref<50x32xf32, #tpu.memory_space<vmem>>) offsets(%dma_start3A_56 : memref<50xi32, #tpu.memory_space<vmem>>) semaphore(%dma_start3A_61 : memref<!tpu.dma_semaphore, #tpu.memory_space<semaphore_mem>>)
    %dma_start3A_62 = arith.constant 4 : i32
    %dma_start3A_63 = arith.constant 4 : i32
    %dma_start3A_64 = arith.constant 4 : i32
    %dma_start3A_65 = arith.constant 0 : i32
    %dma_start3A_66 = arith.constant 0 : i32
    %dma_start3A_67 = tpu.memref_slice %arg6[%dma_start3A_63, %dma_start3A_65, %dma_start3A_66] : memref<8x50x32xf32, #tpu.memory_space<vmem>> -> memref<1x50x32xf32, #tpu.memory_space<vmem>>
    %dma_start3A_68 = tpu.memref_squeeze %dma_start3A_67 : memref<1x50x32xf32, #tpu.memory_space<vmem>> -> memref<50x32xf32, #tpu.memory_space<vmem>>
    %dma_start3A_69 = arith.constant 0 : i32
    %dma_start3A_70 = tpu.memref_slice %arg5[%dma_start3A_62, %dma_start3A_69] : memref<128x50xi32, #tpu.memory_space<vmem>> -> memref<1x50xi32, #tpu.memory_space<vmem>>
    %dma_start3A_71 = tpu.memref_squeeze %dma_start3A_70 : memref<1x50xi32, #tpu.memory_space<vmem>> -> memref<50xi32, #tpu.memory_space<vmem>>
    %dma_start3A_72 = arith.constant 0 : i32
    %dma_start3A_73 = arith.constant 0 : i32
    %dma_start3A_74 = tpu.memref_slice %arg2[%dma_start3A_72, %dma_start3A_73] : memref<1000000x32xf32, #tpu.memory_space<hbm>> -> memref<1000000x32xf32, #tpu.memory_space<hbm>>
    %dma_start3A_75 = tpu.memref_slice %arg7[%dma_start3A_64] : memref<8x!tpu.dma_semaphore, #tpu.memory_space<semaphore_mem>> -> memref<1x!tpu.dma_semaphore, #tpu.memory_space<semaphore_mem>>
    %dma_start3A_76 = tpu.memref_squeeze %dma_start3A_75 : memref<1x!tpu.dma_semaphore, #tpu.memory_space<semaphore_mem>> -> memref<!tpu.dma_semaphore, #tpu.memory_space<semaphore_mem>>
    tpu.enqueue_indirect_dma source(%dma_start3A_74 : memref<1000000x32xf32, #tpu.memory_space<hbm>>) target(%dma_start3A_68 : memref<50x32xf32, #tpu.memory_space<vmem>>) offsets(%dma_start3A_71 : memref<50xi32, #tpu.memory_space<vmem>>) semaphore(%dma_start3A_76 : memref<!tpu.dma_semaphore, #tpu.memory_space<semaphore_mem>>)
    %dma_start3A_77 = arith.constant 5 : i32
    %dma_start3A_78 = arith.constant 5 : i32
    %dma_start3A_79 = arith.constant 5 : i32
    %dma_start3A_80 = arith.constant 0 : i32
    %dma_start3A_81 = arith.constant 0 : i32
    %dma_start3A_82 = tpu.memref_slice %arg6[%dma_start3A_78, %dma_start3A_80, %dma_start3A_81] : memref<8x50x32xf32, #tpu.memory_space<vmem>> -> memref<1x50x32xf32, #tpu.memory_space<vmem>>
    %dma_start3A_83 = tpu.memref_squeeze %dma_start3A_82 : memref<1x50x32xf32, #tpu.memory_space<vmem>> -> memref<50x32xf32, #tpu.memory_space<vmem>>
    %dma_start3A_84 = arith.constant 0 : i32
    %dma_start3A_85 = tpu.memref_slice %arg5[%dma_start3A_77, %dma_start3A_84] : memref<128x50xi32, #tpu.memory_space<vmem>> -> memref<1x50xi32, #tpu.memory_space<vmem>>
    %dma_start3A_86 = tpu.memref_squeeze %dma_start3A_85 : memref<1x50xi32, #tpu.memory_space<vmem>> -> memref<50xi32, #tpu.memory_space<vmem>>
    %dma_start3A_87 = arith.constant 0 : i32
    %dma_start3A_88 = arith.constant 0 : i32
    %dma_start3A_89 = tpu.memref_slice %arg2[%dma_start3A_87, %dma_start3A_88] : memref<1000000x32xf32, #tpu.memory_space<hbm>> -> memref<1000000x32xf32, #tpu.memory_space<hbm>>
    %dma_start3A_90 = tpu.memref_slice %arg7[%dma_start3A_79] : memref<8x!tpu.dma_semaphore, #tpu.memory_space<semaphore_mem>> -> memref<1x!tpu.dma_semaphore, #tpu.memory_space<semaphore_mem>>
    %dma_start3A_91 = tpu.memref_squeeze %dma_start3A_90 : memref<1x!tpu.dma_semaphore, #tpu.memory_space<semaphore_mem>> -> memref<!tpu.dma_semaphore, #tpu.memory_space<semaphore_mem>>
    tpu.enqueue_indirect_dma source(%dma_start3A_89 : memref<1000000x32xf32, #tpu.memory_space<hbm>>) target(%dma_start3A_83 : memref<50x32xf32, #tpu.memory_space<vmem>>) offsets(%dma_start3A_86 : memref<50xi32, #tpu.memory_space<vmem>>) semaphore(%dma_start3A_91 : memref<!tpu.dma_semaphore, #tpu.memory_space<semaphore_mem>>)
    %dma_start3A_92 = arith.constant 6 : i32
    %dma_start3A_93 = arith.constant 6 : i32
    %dma_start3A_94 = arith.constant 6 : i32
    %dma_start3A_95 = arith.constant 0 : i32
    %dma_start3A_96 = arith.constant 0 : i32
    %dma_start3A_97 = tpu.memref_slice %arg6[%dma_start3A_93, %dma_start3A_95, %dma_start3A_96] : memref<8x50x32xf32, #tpu.memory_space<vmem>> -> memref<1x50x32xf32, #tpu.memory_space<vmem>>
    %dma_start3A_98 = tpu.memref_squeeze %dma_start3A_97 : memref<1x50x32xf32, #tpu.memory_space<vmem>> -> memref<50x32xf32, #tpu.memory_space<vmem>>
    %dma_start3A_99 = arith.constant 0 : i32
    %dma_start3A_100 = tpu.memref_slice %arg5[%dma_start3A_92, %dma_start3A_99] : memref<128x50xi32, #tpu.memory_space<vmem>> -> memref<1x50xi32, #tpu.memory_space<vmem>>
    %dma_start3A_101 = tpu.memref_squeeze %dma_start3A_100 : memref<1x50xi32, #tpu.memory_space<vmem>> -> memref<50xi32, #tpu.memory_space<vmem>>
    %dma_start3A_102 = arith.constant 0 : i32
    %dma_start3A_103 = arith.constant 0 : i32
    %dma_start3A_104 = tpu.memref_slice %arg2[%dma_start3A_102, %dma_start3A_103] : memref<1000000x32xf32, #tpu.memory_space<hbm>> -> memref<1000000x32xf32, #tpu.memory_space<hbm>>
    %dma_start3A_105 = tpu.memref_slice %arg7[%dma_start3A_94] : memref<8x!tpu.dma_semaphore, #tpu.memory_space<semaphore_mem>> -> memref<1x!tpu.dma_semaphore, #tpu.memory_space<semaphore_mem>>
    %dma_start3A_106 = tpu.memref_squeeze %dma_start3A_105 : memref<1x!tpu.dma_semaphore, #tpu.memory_space<semaphore_mem>> -> memref<!tpu.dma_semaphore, #tpu.memory_space<semaphore_mem>>
    tpu.enqueue_indirect_dma source(%dma_start3A_104 : memref<1000000x32xf32, #tpu.memory_space<hbm>>) target(%dma_start3A_98 : memref<50x32xf32, #tpu.memory_space<vmem>>) offsets(%dma_start3A_101 : memref<50xi32, #tpu.memory_space<vmem>>) semaphore(%dma_start3A_106 : memref<!tpu.dma_semaphore, #tpu.memory_space<semaphore_mem>>)
    %dma_start3A_107 = arith.constant 7 : i32
    %dma_start3A_108 = arith.constant 7 : i32
    %dma_start3A_109 = arith.constant 7 : i32
    %dma_start3A_110 = arith.constant 0 : i32
    %dma_start3A_111 = arith.constant 0 : i32
    %dma_start3A_112 = tpu.memref_slice %arg6[%dma_start3A_108, %dma_start3A_110, %dma_start3A_111] : memref<8x50x32xf32, #tpu.memory_space<vmem>> -> memref<1x50x32xf32, #tpu.memory_space<vmem>>
    %dma_start3A_113 = tpu.memref_squeeze %dma_start3A_112 : memref<1x50x32xf32, #tpu.memory_space<vmem>> -> memref<50x32xf32, #tpu.memory_space<vmem>>
    %dma_start3A_114 = arith.constant 0 : i32
    %dma_start3A_115 = tpu.memref_slice %arg5[%dma_start3A_107, %dma_start3A_114] : memref<128x50xi32, #tpu.memory_space<vmem>> -> memref<1x50xi32, #tpu.memory_space<vmem>>
    %dma_start3A_116 = tpu.memref_squeeze %dma_start3A_115 : memref<1x50xi32, #tpu.memory_space<vmem>> -> memref<50xi32, #tpu.memory_space<vmem>>
    %dma_start3A_117 = arith.constant 0 : i32
    %dma_start3A_118 = arith.constant 0 : i32
    %dma_start3A_119 = tpu.memref_slice %arg2[%dma_start3A_117, %dma_start3A_118] : memref<1000000x32xf32, #tpu.memory_space<hbm>> -> memref<1000000x32xf32, #tpu.memory_space<hbm>>
    %dma_start3A_120 = tpu.memref_slice %arg7[%dma_start3A_109] : memref<8x!tpu.dma_semaphore, #tpu.memory_space<semaphore_mem>> -> memref<1x!tpu.dma_semaphore, #tpu.memory_space<semaphore_mem>>
    %dma_start3A_121 = tpu.memref_squeeze %dma_start3A_120 : memref<1x!tpu.dma_semaphore, #tpu.memory_space<semaphore_mem>> -> memref<!tpu.dma_semaphore, #tpu.memory_space<semaphore_mem>>
    tpu.enqueue_indirect_dma source(%dma_start3A_119 : memref<1000000x32xf32, #tpu.memory_space<hbm>>) target(%dma_start3A_113 : memref<50x32xf32, #tpu.memory_space<vmem>>) offsets(%dma_start3A_116 : memref<50xi32, #tpu.memory_space<vmem>>) semaphore(%dma_start3A_121 : memref<!tpu.dma_semaphore, #tpu.memory_space<semaphore_mem>>)
    %dma_wait3A = arith.constant 0 : i32
    %dma_wait3A_122 = arith.constant 0 : i32
    %dma_wait3A_123 = arith.constant 0 : i32
    %dma_wait3A_124 = arith.constant 0 : i32
    %dma_wait3A_125 = arith.constant 0 : i32
    %dma_wait3A_126 = tpu.memref_slice %arg6[%dma_wait3A_122, %dma_wait3A_124, %dma_wait3A_125] : memref<8x50x32xf32, #tpu.memory_space<vmem>> -> memref<1x50x32xf32, #tpu.memory_space<vmem>>
    %dma_wait3A_127 = tpu.memref_squeeze %dma_wait3A_126 : memref<1x50x32xf32, #tpu.memory_space<vmem>> -> memref<50x32xf32, #tpu.memory_space<vmem>>
    %dma_wait3A_128 = arith.constant 0 : i32
    %dma_wait3A_129 = tpu.memref_slice %arg5[%dma_wait3A, %dma_wait3A_128] : memref<128x50xi32, #tpu.memory_space<vmem>> -> memref<1x50xi32, #tpu.memory_space<vmem>>
    %dma_wait3A_130 = tpu.memref_squeeze %dma_wait3A_129 : memref<1x50xi32, #tpu.memory_space<vmem>> -> memref<50xi32, #tpu.memory_space<vmem>>
    %dma_wait3A_131 = arith.constant 0 : i32
    %dma_wait3A_132 = arith.constant 0 : i32
    %dma_wait3A_133 = tpu.memref_slice %arg2[%dma_wait3A_131, %dma_wait3A_132] : memref<1000000x32xf32, #tpu.memory_space<hbm>> -> memref<1000000x32xf32, #tpu.memory_space<hbm>>
    %dma_wait3A_134 = tpu.memref_slice %arg7[%dma_wait3A_123] : memref<8x!tpu.dma_semaphore, #tpu.memory_space<semaphore_mem>> -> memref<1x!tpu.dma_semaphore, #tpu.memory_space<semaphore_mem>>
    %dma_wait3A_135 = tpu.memref_squeeze %dma_wait3A_134 : memref<1x!tpu.dma_semaphore, #tpu.memory_space<semaphore_mem>> -> memref<!tpu.dma_semaphore, #tpu.memory_space<semaphore_mem>>
    tpu.wait_indirect_dma semaphore(%dma_wait3A_135 : memref<!tpu.dma_semaphore, #tpu.memory_space<semaphore_mem>>) src(%dma_wait3A_133 : memref<1000000x32xf32, #tpu.memory_space<hbm>>) dst(%dma_wait3A_127 : memref<50x32xf32, #tpu.memory_space<vmem>>)
    %add3A_136 = arith.constant 0 : i32
    %add3A_137 = arith.addi %multiple_of3A, %add3A_136 : i32
    %dma_start3A_138 = arith.constant 0 : i32
    %dma_start3A_139 = arith.constant 0 : i32
    %dma_start3A_140 = arith.constant 0 : i32
    %dma_start3A_141 = arith.constant 0 : i32
    %dma_start3A_142 = tpu.memref_slice %arg6[%dma_start3A_138, %dma_start3A_140, %dma_start3A_141] : memref<8x50x32xf32, #tpu.memory_space<vmem>> -> memref<1x50x32xf32, #tpu.memory_space<vmem>>
    %dma_start3A_143 = tpu.memref_squeeze %dma_start3A_142 : memref<1x50x32xf32, #tpu.memory_space<vmem>> -> memref<50x32xf32, #tpu.memory_space<vmem>>
    %dma_start3A_144 = arith.constant 0 : i32
    %dma_start3A_145 = arith.constant 0 : i32
    %dma_start3A_146 = tpu.memref_slice %arg4[%add3A_137, %dma_start3A_144, %dma_start3A_145] : memref<4096x50x32xf32, #tpu.memory_space<hbm>> -> memref<1x50x32xf32, #tpu.memory_space<hbm>>
    %dma_start3A_147 = tpu.memref_squeeze %dma_start3A_146 : memref<1x50x32xf32, #tpu.memory_space<hbm>> -> memref<50x32xf32, #tpu.memory_space<hbm>>
    %dma_start3A_148 = tpu.memref_slice %arg8[%dma_start3A_139] : memref<8x!tpu.dma_semaphore, #tpu.memory_space<semaphore_mem>> -> memref<1x!tpu.dma_semaphore, #tpu.memory_space<semaphore_mem>>
    %dma_start3A_149 = tpu.memref_squeeze %dma_start3A_148 : memref<1x!tpu.dma_semaphore, #tpu.memory_space<semaphore_mem>> -> memref<!tpu.dma_semaphore, #tpu.memory_space<semaphore_mem>>
    %dma_start3A_150 = arith.constant 0 : i32
    %dma_start3A_151 = arith.constant 0 : i32
    %dma_start3A_152 = tpu.memref_slice %arg4[%add3A_137, %dma_start3A_150, %dma_start3A_151] : memref<4096x50x32xf32, #tpu.memory_space<hbm>> -> memref<1x50x32xf32, #tpu.memory_space<hbm>>
    %dma_start3A_153 = tpu.memref_squeeze %dma_start3A_152 : memref<1x50x32xf32, #tpu.memory_space<hbm>> -> memref<50x32xf32, #tpu.memory_space<hbm>>
    %dma_start3A_154 = arith.constant 0 : i32
    %dma_start3A_155 = arith.constant 0 : i32
    %dma_start3A_156 = tpu.memref_slice %arg6[%dma_start3A_138, %dma_start3A_154, %dma_start3A_155] : memref<8x50x32xf32, #tpu.memory_space<vmem>> -> memref<1x50x32xf32, #tpu.memory_space<vmem>>
    %dma_start3A_157 = tpu.memref_squeeze %dma_start3A_156 : memref<1x50x32xf32, #tpu.memory_space<vmem>> -> memref<50x32xf32, #tpu.memory_space<vmem>>
    tpu.enqueue_dma source(%dma_start3A_157 : memref<50x32xf32, #tpu.memory_space<vmem>>) target(%dma_start3A_153 : memref<50x32xf32, #tpu.memory_space<hbm>>) target_semaphore(%dma_start3A_149 : memref<!tpu.dma_semaphore, #tpu.memory_space<semaphore_mem>>)
    %dma_start3A_158 = arith.constant 8 : i32
    %dma_start3A_159 = arith.constant 0 : i32
    %dma_start3A_160 = arith.constant 0 : i32
    %dma_start3A_161 = arith.constant 0 : i32
    %dma_start3A_162 = arith.constant 0 : i32
    %dma_start3A_163 = tpu.memref_slice %arg6[%dma_start3A_159, %dma_start3A_161, %dma_start3A_162] : memref<8x50x32xf32, #tpu.memory_space<vmem>> -> memref<1x50x32xf32, #tpu.memory_space<vmem>>
    %dma_start3A_164 = tpu.memref_squeeze %dma_start3A_163 : memref<1x50x32xf32, #tpu.memory_space<vmem>> -> memref<50x32xf32, #tpu.memory_space<vmem>>
    %dma_start3A_165 = arith.constant 0 : i32
    %dma_start3A_166 = tpu.memref_slice %arg5[%dma_start3A_158, %dma_start3A_165] : memref<128x50xi32, #tpu.memory_space<vmem>> -> memref<1x50xi32, #tpu.memory_space<vmem>>
    %dma_start3A_167 = tpu.memref_squeeze %dma_start3A_166 : memref<1x50xi32, #tpu.memory_space<vmem>> -> memref<50xi32, #tpu.memory_space<vmem>>
    %dma_start3A_168 = arith.constant 0 : i32
    %dma_start3A_169 = arith.constant 0 : i32
    %dma_start3A_170 = tpu.memref_slice %arg2[%dma_start3A_168, %dma_start3A_169] : memref<1000000x32xf32, #tpu.memory_space<hbm>> -> memref<1000000x32xf32, #tpu.memory_space<hbm>>
    %dma_start3A_171 = tpu.memref_slice %arg7[%dma_start3A_160] : memref<8x!tpu.dma_semaphore, #tpu.memory_space<semaphore_mem>> -> memref<1x!tpu.dma_semaphore, #tpu.memory_space<semaphore_mem>>
    %dma_start3A_172 = tpu.memref_squeeze %dma_start3A_171 : memref<1x!tpu.dma_semaphore, #tpu.memory_space<semaphore_mem>> -> memref<!tpu.dma_semaphore, #tpu.memory_space<semaphore_mem>>
    tpu.enqueue_indirect_dma source(%dma_start3A_170 : memref<1000000x32xf32, #tpu.memory_space<hbm>>) target(%dma_start3A_164 : memref<50x32xf32, #tpu.memory_space<vmem>>) offsets(%dma_start3A_167 : memref<50xi32, #tpu.memory_space<vmem>>) semaphore(%dma_start3A_172 : memref<!tpu.dma_semaphore, #tpu.memory_space<semaphore_mem>>)
    %dma_wait3A_173 = arith.constant 1 : i32
    %dma_wait3A_174 = arith.constant 1 : i32
    %dma_wait3A_175 = arith.constant 1 : i32
    %dma_wait3A_176 = arith.constant 0 : i32
    %dma_wait3A_177 = arith.constant 0 : i32
    %dma_wait3A_178 = tpu.memref_slice %arg6[%dma_wait3A_174, %dma_wait3A_176, %dma_wait3A_177] : memref<8x50x32xf32, #tpu.memory_space<vmem>> -> memref<1x50x32xf32, #tpu.memory_space<vmem>>
    %dma_wait3A_179 = tpu.memref_squeeze %dma_wait3A_178 : memref<1x50x32xf32, #tpu.memory_space<vmem>> -> memref<50x32xf32, #tpu.memory_space<vmem>>
    %dma_wait3A_180 = arith.constant 0 : i32
    %dma_wait3A_181 = tpu.memref_slice %arg5[%dma_wait3A_173, %dma_wait3A_180] : memref<128x50xi32, #tpu.memory_space<vmem>> -> memref<1x50xi32, #tpu.memory_space<vmem>>
    %dma_wait3A_182 = tpu.memref_squeeze %dma_wait3A_181 : memref<1x50xi32, #tpu.memory_space<vmem>> -> memref<50xi32, #tpu.memory_space<vmem>>
    %dma_wait3A_183 = arith.constant 0 : i32
    %dma_wait3A_184 = arith.constant 0 : i32
    %dma_wait3A_185 = tpu.memref_slice %arg2[%dma_wait3A_183, %dma_wait3A_184] : memref<1000000x32xf32, #tpu.memory_space<hbm>> -> memref<1000000x32xf32, #tpu.memory_space<hbm>>
    %dma_wait3A_186 = tpu.memref_slice %arg7[%dma_wait3A_175] : memref<8x!tpu.dma_semaphore, #tpu.memory_space<semaphore_mem>> -> memref<1x!tpu.dma_semaphore, #tpu.memory_space<semaphore_mem>>
    %dma_wait3A_187 = tpu.memref_squeeze %dma_wait3A_186 : memref<1x!tpu.dma_semaphore, #tpu.memory_space<semaphore_mem>> -> memref<!tpu.dma_semaphore, #tpu.memory_space<semaphore_mem>>
    tpu.wait_indirect_dma semaphore(%dma_wait3A_187 : memref<!tpu.dma_semaphore, #tpu.memory_space<semaphore_mem>>) src(%dma_wait3A_185 : memref<1000000x32xf32, #tpu.memory_space<hbm>>) dst(%dma_wait3A_179 : memref<50x32xf32, #tpu.memory_space<vmem>>)
    %add3A_188 = arith.constant 1 : i32
    %add3A_189 = arith.addi %multiple_of3A, %add3A_188 : i32
    %dma_start3A_190 = arith.constant 1 : i32
    %dma_start3A_191 = arith.constant 1 : i32
    %dma_start3A_192 = arith.constant 0 : i32
    %dma_start3A_193 = arith.constant 0 : i32
    %dma_start3A_194 = tpu.memref_slice %arg6[%dma_start3A_190, %dma_start3A_192, %dma_start3A_193] : memref<8x50x32xf32, #tpu.memory_space<vmem>> -> memref<1x50x32xf32, #tpu.memory_space<vmem>>
    %dma_start3A_195 = tpu.memref_squeeze %dma_start3A_194 : memref<1x50x32xf32, #tpu.memory_space<vmem>> -> memref<50x32xf32, #tpu.memory_space<vmem>>
    %dma_start3A_196 = arith.constant 0 : i32
    %dma_start3A_197 = arith.constant 0 : i32
    %dma_start3A_198 = tpu.memref_slice %arg4[%add3A_189, %dma_start3A_196, %dma_start3A_197] : memref<4096x50x32xf32, #tpu.memory_space<hbm>> -> memref<1x50x32xf32, #tpu.memory_space<hbm>>
    %dma_start3A_199 = tpu.memref_squeeze %dma_start3A_198 : memref<1x50x32xf32, #tpu.memory_space<hbm>> -> memref<50x32xf32, #tpu.memory_space<hbm>>
    %dma_start3A_200 = tpu.memref_slice %arg8[%dma_start3A_191] : memref<8x!tpu.dma_semaphore, #tpu.memory_space<semaphore_mem>> -> memref<1x!tpu.dma_semaphore, #tpu.memory_space<semaphore_mem>>
    %dma_start3A_201 = tpu.memref_squeeze %dma_start3A_200 : memref<1x!tpu.dma_semaphore, #tpu.memory_space<semaphore_mem>> -> memref<!tpu.dma_semaphore, #tpu.memory_space<semaphore_mem>>
    %dma_start3A_202 = arith.constant 0 : i32
    %dma_start3A_203 = arith.constant 0 : i32
    %dma_start3A_204 = tpu.memref_slice %arg4[%add3A_189, %dma_start3A_202, %dma_start3A_203] : memref<4096x50x32xf32, #tpu.memory_space<hbm>> -> memref<1x50x32xf32, #tpu.memory_space<hbm>>
    %dma_start3A_205 = tpu.memref_squeeze %dma_start3A_204 : memref<1x50x32xf32, #tpu.memory_space<hbm>> -> memref<50x32xf32, #tpu.memory_space<hbm>>
    %dma_start3A_206 = arith.constant 0 : i32
    %dma_start3A_207 = arith.constant 0 : i32
    %dma_start3A_208 = tpu.memref_slice %arg6[%dma_start3A_190, %dma_start3A_206, %dma_start3A_207] : memref<8x50x32xf32, #tpu.memory_space<vmem>> -> memref<1x50x32xf32, #tpu.memory_space<vmem>>
    %dma_start3A_209 = tpu.memref_squeeze %dma_start3A_208 : memref<1x50x32xf32, #tpu.memory_space<vmem>> -> memref<50x32xf32, #tpu.memory_space<vmem>>
    tpu.enqueue_dma source(%dma_start3A_209 : memref<50x32xf32, #tpu.memory_space<vmem>>) target(%dma_start3A_205 : memref<50x32xf32, #tpu.memory_space<hbm>>) target_semaphore(%dma_start3A_201 : memref<!tpu.dma_semaphore, #tpu.memory_space<semaphore_mem>>)
    %dma_start3A_210 = arith.constant 9 : i32
    %dma_start3A_211 = arith.constant 1 : i32
    %dma_start3A_212 = arith.constant 1 : i32
    %dma_start3A_213 = arith.constant 0 : i32
    %dma_start3A_214 = arith.constant 0 : i32
    %dma_start3A_215 = tpu.memref_slice %arg6[%dma_start3A_211, %dma_start3A_213, %dma_start3A_214] : memref<8x50x32xf32, #tpu.memory_space<vmem>> -> memref<1x50x32xf32, #tpu.memory_space<vmem>>
    %dma_start3A_216 = tpu.memref_squeeze %dma_start3A_215 : memref<1x50x32xf32, #tpu.memory_space<vmem>> -> memref<50x32xf32, #tpu.memory_space<vmem>>
    %dma_start3A_217 = arith.constant 0 : i32
    %dma_start3A_218 = tpu.memref_slice %arg5[%dma_start3A_210, %dma_start3A_217] : memref<128x50xi32, #tpu.memory_space<vmem>> -> memref<1x50xi32, #tpu.memory_space<vmem>>
    %dma_start3A_219 = tpu.memref_squeeze %dma_start3A_218 : memref<1x50xi32, #tpu.memory_space<vmem>> -> memref<50xi32, #tpu.memory_space<vmem>>
    %dma_start3A_220 = arith.constant 0 : i32
    %dma_start3A_221 = arith.constant 0 : i32
    %dma_start3A_222 = tpu.memref_slice %arg2[%dma_start3A_220, %dma_start3A_221] : memref<1000000x32xf32, #tpu.memory_space<hbm>> -> memref<1000000x32xf32, #tpu.memory_space<hbm>>
    %dma_start3A_223 = tpu.memref_slice %arg7[%dma_start3A_212] : memref<8x!tpu.dma_semaphore, #tpu.memory_space<semaphore_mem>> -> memref<1x!tpu.dma_semaphore, #tpu.memory_space<semaphore_mem>>
    %dma_start3A_224 = tpu.memref_squeeze %dma_start3A_223 : memref<1x!tpu.dma_semaphore, #tpu.memory_space<semaphore_mem>> -> memref<!tpu.dma_semaphore, #tpu.memory_space<semaphore_mem>>
    tpu.enqueue_indirect_dma source(%dma_start3A_222 : memref<1000000x32xf32, #tpu.memory_space<hbm>>) target(%dma_start3A_216 : memref<50x32xf32, #tpu.memory_space<vmem>>) offsets(%dma_start3A_219 : memref<50xi32, #tpu.memory_space<vmem>>) semaphore(%dma_start3A_224 : memref<!tpu.dma_semaphore, #tpu.memory_space<semaphore_mem>>)
    %dma_wait3A_225 = arith.constant 2 : i32
    %dma_wait3A_226 = arith.constant 2 : i32
    %dma_wait3A_227 = arith.constant 2 : i32
    %dma_wait3A_228 = arith.constant 0 : i32
    %dma_wait3A_229 = arith.constant 0 : i32
    %dma_wait3A_230 = tpu.memref_slice %arg6[%dma_wait3A_226, %dma_wait3A_228, %dma_wait3A_229] : memref<8x50x32xf32, #tpu.memory_space<vmem>> -> memref<1x50x32xf32, #tpu.memory_space<vmem>>
    %dma_wait3A_231 = tpu.memref_squeeze %dma_wait3A_230 : memref<1x50x32xf32, #tpu.memory_space<vmem>> -> memref<50x32xf32, #tpu.memory_space<vmem>>
    %dma_wait3A_232 = arith.constant 0 : i32
    %dma_wait3A_233 = tpu.memref_slice %arg5[%dma_wait3A_225, %dma_wait3A_232] : memref<128x50xi32, #tpu.memory_space<vmem>> -> memref<1x50xi32, #tpu.memory_space<vmem>>
    %dma_wait3A_234 = tpu.memref_squeeze %dma_wait3A_233 : memref<1x50xi32, #tpu.memory_space<vmem>> -> memref<50xi32, #tpu.memory_space<vmem>>
    %dma_wait3A_235 = arith.constant 0 : i32
    %dma_wait3A_236 = arith.constant 0 : i32
    %dma_wait3A_237 = tpu.memref_slice %arg2[%dma_wait3A_235, %dma_wait3A_236] : memref<1000000x32xf32, #tpu.memory_space<hbm>> -> memref<1000000x32xf32, #tpu.memory_space<hbm>>
    %dma_wait3A_238 = tpu.memref_slice %arg7[%dma_wait3A_227] : memref<8x!tpu.dma_semaphore, #tpu.memory_space<semaphore_mem>> -> memref<1x!tpu.dma_semaphore, #tpu.memory_space<semaphore_mem>>
    %dma_wait3A_239 = tpu.memref_squeeze %dma_wait3A_238 : memref<1x!tpu.dma_semaphore, #tpu.memory_space<semaphore_mem>> -> memref<!tpu.dma_semaphore, #tpu.memory_space<semaphore_mem>>
    tpu.wait_indirect_dma semaphore(%dma_wait3A_239 : memref<!tpu.dma_semaphore, #tpu.memory_space<semaphore_mem>>) src(%dma_wait3A_237 : memref<1000000x32xf32, #tpu.memory_space<hbm>>) dst(%dma_wait3A_231 : memref<50x32xf32, #tpu.memory_space<vmem>>)
    %add3A_240 = arith.constant 2 : i32
    %add3A_241 = arith.addi %multiple_of3A, %add3A_240 : i32
    %dma_start3A_242 = arith.constant 2 : i32
    %dma_start3A_243 = arith.constant 2 : i32
    %dma_start3A_244 = arith.constant 0 : i32
    %dma_start3A_245 = arith.constant 0 : i32
    %dma_start3A_246 = tpu.memref_slice %arg6[%dma_start3A_242, %dma_start3A_244, %dma_start3A_245] : memref<8x50x32xf32, #tpu.memory_space<vmem>> -> memref<1x50x32xf32, #tpu.memory_space<vmem>>
    %dma_start3A_247 = tpu.memref_squeeze %dma_start3A_246 : memref<1x50x32xf32, #tpu.memory_space<vmem>> -> memref<50x32xf32, #tpu.memory_space<vmem>>
    %dma_start3A_248 = arith.constant 0 : i32
    %dma_start3A_249 = arith.constant 0 : i32
    %dma_start3A_250 = tpu.memref_slice %arg4[%add3A_241, %dma_start3A_248, %dma_start3A_249] : memref<4096x50x32xf32, #tpu.memory_space<hbm>> -> memref<1x50x32xf32, #tpu.memory_space<hbm>>
    %dma_start3A_251 = tpu.memref_squeeze %dma_start3A_250 : memref<1x50x32xf32, #tpu.memory_space<hbm>> -> memref<50x32xf32, #tpu.memory_space<hbm>>
    %dma_start3A_252 = tpu.memref_slice %arg8[%dma_start3A_243] : memref<8x!tpu.dma_semaphore, #tpu.memory_space<semaphore_mem>> -> memref<1x!tpu.dma_semaphore, #tpu.memory_space<semaphore_mem>>
    %dma_start3A_253 = tpu.memref_squeeze %dma_start3A_252 : memref<1x!tpu.dma_semaphore, #tpu.memory_space<semaphore_mem>> -> memref<!tpu.dma_semaphore, #tpu.memory_space<semaphore_mem>>
    %dma_start3A_254 = arith.constant 0 : i32
    %dma_start3A_255 = arith.constant 0 : i32
    %dma_start3A_256 = tpu.memref_slice %arg4[%add3A_241, %dma_start3A_254, %dma_start3A_255] : memref<4096x50x32xf32, #tpu.memory_space<hbm>> -> memref<1x50x32xf32, #tpu.memory_space<hbm>>
    %dma_start3A_257 = tpu.memref_squeeze %dma_start3A_256 : memref<1x50x32xf32, #tpu.memory_space<hbm>> -> memref<50x32xf32, #tpu.memory_space<hbm>>
    %dma_start3A_258 = arith.constant 0 : i32
    %dma_start3A_259 = arith.constant 0 : i32
    %dma_start3A_260 = tpu.memref_slice %arg6[%dma_start3A_242, %dma_start3A_258, %dma_start3A_259] : memref<8x50x32xf32, #tpu.memory_space<vmem>> -> memref<1x50x32xf32, #tpu.memory_space<vmem>>
    %dma_start3A_261 = tpu.memref_squeeze %dma_start3A_260 : memref<1x50x32xf32, #tpu.memory_space<vmem>> -> memref<50x32xf32, #tpu.memory_space<vmem>>
    tpu.enqueue_dma source(%dma_start3A_261 : memref<50x32xf32, #tpu.memory_space<vmem>>) target(%dma_start3A_257 : memref<50x32xf32, #tpu.memory_space<hbm>>) target_semaphore(%dma_start3A_253 : memref<!tpu.dma_semaphore, #tpu.memory_space<semaphore_mem>>)
    %dma_start3A_262 = arith.constant 10 : i32
    %dma_start3A_263 = arith.constant 2 : i32
    %dma_start3A_264 = arith.constant 2 : i32
    %dma_start3A_265 = arith.constant 0 : i32
    %dma_start3A_266 = arith.constant 0 : i32
    %dma_start3A_267 = tpu.memref_slice %arg6[%dma_start3A_263, %dma_start3A_265, %dma_start3A_266] : memref<8x50x32xf32, #tpu.memory_space<vmem>> -> memref<1x50x32xf32, #tpu.memory_space<vmem>>
    %dma_start3A_268 = tpu.memref_squeeze %dma_start3A_267 : memref<1x50x32xf32, #tpu.memory_space<vmem>> -> memref<50x32xf32, #tpu.memory_space<vmem>>
    %dma_start3A_269 = arith.constant 0 : i32
    %dma_start3A_270 = tpu.memref_slice %arg5[%dma_start3A_262, %dma_start3A_269] : memref<128x50xi32, #tpu.memory_space<vmem>> -> memref<1x50xi32, #tpu.memory_space<vmem>>
    %dma_start3A_271 = tpu.memref_squeeze %dma_start3A_270 : memref<1x50xi32, #tpu.memory_space<vmem>> -> memref<50xi32, #tpu.memory_space<vmem>>
    %dma_start3A_272 = arith.constant 0 : i32
    %dma_start3A_273 = arith.constant 0 : i32
    %dma_start3A_274 = tpu.memref_slice %arg2[%dma_start3A_272, %dma_start3A_273] : memref<1000000x32xf32, #tpu.memory_space<hbm>> -> memref<1000000x32xf32, #tpu.memory_space<hbm>>
    %dma_start3A_275 = tpu.memref_slice %arg7[%dma_start3A_264] : memref<8x!tpu.dma_semaphore, #tpu.memory_space<semaphore_mem>> -> memref<1x!tpu.dma_semaphore, #tpu.memory_space<semaphore_mem>>
    %dma_start3A_276 = tpu.memref_squeeze %dma_start3A_275 : memref<1x!tpu.dma_semaphore, #tpu.memory_space<semaphore_mem>> -> memref<!tpu.dma_semaphore, #tpu.memory_space<semaphore_mem>>
    tpu.enqueue_indirect_dma source(%dma_start3A_274 : memref<1000000x32xf32, #tpu.memory_space<hbm>>) target(%dma_start3A_268 : memref<50x32xf32, #tpu.memory_space<vmem>>) offsets(%dma_start3A_271 : memref<50xi32, #tpu.memory_space<vmem>>) semaphore(%dma_start3A_276 : memref<!tpu.dma_semaphore, #tpu.memory_space<semaphore_mem>>)
    %dma_wait3A_277 = arith.constant 3 : i32
    %dma_wait3A_278 = arith.constant 3 : i32
    %dma_wait3A_279 = arith.constant 3 : i32
    %dma_wait3A_280 = arith.constant 0 : i32
    %dma_wait3A_281 = arith.constant 0 : i32
    %dma_wait3A_282 = tpu.memref_slice %arg6[%dma_wait3A_278, %dma_wait3A_280, %dma_wait3A_281] : memref<8x50x32xf32, #tpu.memory_space<vmem>> -> memref<1x50x32xf32, #tpu.memory_space<vmem>>
    %dma_wait3A_283 = tpu.memref_squeeze %dma_wait3A_282 : memref<1x50x32xf32, #tpu.memory_space<vmem>> -> memref<50x32xf32, #tpu.memory_space<vmem>>
    %dma_wait3A_284 = arith.constant 0 : i32
    %dma_wait3A_285 = tpu.memref_slice %arg5[%dma_wait3A_277, %dma_wait3A_284] : memref<128x50xi32, #tpu.memory_space<vmem>> -> memref<1x50xi32, #tpu.memory_space<vmem>>
    %dma_wait3A_286 = tpu.memref_squeeze %dma_wait3A_285 : memref<1x50xi32, #tpu.memory_space<vmem>> -> memref<50xi32, #tpu.memory_space<vmem>>
    %dma_wait3A_287 = arith.constant 0 : i32
    %dma_wait3A_288 = arith.constant 0 : i32
    %dma_wait3A_289 = tpu.memref_slice %arg2[%dma_wait3A_287, %dma_wait3A_288] : memref<1000000x32xf32, #tpu.memory_space<hbm>> -> memref<1000000x32xf32, #tpu.memory_space<hbm>>
    %dma_wait3A_290 = tpu.memref_slice %arg7[%dma_wait3A_279] : memref<8x!tpu.dma_semaphore, #tpu.memory_space<semaphore_mem>> -> memref<1x!tpu.dma_semaphore, #tpu.memory_space<semaphore_mem>>
    %dma_wait3A_291 = tpu.memref_squeeze %dma_wait3A_290 : memref<1x!tpu.dma_semaphore, #tpu.memory_space<semaphore_mem>> -> memref<!tpu.dma_semaphore, #tpu.memory_space<semaphore_mem>>
    tpu.wait_indirect_dma semaphore(%dma_wait3A_291 : memref<!tpu.dma_semaphore, #tpu.memory_space<semaphore_mem>>) src(%dma_wait3A_289 : memref<1000000x32xf32, #tpu.memory_space<hbm>>) dst(%dma_wait3A_283 : memref<50x32xf32, #tpu.memory_space<vmem>>)
    %add3A_292 = arith.constant 3 : i32
    %add3A_293 = arith.addi %multiple_of3A, %add3A_292 : i32
    %dma_start3A_294 = arith.constant 3 : i32
    %dma_start3A_295 = arith.constant 3 : i32
    %dma_start3A_296 = arith.constant 0 : i32
    %dma_start3A_297 = arith.constant 0 : i32
    %dma_start3A_298 = tpu.memref_slice %arg6[%dma_start3A_294, %dma_start3A_296, %dma_start3A_297] : memref<8x50x32xf32, #tpu.memory_space<vmem>> -> memref<1x50x32xf32, #tpu.memory_space<vmem>>
    %dma_start3A_299 = tpu.memref_squeeze %dma_start3A_298 : memref<1x50x32xf32, #tpu.memory_space<vmem>> -> memref<50x32xf32, #tpu.memory_space<vmem>>
    %dma_start3A_300 = arith.constant 0 : i32
    %dma_start3A_301 = arith.constant 0 : i32
    %dma_start3A_302 = tpu.memref_slice %arg4[%add3A_293, %dma_start3A_300, %dma_start3A_301] : memref<4096x50x32xf32, #tpu.memory_space<hbm>> -> memref<1x50x32xf32, #tpu.memory_space<hbm>>
    %dma_start3A_303 = tpu.memref_squeeze %dma_start3A_302 : memref<1x50x32xf32, #tpu.memory_space<hbm>> -> memref<50x32xf32, #tpu.memory_space<hbm>>
    %dma_start3A_304 = tpu.memref_slice %arg8[%dma_start3A_295] : memref<8x!tpu.dma_semaphore, #tpu.memory_space<semaphore_mem>> -> memref<1x!tpu.dma_semaphore, #tpu.memory_space<semaphore_mem>>
    %dma_start3A_305 = tpu.memref_squeeze %dma_start3A_304 : memref<1x!tpu.dma_semaphore, #tpu.memory_space<semaphore_mem>> -> memref<!tpu.dma_semaphore, #tpu.memory_space<semaphore_mem>>
    %dma_start3A_306 = arith.constant 0 : i32
    %dma_start3A_307 = arith.constant 0 : i32
    %dma_start3A_308 = tpu.memref_slice %arg4[%add3A_293, %dma_start3A_306, %dma_start3A_307] : memref<4096x50x32xf32, #tpu.memory_space<hbm>> -> memref<1x50x32xf32, #tpu.memory_space<hbm>>
    %dma_start3A_309 = tpu.memref_squeeze %dma_start3A_308 : memref<1x50x32xf32, #tpu.memory_space<hbm>> -> memref<50x32xf32, #tpu.memory_space<hbm>>
    %dma_start3A_310 = arith.constant 0 : i32
    %dma_start3A_311 = arith.constant 0 : i32
    %dma_start3A_312 = tpu.memref_slice %arg6[%dma_start3A_294, %dma_start3A_310, %dma_start3A_311] : memref<8x50x32xf32, #tpu.memory_space<vmem>> -> memref<1x50x32xf32, #tpu.memory_space<vmem>>
    %dma_start3A_313 = tpu.memref_squeeze %dma_start3A_312 : memref<1x50x32xf32, #tpu.memory_space<vmem>> -> memref<50x32xf32, #tpu.memory_space<vmem>>
    tpu.enqueue_dma source(%dma_start3A_313 : memref<50x32xf32, #tpu.memory_space<vmem>>) target(%dma_start3A_309 : memref<50x32xf32, #tpu.memory_space<hbm>>) target_semaphore(%dma_start3A_305 : memref<!tpu.dma_semaphore, #tpu.memory_space<semaphore_mem>>)
    %dma_start3A_314 = arith.constant 11 : i32
    %dma_start3A_315 = arith.constant 3 : i32
    %dma_start3A_316 = arith.constant 3 : i32
    %dma_start3A_317 = arith.constant 0 : i32
    %dma_start3A_318 = arith.constant 0 : i32
    %dma_start3A_319 = tpu.memref_slice %arg6[%dma_start3A_315, %dma_start3A_317, %dma_start3A_318] : memref<8x50x32xf32, #tpu.memory_space<vmem>> -> memref<1x50x32xf32, #tpu.memory_space<vmem>>
    %dma_start3A_320 = tpu.memref_squeeze %dma_start3A_319 : memref<1x50x32xf32, #tpu.memory_space<vmem>> -> memref<50x32xf32, #tpu.memory_space<vmem>>
    %dma_start3A_321 = arith.constant 0 : i32
    %dma_start3A_322 = tpu.memref_slice %arg5[%dma_start3A_314, %dma_start3A_321] : memref<128x50xi32, #tpu.memory_space<vmem>> -> memref<1x50xi32, #tpu.memory_space<vmem>>
    %dma_start3A_323 = tpu.memref_squeeze %dma_start3A_322 : memref<1x50xi32, #tpu.memory_space<vmem>> -> memref<50xi32, #tpu.memory_space<vmem>>
    %dma_start3A_324 = arith.constant 0 : i32
    %dma_start3A_325 = arith.constant 0 : i32
    %dma_start3A_326 = tpu.memref_slice %arg2[%dma_start3A_324, %dma_start3A_325] : memref<1000000x32xf32, #tpu.memory_space<hbm>> -> memref<1000000x32xf32, #tpu.memory_space<hbm>>
    %dma_start3A_327 = tpu.memref_slice %arg7[%dma_start3A_316] : memref<8x!tpu.dma_semaphore, #tpu.memory_space<semaphore_mem>> -> memref<1x!tpu.dma_semaphore, #tpu.memory_space<semaphore_mem>>
    %dma_start3A_328 = tpu.memref_squeeze %dma_start3A_327 : memref<1x!tpu.dma_semaphore, #tpu.memory_space<semaphore_mem>> -> memref<!tpu.dma_semaphore, #tpu.memory_space<semaphore_mem>>
    tpu.enqueue_indirect_dma source(%dma_start3A_326 : memref<1000000x32xf32, #tpu.memory_space<hbm>>) target(%dma_start3A_320 : memref<50x32xf32, #tpu.memory_space<vmem>>) offsets(%dma_start3A_323 : memref<50xi32, #tpu.memory_space<vmem>>) semaphore(%dma_start3A_328 : memref<!tpu.dma_semaphore, #tpu.memory_space<semaphore_mem>>)
    %dma_wait3A_329 = arith.constant 4 : i32
    %dma_wait3A_330 = arith.constant 4 : i32
    %dma_wait3A_331 = arith.constant 4 : i32
    %dma_wait3A_332 = arith.constant 0 : i32
    %dma_wait3A_333 = arith.constant 0 : i32
    %dma_wait3A_334 = tpu.memref_slice %arg6[%dma_wait3A_330, %dma_wait3A_332, %dma_wait3A_333] : memref<8x50x32xf32, #tpu.memory_space<vmem>> -> memref<1x50x32xf32, #tpu.memory_space<vmem>>
    %dma_wait3A_335 = tpu.memref_squeeze %dma_wait3A_334 : memref<1x50x32xf32, #tpu.memory_space<vmem>> -> memref<50x32xf32, #tpu.memory_space<vmem>>
    %dma_wait3A_336 = arith.constant 0 : i32
    %dma_wait3A_337 = tpu.memref_slice %arg5[%dma_wait3A_329, %dma_wait3A_336] : memref<128x50xi32, #tpu.memory_space<vmem>> -> memref<1x50xi32, #tpu.memory_space<vmem>>
    %dma_wait3A_338 = tpu.memref_squeeze %dma_wait3A_337 : memref<1x50xi32, #tpu.memory_space<vmem>> -> memref<50xi32, #tpu.memory_space<vmem>>
    %dma_wait3A_339 = arith.constant 0 : i32
    %dma_wait3A_340 = arith.constant 0 : i32
    %dma_wait3A_341 = tpu.memref_slice %arg2[%dma_wait3A_339, %dma_wait3A_340] : memref<1000000x32xf32, #tpu.memory_space<hbm>> -> memref<1000000x32xf32, #tpu.memory_space<hbm>>
    %dma_wait3A_342 = tpu.memref_slice %arg7[%dma_wait3A_331] : memref<8x!tpu.dma_semaphore, #tpu.memory_space<semaphore_mem>> -> memref<1x!tpu.dma_semaphore, #tpu.memory_space<semaphore_mem>>
    %dma_wait3A_343 = tpu.memref_squeeze %dma_wait3A_342 : memref<1x!tpu.dma_semaphore, #tpu.memory_space<semaphore_mem>> -> memref<!tpu.dma_semaphore, #tpu.memory_space<semaphore_mem>>
    tpu.wait_indirect_dma semaphore(%dma_wait3A_343 : memref<!tpu.dma_semaphore, #tpu.memory_space<semaphore_mem>>) src(%dma_wait3A_341 : memref<1000000x32xf32, #tpu.memory_space<hbm>>) dst(%dma_wait3A_335 : memref<50x32xf32, #tpu.memory_space<vmem>>)
    %add3A_344 = arith.constant 4 : i32
    %add3A_345 = arith.addi %multiple_of3A, %add3A_344 : i32
    %dma_start3A_346 = arith.constant 4 : i32
    %dma_start3A_347 = arith.constant 4 : i32
    %dma_start3A_348 = arith.constant 0 : i32
    %dma_start3A_349 = arith.constant 0 : i32
    %dma_start3A_350 = tpu.memref_slice %arg6[%dma_start3A_346, %dma_start3A_348, %dma_start3A_349] : memref<8x50x32xf32, #tpu.memory_space<vmem>> -> memref<1x50x32xf32, #tpu.memory_space<vmem>>
    %dma_start3A_351 = tpu.memref_squeeze %dma_start3A_350 : memref<1x50x32xf32, #tpu.memory_space<vmem>> -> memref<50x32xf32, #tpu.memory_space<vmem>>
    %dma_start3A_352 = arith.constant 0 : i32
    %dma_start3A_353 = arith.constant 0 : i32
    %dma_start3A_354 = tpu.memref_slice %arg4[%add3A_345, %dma_start3A_352, %dma_start3A_353] : memref<4096x50x32xf32, #tpu.memory_space<hbm>> -> memref<1x50x32xf32, #tpu.memory_space<hbm>>
    %dma_start3A_355 = tpu.memref_squeeze %dma_start3A_354 : memref<1x50x32xf32, #tpu.memory_space<hbm>> -> memref<50x32xf32, #tpu.memory_space<hbm>>
    %dma_start3A_356 = tpu.memref_slice %arg8[%dma_start3A_347] : memref<8x!tpu.dma_semaphore, #tpu.memory_space<semaphore_mem>> -> memref<1x!tpu.dma_semaphore, #tpu.memory_space<semaphore_mem>>
    %dma_start3A_357 = tpu.memref_squeeze %dma_start3A_356 : memref<1x!tpu.dma_semaphore, #tpu.memory_space<semaphore_mem>> -> memref<!tpu.dma_semaphore, #tpu.memory_space<semaphore_mem>>
    %dma_start3A_358 = arith.constant 0 : i32
    %dma_start3A_359 = arith.constant 0 : i32
    %dma_start3A_360 = tpu.memref_slice %arg4[%add3A_345, %dma_start3A_358, %dma_start3A_359] : memref<4096x50x32xf32, #tpu.memory_space<hbm>> -> memref<1x50x32xf32, #tpu.memory_space<hbm>>
    %dma_start3A_361 = tpu.memref_squeeze %dma_start3A_360 : memref<1x50x32xf32, #tpu.memory_space<hbm>> -> memref<50x32xf32, #tpu.memory_space<hbm>>
    %dma_start3A_362 = arith.constant 0 : i32
    %dma_start3A_363 = arith.constant 0 : i32
    %dma_start3A_364 = tpu.memref_slice %arg6[%dma_start3A_346, %dma_start3A_362, %dma_start3A_363] : memref<8x50x32xf32, #tpu.memory_space<vmem>> -> memref<1x50x32xf32, #tpu.memory_space<vmem>>
    %dma_start3A_365 = tpu.memref_squeeze %dma_start3A_364 : memref<1x50x32xf32, #tpu.memory_space<vmem>> -> memref<50x32xf32, #tpu.memory_space<vmem>>
    tpu.enqueue_dma source(%dma_start3A_365 : memref<50x32xf32, #tpu.memory_space<vmem>>) target(%dma_start3A_361 : memref<50x32xf32, #tpu.memory_space<hbm>>) target_semaphore(%dma_start3A_357 : memref<!tpu.dma_semaphore, #tpu.memory_space<semaphore_mem>>)
    %dma_start3A_366 = arith.constant 12 : i32
    %dma_start3A_367 = arith.constant 4 : i32
    %dma_start3A_368 = arith.constant 4 : i32
    %dma_start3A_369 = arith.constant 0 : i32
    %dma_start3A_370 = arith.constant 0 : i32
    %dma_start3A_371 = tpu.memref_slice %arg6[%dma_start3A_367, %dma_start3A_369, %dma_start3A_370] : memref<8x50x32xf32, #tpu.memory_space<vmem>> -> memref<1x50x32xf32, #tpu.memory_space<vmem>>
    %dma_start3A_372 = tpu.memref_squeeze %dma_start3A_371 : memref<1x50x32xf32, #tpu.memory_space<vmem>> -> memref<50x32xf32, #tpu.memory_space<vmem>>
    %dma_start3A_373 = arith.constant 0 : i32
    %dma_start3A_374 = tpu.memref_slice %arg5[%dma_start3A_366, %dma_start3A_373] : memref<128x50xi32, #tpu.memory_space<vmem>> -> memref<1x50xi32, #tpu.memory_space<vmem>>
    %dma_start3A_375 = tpu.memref_squeeze %dma_start3A_374 : memref<1x50xi32, #tpu.memory_space<vmem>> -> memref<50xi32, #tpu.memory_space<vmem>>
    %dma_start3A_376 = arith.constant 0 : i32
    %dma_start3A_377 = arith.constant 0 : i32
    %dma_start3A_378 = tpu.memref_slice %arg2[%dma_start3A_376, %dma_start3A_377] : memref<1000000x32xf32, #tpu.memory_space<hbm>> -> memref<1000000x32xf32, #tpu.memory_space<hbm>>
    %dma_start3A_379 = tpu.memref_slice %arg7[%dma_start3A_368] : memref<8x!tpu.dma_semaphore, #tpu.memory_space<semaphore_mem>> -> memref<1x!tpu.dma_semaphore, #tpu.memory_space<semaphore_mem>>
    %dma_start3A_380 = tpu.memref_squeeze %dma_start3A_379 : memref<1x!tpu.dma_semaphore, #tpu.memory_space<semaphore_mem>> -> memref<!tpu.dma_semaphore, #tpu.memory_space<semaphore_mem>>
    tpu.enqueue_indirect_dma source(%dma_start3A_378 : memref<1000000x32xf32, #tpu.memory_space<hbm>>) target(%dma_start3A_372 : memref<50x32xf32, #tpu.memory_space<vmem>>) offsets(%dma_start3A_375 : memref<50xi32, #tpu.memory_space<vmem>>) semaphore(%dma_start3A_380 : memref<!tpu.dma_semaphore, #tpu.memory_space<semaphore_mem>>)
    %dma_wait3A_381 = arith.constant 5 : i32
    %dma_wait3A_382 = arith.constant 5 : i32
    %dma_wait3A_383 = arith.constant 5 : i32
    %dma_wait3A_384 = arith.constant 0 : i32
    %dma_wait3A_385 = arith.constant 0 : i32
    %dma_wait3A_386 = tpu.memref_slice %arg6[%dma_wait3A_382, %dma_wait3A_384, %dma_wait3A_385] : memref<8x50x32xf32, #tpu.memory_space<vmem>> -> memref<1x50x32xf32, #tpu.memory_space<vmem>>
    %dma_wait3A_387 = tpu.memref_squeeze %dma_wait3A_386 : memref<1x50x32xf32, #tpu.memory_space<vmem>> -> memref<50x32xf32, #tpu.memory_space<vmem>>
    %dma_wait3A_388 = arith.constant 0 : i32
    %dma_wait3A_389 = tpu.memref_slice %arg5[%dma_wait3A_381, %dma_wait3A_388] : memref<128x50xi32, #tpu.memory_space<vmem>> -> memref<1x50xi32, #tpu.memory_space<vmem>>
    %dma_wait3A_390 = tpu.memref_squeeze %dma_wait3A_389 : memref<1x50xi32, #tpu.memory_space<vmem>> -> memref<50xi32, #tpu.memory_space<vmem>>
    %dma_wait3A_391 = arith.constant 0 : i32
    %dma_wait3A_392 = arith.constant 0 : i32
    %dma_wait3A_393 = tpu.memref_slice %arg2[%dma_wait3A_391, %dma_wait3A_392] : memref<1000000x32xf32, #tpu.memory_space<hbm>> -> memref<1000000x32xf32, #tpu.memory_space<hbm>>
    %dma_wait3A_394 = tpu.memref_slice %arg7[%dma_wait3A_383] : memref<8x!tpu.dma_semaphore, #tpu.memory_space<semaphore_mem>> -> memref<1x!tpu.dma_semaphore, #tpu.memory_space<semaphore_mem>>
    %dma_wait3A_395 = tpu.memref_squeeze %dma_wait3A_394 : memref<1x!tpu.dma_semaphore, #tpu.memory_space<semaphore_mem>> -> memref<!tpu.dma_semaphore, #tpu.memory_space<semaphore_mem>>
    tpu.wait_indirect_dma semaphore(%dma_wait3A_395 : memref<!tpu.dma_semaphore, #tpu.memory_space<semaphore_mem>>) src(%dma_wait3A_393 : memref<1000000x32xf32, #tpu.memory_space<hbm>>) dst(%dma_wait3A_387 : memref<50x32xf32, #tpu.memory_space<vmem>>)
    %add3A_396 = arith.constant 5 : i32
    %add3A_397 = arith.addi %multiple_of3A, %add3A_396 : i32
    %dma_start3A_398 = arith.constant 5 : i32
    %dma_start3A_399 = arith.constant 5 : i32
    %dma_start3A_400 = arith.constant 0 : i32
    %dma_start3A_401 = arith.constant 0 : i32
    %dma_start3A_402 = tpu.memref_slice %arg6[%dma_start3A_398, %dma_start3A_400, %dma_start3A_401] : memref<8x50x32xf32, #tpu.memory_space<vmem>> -> memref<1x50x32xf32, #tpu.memory_space<vmem>>
    %dma_start3A_403 = tpu.memref_squeeze %dma_start3A_402 : memref<1x50x32xf32, #tpu.memory_space<vmem>> -> memref<50x32xf32, #tpu.memory_space<vmem>>
    %dma_start3A_404 = arith.constant 0 : i32
    %dma_start3A_405 = arith.constant 0 : i32
    %dma_start3A_406 = tpu.memref_slice %arg4[%add3A_397, %dma_start3A_404, %dma_start3A_405] : memref<4096x50x32xf32, #tpu.memory_space<hbm>> -> memref<1x50x32xf32, #tpu.memory_space<hbm>>
    %dma_start3A_407 = tpu.memref_squeeze %dma_start3A_406 : memref<1x50x32xf32, #tpu.memory_space<hbm>> -> memref<50x32xf32, #tpu.memory_space<hbm>>
    %dma_start3A_408 = tpu.memref_slice %arg8[%dma_start3A_399] : memref<8x!tpu.dma_semaphore, #tpu.memory_space<semaphore_mem>> -> memref<1x!tpu.dma_semaphore, #tpu.memory_space<semaphore_mem>>
    %dma_start3A_409 = tpu.memref_squeeze %dma_start3A_408 : memref<1x!tpu.dma_semaphore, #tpu.memory_space<semaphore_mem>> -> memref<!tpu.dma_semaphore, #tpu.memory_space<semaphore_mem>>
    %dma_start3A_410 = arith.constant 0 : i32
    %dma_start3A_411 = arith.constant 0 : i32
    %dma_start3A_412 = tpu.memref_slice %arg4[%add3A_397, %dma_start3A_410, %dma_start3A_411] : memref<4096x50x32xf32, #tpu.memory_space<hbm>> -> memref<1x50x32xf32, #tpu.memory_space<hbm>>
    %dma_start3A_413 = tpu.memref_squeeze %dma_start3A_412 : memref<1x50x32xf32, #tpu.memory_space<hbm>> -> memref<50x32xf32, #tpu.memory_space<hbm>>
    %dma_start3A_414 = arith.constant 0 : i32
    %dma_start3A_415 = arith.constant 0 : i32
    %dma_start3A_416 = tpu.memref_slice %arg6[%dma_start3A_398, %dma_start3A_414, %dma_start3A_415] : memref<8x50x32xf32, #tpu.memory_space<vmem>> -> memref<1x50x32xf32, #tpu.memory_space<vmem>>
    %dma_start3A_417 = tpu.memref_squeeze %dma_start3A_416 : memref<1x50x32xf32, #tpu.memory_space<vmem>> -> memref<50x32xf32, #tpu.memory_space<vmem>>
    tpu.enqueue_dma source(%dma_start3A_417 : memref<50x32xf32, #tpu.memory_space<vmem>>) target(%dma_start3A_413 : memref<50x32xf32, #tpu.memory_space<hbm>>) target_semaphore(%dma_start3A_409 : memref<!tpu.dma_semaphore, #tpu.memory_space<semaphore_mem>>)
    %dma_start3A_418 = arith.constant 13 : i32
    %dma_start3A_419 = arith.constant 5 : i32
    %dma_start3A_420 = arith.constant 5 : i32
    %dma_start3A_421 = arith.constant 0 : i32
    %dma_start3A_422 = arith.constant 0 : i32
    %dma_start3A_423 = tpu.memref_slice %arg6[%dma_start3A_419, %dma_start3A_421, %dma_start3A_422] : memref<8x50x32xf32, #tpu.memory_space<vmem>> -> memref<1x50x32xf32, #tpu.memory_space<vmem>>
    %dma_start3A_424 = tpu.memref_squeeze %dma_start3A_423 : memref<1x50x32xf32, #tpu.memory_space<vmem>> -> memref<50x32xf32, #tpu.memory_space<vmem>>
    %dma_start3A_425 = arith.constant 0 : i32
    %dma_start3A_426 = tpu.memref_slice %arg5[%dma_start3A_418, %dma_start3A_425] : memref<128x50xi32, #tpu.memory_space<vmem>> -> memref<1x50xi32, #tpu.memory_space<vmem>>
    %dma_start3A_427 = tpu.memref_squeeze %dma_start3A_426 : memref<1x50xi32, #tpu.memory_space<vmem>> -> memref<50xi32, #tpu.memory_space<vmem>>
    %dma_start3A_428 = arith.constant 0 : i32
    %dma_start3A_429 = arith.constant 0 : i32
    %dma_start3A_430 = tpu.memref_slice %arg2[%dma_start3A_428, %dma_start3A_429] : memref<1000000x32xf32, #tpu.memory_space<hbm>> -> memref<1000000x32xf32, #tpu.memory_space<hbm>>
    %dma_start3A_431 = tpu.memref_slice %arg7[%dma_start3A_420] : memref<8x!tpu.dma_semaphore, #tpu.memory_space<semaphore_mem>> -> memref<1x!tpu.dma_semaphore, #tpu.memory_space<semaphore_mem>>
    %dma_start3A_432 = tpu.memref_squeeze %dma_start3A_431 : memref<1x!tpu.dma_semaphore, #tpu.memory_space<semaphore_mem>> -> memref<!tpu.dma_semaphore, #tpu.memory_space<semaphore_mem>>
    tpu.enqueue_indirect_dma source(%dma_start3A_430 : memref<1000000x32xf32, #tpu.memory_space<hbm>>) target(%dma_start3A_424 : memref<50x32xf32, #tpu.memory_space<vmem>>) offsets(%dma_start3A_427 : memref<50xi32, #tpu.memory_space<vmem>>) semaphore(%dma_start3A_432 : memref<!tpu.dma_semaphore, #tpu.memory_space<semaphore_mem>>)
    %dma_wait3A_433 = arith.constant 6 : i32
    %dma_wait3A_434 = arith.constant 6 : i32
    %dma_wait3A_435 = arith.constant 6 : i32
    %dma_wait3A_436 = arith.constant 0 : i32
    %dma_wait3A_437 = arith.constant 0 : i32
    %dma_wait3A_438 = tpu.memref_slice %arg6[%dma_wait3A_434, %dma_wait3A_436, %dma_wait3A_437] : memref<8x50x32xf32, #tpu.memory_space<vmem>> -> memref<1x50x32xf32, #tpu.memory_space<vmem>>
    %dma_wait3A_439 = tpu.memref_squeeze %dma_wait3A_438 : memref<1x50x32xf32, #tpu.memory_space<vmem>> -> memref<50x32xf32, #tpu.memory_space<vmem>>
    %dma_wait3A_440 = arith.constant 0 : i32
    %dma_wait3A_441 = tpu.memref_slice %arg5[%dma_wait3A_433, %dma_wait3A_440] : memref<128x50xi32, #tpu.memory_space<vmem>> -> memref<1x50xi32, #tpu.memory_space<vmem>>
    %dma_wait3A_442 = tpu.memref_squeeze %dma_wait3A_441 : memref<1x50xi32, #tpu.memory_space<vmem>> -> memref<50xi32, #tpu.memory_space<vmem>>
    %dma_wait3A_443 = arith.constant 0 : i32
    %dma_wait3A_444 = arith.constant 0 : i32
    %dma_wait3A_445 = tpu.memref_slice %arg2[%dma_wait3A_443, %dma_wait3A_444] : memref<1000000x32xf32, #tpu.memory_space<hbm>> -> memref<1000000x32xf32, #tpu.memory_space<hbm>>
    %dma_wait3A_446 = tpu.memref_slice %arg7[%dma_wait3A_435] : memref<8x!tpu.dma_semaphore, #tpu.memory_space<semaphore_mem>> -> memref<1x!tpu.dma_semaphore, #tpu.memory_space<semaphore_mem>>
    %dma_wait3A_447 = tpu.memref_squeeze %dma_wait3A_446 : memref<1x!tpu.dma_semaphore, #tpu.memory_space<semaphore_mem>> -> memref<!tpu.dma_semaphore, #tpu.memory_space<semaphore_mem>>
    tpu.wait_indirect_dma semaphore(%dma_wait3A_447 : memref<!tpu.dma_semaphore, #tpu.memory_space<semaphore_mem>>) src(%dma_wait3A_445 : memref<1000000x32xf32, #tpu.memory_space<hbm>>) dst(%dma_wait3A_439 : memref<50x32xf32, #tpu.memory_space<vmem>>)
    %add3A_448 = arith.constant 6 : i32
    %add3A_449 = arith.addi %multiple_of3A, %add3A_448 : i32
    %dma_start3A_450 = arith.constant 6 : i32
    %dma_start3A_451 = arith.constant 6 : i32
    %dma_start3A_452 = arith.constant 0 : i32
    %dma_start3A_453 = arith.constant 0 : i32
    %dma_start3A_454 = tpu.memref_slice %arg6[%dma_start3A_450, %dma_start3A_452, %dma_start3A_453] : memref<8x50x32xf32, #tpu.memory_space<vmem>> -> memref<1x50x32xf32, #tpu.memory_space<vmem>>
    %dma_start3A_455 = tpu.memref_squeeze %dma_start3A_454 : memref<1x50x32xf32, #tpu.memory_space<vmem>> -> memref<50x32xf32, #tpu.memory_space<vmem>>
    %dma_start3A_456 = arith.constant 0 : i32
    %dma_start3A_457 = arith.constant 0 : i32
    %dma_start3A_458 = tpu.memref_slice %arg4[%add3A_449, %dma_start3A_456, %dma_start3A_457] : memref<4096x50x32xf32, #tpu.memory_space<hbm>> -> memref<1x50x32xf32, #tpu.memory_space<hbm>>
    %dma_start3A_459 = tpu.memref_squeeze %dma_start3A_458 : memref<1x50x32xf32, #tpu.memory_space<hbm>> -> memref<50x32xf32, #tpu.memory_space<hbm>>
    %dma_start3A_460 = tpu.memref_slice %arg8[%dma_start3A_451] : memref<8x!tpu.dma_semaphore, #tpu.memory_space<semaphore_mem>> -> memref<1x!tpu.dma_semaphore, #tpu.memory_space<semaphore_mem>>
    %dma_start3A_461 = tpu.memref_squeeze %dma_start3A_460 : memref<1x!tpu.dma_semaphore, #tpu.memory_space<semaphore_mem>> -> memref<!tpu.dma_semaphore, #tpu.memory_space<semaphore_mem>>
    %dma_start3A_462 = arith.constant 0 : i32
    %dma_start3A_463 = arith.constant 0 : i32
    %dma_start3A_464 = tpu.memref_slice %arg4[%add3A_449, %dma_start3A_462, %dma_start3A_463] : memref<4096x50x32xf32, #tpu.memory_space<hbm>> -> memref<1x50x32xf32, #tpu.memory_space<hbm>>
    %dma_start3A_465 = tpu.memref_squeeze %dma_start3A_464 : memref<1x50x32xf32, #tpu.memory_space<hbm>> -> memref<50x32xf32, #tpu.memory_space<hbm>>
    %dma_start3A_466 = arith.constant 0 : i32
    %dma_start3A_467 = arith.constant 0 : i32
    %dma_start3A_468 = tpu.memref_slice %arg6[%dma_start3A_450, %dma_start3A_466, %dma_start3A_467] : memref<8x50x32xf32, #tpu.memory_space<vmem>> -> memref<1x50x32xf32, #tpu.memory_space<vmem>>
    %dma_start3A_469 = tpu.memref_squeeze %dma_start3A_468 : memref<1x50x32xf32, #tpu.memory_space<vmem>> -> memref<50x32xf32, #tpu.memory_space<vmem>>
    tpu.enqueue_dma source(%dma_start3A_469 : memref<50x32xf32, #tpu.memory_space<vmem>>) target(%dma_start3A_465 : memref<50x32xf32, #tpu.memory_space<hbm>>) target_semaphore(%dma_start3A_461 : memref<!tpu.dma_semaphore, #tpu.memory_space<semaphore_mem>>)
    %dma_start3A_470 = arith.constant 14 : i32
    %dma_start3A_471 = arith.constant 6 : i32
    %dma_start3A_472 = arith.constant 6 : i32
    %dma_start3A_473 = arith.constant 0 : i32
    %dma_start3A_474 = arith.constant 0 : i32
    %dma_start3A_475 = tpu.memref_slice %arg6[%dma_start3A_471, %dma_start3A_473, %dma_start3A_474] : memref<8x50x32xf32, #tpu.memory_space<vmem>> -> memref<1x50x32xf32, #tpu.memory_space<vmem>>
    %dma_start3A_476 = tpu.memref_squeeze %dma_start3A_475 : memref<1x50x32xf32, #tpu.memory_space<vmem>> -> memref<50x32xf32, #tpu.memory_space<vmem>>
    %dma_start3A_477 = arith.constant 0 : i32
    %dma_start3A_478 = tpu.memref_slice %arg5[%dma_start3A_470, %dma_start3A_477] : memref<128x50xi32, #tpu.memory_space<vmem>> -> memref<1x50xi32, #tpu.memory_space<vmem>>
    %dma_start3A_479 = tpu.memref_squeeze %dma_start3A_478 : memref<1x50xi32, #tpu.memory_space<vmem>> -> memref<50xi32, #tpu.memory_space<vmem>>
    %dma_start3A_480 = arith.constant 0 : i32
    %dma_start3A_481 = arith.constant 0 : i32
    %dma_start3A_482 = tpu.memref_slice %arg2[%dma_start3A_480, %dma_start3A_481] : memref<1000000x32xf32, #tpu.memory_space<hbm>> -> memref<1000000x32xf32, #tpu.memory_space<hbm>>
    %dma_start3A_483 = tpu.memref_slice %arg7[%dma_start3A_472] : memref<8x!tpu.dma_semaphore, #tpu.memory_space<semaphore_mem>> -> memref<1x!tpu.dma_semaphore, #tpu.memory_space<semaphore_mem>>
    %dma_start3A_484 = tpu.memref_squeeze %dma_start3A_483 : memref<1x!tpu.dma_semaphore, #tpu.memory_space<semaphore_mem>> -> memref<!tpu.dma_semaphore, #tpu.memory_space<semaphore_mem>>
    tpu.enqueue_indirect_dma source(%dma_start3A_482 : memref<1000000x32xf32, #tpu.memory_space<hbm>>) target(%dma_start3A_476 : memref<50x32xf32, #tpu.memory_space<vmem>>) offsets(%dma_start3A_479 : memref<50xi32, #tpu.memory_space<vmem>>) semaphore(%dma_start3A_484 : memref<!tpu.dma_semaphore, #tpu.memory_space<semaphore_mem>>)
    %dma_wait3A_485 = arith.constant 7 : i32
    %dma_wait3A_486 = arith.constant 7 : i32
    %dma_wait3A_487 = arith.constant 7 : i32
    %dma_wait3A_488 = arith.constant 0 : i32
    %dma_wait3A_489 = arith.constant 0 : i32
    %dma_wait3A_490 = tpu.memref_slice %arg6[%dma_wait3A_486, %dma_wait3A_488, %dma_wait3A_489] : memref<8x50x32xf32, #tpu.memory_space<vmem>> -> memref<1x50x32xf32, #tpu.memory_space<vmem>>
    %dma_wait3A_491 = tpu.memref_squeeze %dma_wait3A_490 : memref<1x50x32xf32, #tpu.memory_space<vmem>> -> memref<50x32xf32, #tpu.memory_space<vmem>>
    %dma_wait3A_492 = arith.constant 0 : i32
    %dma_wait3A_493 = tpu.memref_slice %arg5[%dma_wait3A_485, %dma_wait3A_492] : memref<128x50xi32, #tpu.memory_space<vmem>> -> memref<1x50xi32, #tpu.memory_space<vmem>>
    %dma_wait3A_494 = tpu.memref_squeeze %dma_wait3A_493 : memref<1x50xi32, #tpu.memory_space<vmem>> -> memref<50xi32, #tpu.memory_space<vmem>>
    %dma_wait3A_495 = arith.constant 0 : i32
    %dma_wait3A_496 = arith.constant 0 : i32
    %dma_wait3A_497 = tpu.memref_slice %arg2[%dma_wait3A_495, %dma_wait3A_496] : memref<1000000x32xf32, #tpu.memory_space<hbm>> -> memref<1000000x32xf32, #tpu.memory_space<hbm>>
    %dma_wait3A_498 = tpu.memref_slice %arg7[%dma_wait3A_487] : memref<8x!tpu.dma_semaphore, #tpu.memory_space<semaphore_mem>> -> memref<1x!tpu.dma_semaphore, #tpu.memory_space<semaphore_mem>>
    %dma_wait3A_499 = tpu.memref_squeeze %dma_wait3A_498 : memref<1x!tpu.dma_semaphore, #tpu.memory_space<semaphore_mem>> -> memref<!tpu.dma_semaphore, #tpu.memory_space<semaphore_mem>>
    tpu.wait_indirect_dma semaphore(%dma_wait3A_499 : memref<!tpu.dma_semaphore, #tpu.memory_space<semaphore_mem>>) src(%dma_wait3A_497 : memref<1000000x32xf32, #tpu.memory_space<hbm>>) dst(%dma_wait3A_491 : memref<50x32xf32, #tpu.memory_space<vmem>>)
    %add3A_500 = arith.constant 7 : i32
    %add3A_501 = arith.addi %multiple_of3A, %add3A_500 : i32
    %dma_start3A_502 = arith.constant 7 : i32
    %dma_start3A_503 = arith.constant 7 : i32
    %dma_start3A_504 = arith.constant 0 : i32
    %dma_start3A_505 = arith.constant 0 : i32
    %dma_start3A_506 = tpu.memref_slice %arg6[%dma_start3A_502, %dma_start3A_504, %dma_start3A_505] : memref<8x50x32xf32, #tpu.memory_space<vmem>> -> memref<1x50x32xf32, #tpu.memory_space<vmem>>
    %dma_start3A_507 = tpu.memref_squeeze %dma_start3A_506 : memref<1x50x32xf32, #tpu.memory_space<vmem>> -> memref<50x32xf32, #tpu.memory_space<vmem>>
    %dma_start3A_508 = arith.constant 0 : i32
    %dma_start3A_509 = arith.constant 0 : i32
    %dma_start3A_510 = tpu.memref_slice %arg4[%add3A_501, %dma_start3A_508, %dma_start3A_509] : memref<4096x50x32xf32, #tpu.memory_space<hbm>> -> memref<1x50x32xf32, #tpu.memory_space<hbm>>
    %dma_start3A_511 = tpu.memref_squeeze %dma_start3A_510 : memref<1x50x32xf32, #tpu.memory_space<hbm>> -> memref<50x32xf32, #tpu.memory_space<hbm>>
    %dma_start3A_512 = tpu.memref_slice %arg8[%dma_start3A_503] : memref<8x!tpu.dma_semaphore, #tpu.memory_space<semaphore_mem>> -> memref<1x!tpu.dma_semaphore, #tpu.memory_space<semaphore_mem>>
    %dma_start3A_513 = tpu.memref_squeeze %dma_start3A_512 : memref<1x!tpu.dma_semaphore, #tpu.memory_space<semaphore_mem>> -> memref<!tpu.dma_semaphore, #tpu.memory_space<semaphore_mem>>
    %dma_start3A_514 = arith.constant 0 : i32
    %dma_start3A_515 = arith.constant 0 : i32
    %dma_start3A_516 = tpu.memref_slice %arg4[%add3A_501, %dma_start3A_514, %dma_start3A_515] : memref<4096x50x32xf32, #tpu.memory_space<hbm>> -> memref<1x50x32xf32, #tpu.memory_space<hbm>>
    %dma_start3A_517 = tpu.memref_squeeze %dma_start3A_516 : memref<1x50x32xf32, #tpu.memory_space<hbm>> -> memref<50x32xf32, #tpu.memory_space<hbm>>
    %dma_start3A_518 = arith.constant 0 : i32
    %dma_start3A_519 = arith.constant 0 : i32
    %dma_start3A_520 = tpu.memref_slice %arg6[%dma_start3A_502, %dma_start3A_518, %dma_start3A_519] : memref<8x50x32xf32, #tpu.memory_space<vmem>> -> memref<1x50x32xf32, #tpu.memory_space<vmem>>
    %dma_start3A_521 = tpu.memref_squeeze %dma_start3A_520 : memref<1x50x32xf32, #tpu.memory_space<vmem>> -> memref<50x32xf32, #tpu.memory_space<vmem>>
    tpu.enqueue_dma source(%dma_start3A_521 : memref<50x32xf32, #tpu.memory_space<vmem>>) target(%dma_start3A_517 : memref<50x32xf32, #tpu.memory_space<hbm>>) target_semaphore(%dma_start3A_513 : memref<!tpu.dma_semaphore, #tpu.memory_space<semaphore_mem>>)
    %dma_start3A_522 = arith.constant 15 : i32
    %dma_start3A_523 = arith.constant 7 : i32
    %dma_start3A_524 = arith.constant 7 : i32
    %dma_start3A_525 = arith.constant 0 : i32
    %dma_start3A_526 = arith.constant 0 : i32
    %dma_start3A_527 = tpu.memref_slice %arg6[%dma_start3A_523, %dma_start3A_525, %dma_start3A_526] : memref<8x50x32xf32, #tpu.memory_space<vmem>> -> memref<1x50x32xf32, #tpu.memory_space<vmem>>
    %dma_start3A_528 = tpu.memref_squeeze %dma_start3A_527 : memref<1x50x32xf32, #tpu.memory_space<vmem>> -> memref<50x32xf32, #tpu.memory_space<vmem>>
    %dma_start3A_529 = arith.constant 0 : i32
    %dma_start3A_530 = tpu.memref_slice %arg5[%dma_start3A_522, %dma_start3A_529] : memref<128x50xi32, #tpu.memory_space<vmem>> -> memref<1x50xi32, #tpu.memory_space<vmem>>
    %dma_start3A_531 = tpu.memref_squeeze %dma_start3A_530 : memref<1x50xi32, #tpu.memory_space<vmem>> -> memref<50xi32, #tpu.memory_space<vmem>>
    %dma_start3A_532 = arith.constant 0 : i32
    %dma_start3A_533 = arith.constant 0 : i32
    %dma_start3A_534 = tpu.memref_slice %arg2[%dma_start3A_532, %dma_start3A_533] : memref<1000000x32xf32, #tpu.memory_space<hbm>> -> memref<1000000x32xf32, #tpu.memory_space<hbm>>
    %dma_start3A_535 = tpu.memref_slice %arg7[%dma_start3A_524] : memref<8x!tpu.dma_semaphore, #tpu.memory_space<semaphore_mem>> -> memref<1x!tpu.dma_semaphore, #tpu.memory_space<semaphore_mem>>
    %dma_start3A_536 = tpu.memref_squeeze %dma_start3A_535 : memref<1x!tpu.dma_semaphore, #tpu.memory_space<semaphore_mem>> -> memref<!tpu.dma_semaphore, #tpu.memory_space<semaphore_mem>>
    tpu.enqueue_indirect_dma source(%dma_start3A_534 : memref<1000000x32xf32, #tpu.memory_space<hbm>>) target(%dma_start3A_528 : memref<50x32xf32, #tpu.memory_space<vmem>>) offsets(%dma_start3A_531 : memref<50xi32, #tpu.memory_space<vmem>>) semaphore(%dma_start3A_536 : memref<!tpu.dma_semaphore, #tpu.memory_space<semaphore_mem>>)
    %scan3A = arith.constant 0 : i32
    %scan3A_537 = arith.constant 1 : i32
    %scan3A_538 = arith.constant 14 : i32
    %scan3A_539 = arith.addi %scan3A_537, %scan3A_538 : i32
    %scan3A_540 = arith.constant 1 : i32
    scf.for %scan3A_1158 = %scan3A_537 to %scan3A_539 step %scan3A_540  : i32 {
      %mul3A_1159 = arith.constant 8 : i32
      %mul3A_1160 = arith.muli %scan3A_1158, %mul3A_1159 : i32
      %add3A_1161 = arith.constant 0 : i32
      %add3A_1162 = arith.addi %mul3A_1160, %add3A_1161 : i32
      %dma_wait3A_1163 = arith.constant 0 : i32
      %dma_wait3A_1164 = arith.constant 0 : i32
      %dma_wait3A_1165 = arith.constant 0 : i32
      %dma_wait3A_1166 = arith.constant 0 : i32
      %dma_wait3A_1167 = tpu.memref_slice %arg6[%dma_wait3A_1163, %dma_wait3A_1165, %dma_wait3A_1166] : memref<8x50x32xf32, #tpu.memory_space<vmem>> -> memref<1x50x32xf32, #tpu.memory_space<vmem>>
      %dma_wait3A_1168 = tpu.memref_squeeze %dma_wait3A_1167 : memref<1x50x32xf32, #tpu.memory_space<vmem>> -> memref<50x32xf32, #tpu.memory_space<vmem>>
      %dma_wait3A_1169 = arith.constant 0 : i32
      %dma_wait3A_1170 = tpu.memref_slice %arg5[%add3A_1162, %dma_wait3A_1169] : memref<128x50xi32, #tpu.memory_space<vmem>> -> memref<1x50xi32, #tpu.memory_space<vmem>>
      %dma_wait3A_1171 = tpu.memref_squeeze %dma_wait3A_1170 : memref<1x50xi32, #tpu.memory_space<vmem>> -> memref<50xi32, #tpu.memory_space<vmem>>
      %dma_wait3A_1172 = arith.constant 0 : i32
      %dma_wait3A_1173 = arith.constant 0 : i32
      %dma_wait3A_1174 = tpu.memref_slice %arg2[%dma_wait3A_1172, %dma_wait3A_1173] : memref<1000000x32xf32, #tpu.memory_space<hbm>> -> memref<1000000x32xf32, #tpu.memory_space<hbm>>
      %dma_wait3A_1175 = tpu.memref_slice %arg7[%dma_wait3A_1164] : memref<8x!tpu.dma_semaphore, #tpu.memory_space<semaphore_mem>> -> memref<1x!tpu.dma_semaphore, #tpu.memory_space<semaphore_mem>>
      %dma_wait3A_1176 = tpu.memref_squeeze %dma_wait3A_1175 : memref<1x!tpu.dma_semaphore, #tpu.memory_space<semaphore_mem>> -> memref<!tpu.dma_semaphore, #tpu.memory_space<semaphore_mem>>
      tpu.wait_indirect_dma semaphore(%dma_wait3A_1176 : memref<!tpu.dma_semaphore, #tpu.memory_space<semaphore_mem>>) src(%dma_wait3A_1174 : memref<1000000x32xf32, #tpu.memory_space<hbm>>) dst(%dma_wait3A_1168 : memref<50x32xf32, #tpu.memory_space<vmem>>)
      %dma_wait3A_1177 = arith.constant 0 : i32
      %dma_wait3A_1178 = arith.constant 0 : i32
      %dma_wait3A_1179 = arith.constant 0 : i32
      %dma_wait3A_1180 = arith.constant 0 : i32
      %dma_wait3A_1181 = tpu.memref_slice %arg6[%dma_wait3A_1177, %dma_wait3A_1179, %dma_wait3A_1180] : memref<8x50x32xf32, #tpu.memory_space<vmem>> -> memref<1x50x32xf32, #tpu.memory_space<vmem>>
      %dma_wait3A_1182 = tpu.memref_squeeze %dma_wait3A_1181 : memref<1x50x32xf32, #tpu.memory_space<vmem>> -> memref<50x32xf32, #tpu.memory_space<vmem>>
      %dma_wait3A_1183 = arith.constant 0 : i32
      %dma_wait3A_1184 = arith.constant 0 : i32
      %dma_wait3A_1185 = tpu.memref_slice %arg4[%multiple_of3A, %dma_wait3A_1183, %dma_wait3A_1184] : memref<4096x50x32xf32, #tpu.memory_space<hbm>> -> memref<1x50x32xf32, #tpu.memory_space<hbm>>
      %dma_wait3A_1186 = tpu.memref_squeeze %dma_wait3A_1185 : memref<1x50x32xf32, #tpu.memory_space<hbm>> -> memref<50x32xf32, #tpu.memory_space<hbm>>
      %dma_wait3A_1187 = tpu.memref_slice %arg8[%dma_wait3A_1178] : memref<8x!tpu.dma_semaphore, #tpu.memory_space<semaphore_mem>> -> memref<1x!tpu.dma_semaphore, #tpu.memory_space<semaphore_mem>>
      %dma_wait3A_1188 = tpu.memref_squeeze %dma_wait3A_1187 : memref<1x!tpu.dma_semaphore, #tpu.memory_space<semaphore_mem>> -> memref<!tpu.dma_semaphore, #tpu.memory_space<semaphore_mem>>
      %dma_wait3A_1189 = arith.constant 0 : i32
      %dma_wait3A_1190 = arith.constant 0 : i32
      %dma_wait3A_1191 = tpu.memref_slice %arg4[%multiple_of3A, %dma_wait3A_1189, %dma_wait3A_1190] : memref<4096x50x32xf32, #tpu.memory_space<hbm>> -> memref<1x50x32xf32, #tpu.memory_space<hbm>>
      %dma_wait3A_1192 = tpu.memref_squeeze %dma_wait3A_1191 : memref<1x50x32xf32, #tpu.memory_space<hbm>> -> memref<50x32xf32, #tpu.memory_space<hbm>>
      %dma_wait3A_1193 = arith.constant 0 : i32
      %dma_wait3A_1194 = arith.constant 0 : i32
      %dma_wait3A_1195 = tpu.memref_slice %arg6[%dma_wait3A_1177, %dma_wait3A_1193, %dma_wait3A_1194] : memref<8x50x32xf32, #tpu.memory_space<vmem>> -> memref<1x50x32xf32, #tpu.memory_space<vmem>>
      %dma_wait3A_1196 = tpu.memref_squeeze %dma_wait3A_1195 : memref<1x50x32xf32, #tpu.memory_space<vmem>> -> memref<50x32xf32, #tpu.memory_space<vmem>>
      tpu.wait_dma2 semaphore(%dma_wait3A_1188 : memref<!tpu.dma_semaphore, #tpu.memory_space<semaphore_mem>>) src(%dma_wait3A_1196 : memref<50x32xf32, #tpu.memory_space<vmem>>) dst(%dma_wait3A_1192 : memref<50x32xf32, #tpu.memory_space<hbm>>)
      %add3A_1197 = arith.addi %multiple_of3A, %add3A_1162 : i32
      %dma_start3A_1198 = arith.constant 0 : i32
      %dma_start3A_1199 = arith.constant 0 : i32
      %dma_start3A_1200 = arith.constant 0 : i32
      %dma_start3A_1201 = arith.constant 0 : i32
      %dma_start3A_1202 = tpu.memref_slice %arg6[%dma_start3A_1198, %dma_start3A_1200, %dma_start3A_1201] : memref<8x50x32xf32, #tpu.memory_space<vmem>> -> memref<1x50x32xf32, #tpu.memory_space<vmem>>
      %dma_start3A_1203 = tpu.memref_squeeze %dma_start3A_1202 : memref<1x50x32xf32, #tpu.memory_space<vmem>> -> memref<50x32xf32, #tpu.memory_space<vmem>>
      %dma_start3A_1204 = arith.constant 0 : i32
      %dma_start3A_1205 = arith.constant 0 : i32
      %dma_start3A_1206 = tpu.memref_slice %arg4[%add3A_1197, %dma_start3A_1204, %dma_start3A_1205] : memref<4096x50x32xf32, #tpu.memory_space<hbm>> -> memref<1x50x32xf32, #tpu.memory_space<hbm>>
      %dma_start3A_1207 = tpu.memref_squeeze %dma_start3A_1206 : memref<1x50x32xf32, #tpu.memory_space<hbm>> -> memref<50x32xf32, #tpu.memory_space<hbm>>
      %dma_start3A_1208 = tpu.memref_slice %arg8[%dma_start3A_1199] : memref<8x!tpu.dma_semaphore, #tpu.memory_space<semaphore_mem>> -> memref<1x!tpu.dma_semaphore, #tpu.memory_space<semaphore_mem>>
      %dma_start3A_1209 = tpu.memref_squeeze %dma_start3A_1208 : memref<1x!tpu.dma_semaphore, #tpu.memory_space<semaphore_mem>> -> memref<!tpu.dma_semaphore, #tpu.memory_space<semaphore_mem>>
      %dma_start3A_1210 = arith.constant 0 : i32
      %dma_start3A_1211 = arith.constant 0 : i32
      %dma_start3A_1212 = tpu.memref_slice %arg4[%add3A_1197, %dma_start3A_1210, %dma_start3A_1211] : memref<4096x50x32xf32, #tpu.memory_space<hbm>> -> memref<1x50x32xf32, #tpu.memory_space<hbm>>
      %dma_start3A_1213 = tpu.memref_squeeze %dma_start3A_1212 : memref<1x50x32xf32, #tpu.memory_space<hbm>> -> memref<50x32xf32, #tpu.memory_space<hbm>>
      %dma_start3A_1214 = arith.constant 0 : i32
      %dma_start3A_1215 = arith.constant 0 : i32
      %dma_start3A_1216 = tpu.memref_slice %arg6[%dma_start3A_1198, %dma_start3A_1214, %dma_start3A_1215] : memref<8x50x32xf32, #tpu.memory_space<vmem>> -> memref<1x50x32xf32, #tpu.memory_space<vmem>>
      %dma_start3A_1217 = tpu.memref_squeeze %dma_start3A_1216 : memref<1x50x32xf32, #tpu.memory_space<vmem>> -> memref<50x32xf32, #tpu.memory_space<vmem>>
      tpu.enqueue_dma source(%dma_start3A_1217 : memref<50x32xf32, #tpu.memory_space<vmem>>) target(%dma_start3A_1213 : memref<50x32xf32, #tpu.memory_space<hbm>>) target_semaphore(%dma_start3A_1209 : memref<!tpu.dma_semaphore, #tpu.memory_space<semaphore_mem>>)
      %add3A_1218 = arith.constant 8 : i32
      %add3A_1219 = arith.addi %add3A_1162, %add3A_1218 : i32
      %dma_start3A_1220 = arith.constant 0 : i32
      %dma_start3A_1221 = arith.constant 0 : i32
      %dma_start3A_1222 = arith.constant 0 : i32
      %dma_start3A_1223 = arith.constant 0 : i32
      %dma_start3A_1224 = tpu.memref_slice %arg6[%dma_start3A_1220, %dma_start3A_1222, %dma_start3A_1223] : memref<8x50x32xf32, #tpu.memory_space<vmem>> -> memref<1x50x32xf32, #tpu.memory_space<vmem>>
      %dma_start3A_1225 = tpu.memref_squeeze %dma_start3A_1224 : memref<1x50x32xf32, #tpu.memory_space<vmem>> -> memref<50x32xf32, #tpu.memory_space<vmem>>
      %dma_start3A_1226 = arith.constant 0 : i32
      %dma_start3A_1227 = tpu.memref_slice %arg5[%add3A_1219, %dma_start3A_1226] : memref<128x50xi32, #tpu.memory_space<vmem>> -> memref<1x50xi32, #tpu.memory_space<vmem>>
      %dma_start3A_1228 = tpu.memref_squeeze %dma_start3A_1227 : memref<1x50xi32, #tpu.memory_space<vmem>> -> memref<50xi32, #tpu.memory_space<vmem>>
      %dma_start3A_1229 = arith.constant 0 : i32
      %dma_start3A_1230 = arith.constant 0 : i32
      %dma_start3A_1231 = tpu.memref_slice %arg2[%dma_start3A_1229, %dma_start3A_1230] : memref<1000000x32xf32, #tpu.memory_space<hbm>> -> memref<1000000x32xf32, #tpu.memory_space<hbm>>
      %dma_start3A_1232 = tpu.memref_slice %arg7[%dma_start3A_1221] : memref<8x!tpu.dma_semaphore, #tpu.memory_space<semaphore_mem>> -> memref<1x!tpu.dma_semaphore, #tpu.memory_space<semaphore_mem>>
      %dma_start3A_1233 = tpu.memref_squeeze %dma_start3A_1232 : memref<1x!tpu.dma_semaphore, #tpu.memory_space<semaphore_mem>> -> memref<!tpu.dma_semaphore, #tpu.memory_space<semaphore_mem>>
      tpu.enqueue_indirect_dma source(%dma_start3A_1231 : memref<1000000x32xf32, #tpu.memory_space<hbm>>) target(%dma_start3A_1225 : memref<50x32xf32, #tpu.memory_space<vmem>>) offsets(%dma_start3A_1228 : memref<50xi32, #tpu.memory_space<vmem>>) semaphore(%dma_start3A_1233 : memref<!tpu.dma_semaphore, #tpu.memory_space<semaphore_mem>>)
      %mul3A_1234 = arith.constant 8 : i32
      %mul3A_1235 = arith.muli %scan3A_1158, %mul3A_1234 : i32
      %add3A_1236 = arith.constant 1 : i32
      %add3A_1237 = arith.addi %mul3A_1235, %add3A_1236 : i32
      %dma_wait3A_1238 = arith.constant 1 : i32
      %dma_wait3A_1239 = arith.constant 1 : i32
      %dma_wait3A_1240 = arith.constant 0 : i32
      %dma_wait3A_1241 = arith.constant 0 : i32
      %dma_wait3A_1242 = tpu.memref_slice %arg6[%dma_wait3A_1238, %dma_wait3A_1240, %dma_wait3A_1241] : memref<8x50x32xf32, #tpu.memory_space<vmem>> -> memref<1x50x32xf32, #tpu.memory_space<vmem>>
      %dma_wait3A_1243 = tpu.memref_squeeze %dma_wait3A_1242 : memref<1x50x32xf32, #tpu.memory_space<vmem>> -> memref<50x32xf32, #tpu.memory_space<vmem>>
      %dma_wait3A_1244 = arith.constant 0 : i32
      %dma_wait3A_1245 = tpu.memref_slice %arg5[%add3A_1237, %dma_wait3A_1244] : memref<128x50xi32, #tpu.memory_space<vmem>> -> memref<1x50xi32, #tpu.memory_space<vmem>>
      %dma_wait3A_1246 = tpu.memref_squeeze %dma_wait3A_1245 : memref<1x50xi32, #tpu.memory_space<vmem>> -> memref<50xi32, #tpu.memory_space<vmem>>
      %dma_wait3A_1247 = arith.constant 0 : i32
      %dma_wait3A_1248 = arith.constant 0 : i32
      %dma_wait3A_1249 = tpu.memref_slice %arg2[%dma_wait3A_1247, %dma_wait3A_1248] : memref<1000000x32xf32, #tpu.memory_space<hbm>> -> memref<1000000x32xf32, #tpu.memory_space<hbm>>
      %dma_wait3A_1250 = tpu.memref_slice %arg7[%dma_wait3A_1239] : memref<8x!tpu.dma_semaphore, #tpu.memory_space<semaphore_mem>> -> memref<1x!tpu.dma_semaphore, #tpu.memory_space<semaphore_mem>>
      %dma_wait3A_1251 = tpu.memref_squeeze %dma_wait3A_1250 : memref<1x!tpu.dma_semaphore, #tpu.memory_space<semaphore_mem>> -> memref<!tpu.dma_semaphore, #tpu.memory_space<semaphore_mem>>
      tpu.wait_indirect_dma semaphore(%dma_wait3A_1251 : memref<!tpu.dma_semaphore, #tpu.memory_space<semaphore_mem>>) src(%dma_wait3A_1249 : memref<1000000x32xf32, #tpu.memory_space<hbm>>) dst(%dma_wait3A_1243 : memref<50x32xf32, #tpu.memory_space<vmem>>)
      %dma_wait3A_1252 = arith.constant 1 : i32
      %dma_wait3A_1253 = arith.constant 1 : i32
      %dma_wait3A_1254 = arith.constant 0 : i32
      %dma_wait3A_1255 = arith.constant 0 : i32
      %dma_wait3A_1256 = tpu.memref_slice %arg6[%dma_wait3A_1252, %dma_wait3A_1254, %dma_wait3A_1255] : memref<8x50x32xf32, #tpu.memory_space<vmem>> -> memref<1x50x32xf32, #tpu.memory_space<vmem>>
      %dma_wait3A_1257 = tpu.memref_squeeze %dma_wait3A_1256 : memref<1x50x32xf32, #tpu.memory_space<vmem>> -> memref<50x32xf32, #tpu.memory_space<vmem>>
      %dma_wait3A_1258 = arith.constant 0 : i32
      %dma_wait3A_1259 = arith.constant 0 : i32
      %dma_wait3A_1260 = tpu.memref_slice %arg4[%multiple_of3A, %dma_wait3A_1258, %dma_wait3A_1259] : memref<4096x50x32xf32, #tpu.memory_space<hbm>> -> memref<1x50x32xf32, #tpu.memory_space<hbm>>
      %dma_wait3A_1261 = tpu.memref_squeeze %dma_wait3A_1260 : memref<1x50x32xf32, #tpu.memory_space<hbm>> -> memref<50x32xf32, #tpu.memory_space<hbm>>
      %dma_wait3A_1262 = tpu.memref_slice %arg8[%dma_wait3A_1253] : memref<8x!tpu.dma_semaphore, #tpu.memory_space<semaphore_mem>> -> memref<1x!tpu.dma_semaphore, #tpu.memory_space<semaphore_mem>>
      %dma_wait3A_1263 = tpu.memref_squeeze %dma_wait3A_1262 : memref<1x!tpu.dma_semaphore, #tpu.memory_space<semaphore_mem>> -> memref<!tpu.dma_semaphore, #tpu.memory_space<semaphore_mem>>
      %dma_wait3A_1264 = arith.constant 0 : i32
      %dma_wait3A_1265 = arith.constant 0 : i32
      %dma_wait3A_1266 = tpu.memref_slice %arg4[%multiple_of3A, %dma_wait3A_1264, %dma_wait3A_1265] : memref<4096x50x32xf32, #tpu.memory_space<hbm>> -> memref<1x50x32xf32, #tpu.memory_space<hbm>>
      %dma_wait3A_1267 = tpu.memref_squeeze %dma_wait3A_1266 : memref<1x50x32xf32, #tpu.memory_space<hbm>> -> memref<50x32xf32, #tpu.memory_space<hbm>>
      %dma_wait3A_1268 = arith.constant 0 : i32
      %dma_wait3A_1269 = arith.constant 0 : i32
      %dma_wait3A_1270 = tpu.memref_slice %arg6[%dma_wait3A_1252, %dma_wait3A_1268, %dma_wait3A_1269] : memref<8x50x32xf32, #tpu.memory_space<vmem>> -> memref<1x50x32xf32, #tpu.memory_space<vmem>>
      %dma_wait3A_1271 = tpu.memref_squeeze %dma_wait3A_1270 : memref<1x50x32xf32, #tpu.memory_space<vmem>> -> memref<50x32xf32, #tpu.memory_space<vmem>>
      tpu.wait_dma2 semaphore(%dma_wait3A_1263 : memref<!tpu.dma_semaphore, #tpu.memory_space<semaphore_mem>>) src(%dma_wait3A_1271 : memref<50x32xf32, #tpu.memory_space<vmem>>) dst(%dma_wait3A_1267 : memref<50x32xf32, #tpu.memory_space<hbm>>)
      %add3A_1272 = arith.addi %multiple_of3A, %add3A_1237 : i32
      %dma_start3A_1273 = arith.constant 1 : i32
      %dma_start3A_1274 = arith.constant 1 : i32
      %dma_start3A_1275 = arith.constant 0 : i32
      %dma_start3A_1276 = arith.constant 0 : i32
      %dma_start3A_1277 = tpu.memref_slice %arg6[%dma_start3A_1273, %dma_start3A_1275, %dma_start3A_1276] : memref<8x50x32xf32, #tpu.memory_space<vmem>> -> memref<1x50x32xf32, #tpu.memory_space<vmem>>
      %dma_start3A_1278 = tpu.memref_squeeze %dma_start3A_1277 : memref<1x50x32xf32, #tpu.memory_space<vmem>> -> memref<50x32xf32, #tpu.memory_space<vmem>>
      %dma_start3A_1279 = arith.constant 0 : i32
      %dma_start3A_1280 = arith.constant 0 : i32
      %dma_start3A_1281 = tpu.memref_slice %arg4[%add3A_1272, %dma_start3A_1279, %dma_start3A_1280] : memref<4096x50x32xf32, #tpu.memory_space<hbm>> -> memref<1x50x32xf32, #tpu.memory_space<hbm>>
      %dma_start3A_1282 = tpu.memref_squeeze %dma_start3A_1281 : memref<1x50x32xf32, #tpu.memory_space<hbm>> -> memref<50x32xf32, #tpu.memory_space<hbm>>
      %dma_start3A_1283 = tpu.memref_slice %arg8[%dma_start3A_1274] : memref<8x!tpu.dma_semaphore, #tpu.memory_space<semaphore_mem>> -> memref<1x!tpu.dma_semaphore, #tpu.memory_space<semaphore_mem>>
      %dma_start3A_1284 = tpu.memref_squeeze %dma_start3A_1283 : memref<1x!tpu.dma_semaphore, #tpu.memory_space<semaphore_mem>> -> memref<!tpu.dma_semaphore, #tpu.memory_space<semaphore_mem>>
      %dma_start3A_1285 = arith.constant 0 : i32
      %dma_start3A_1286 = arith.constant 0 : i32
      %dma_start3A_1287 = tpu.memref_slice %arg4[%add3A_1272, %dma_start3A_1285, %dma_start3A_1286] : memref<4096x50x32xf32, #tpu.memory_space<hbm>> -> memref<1x50x32xf32, #tpu.memory_space<hbm>>
      %dma_start3A_1288 = tpu.memref_squeeze %dma_start3A_1287 : memref<1x50x32xf32, #tpu.memory_space<hbm>> -> memref<50x32xf32, #tpu.memory_space<hbm>>
      %dma_start3A_1289 = arith.constant 0 : i32
      %dma_start3A_1290 = arith.constant 0 : i32
      %dma_start3A_1291 = tpu.memref_slice %arg6[%dma_start3A_1273, %dma_start3A_1289, %dma_start3A_1290] : memref<8x50x32xf32, #tpu.memory_space<vmem>> -> memref<1x50x32xf32, #tpu.memory_space<vmem>>
      %dma_start3A_1292 = tpu.memref_squeeze %dma_start3A_1291 : memref<1x50x32xf32, #tpu.memory_space<vmem>> -> memref<50x32xf32, #tpu.memory_space<vmem>>
      tpu.enqueue_dma source(%dma_start3A_1292 : memref<50x32xf32, #tpu.memory_space<vmem>>) target(%dma_start3A_1288 : memref<50x32xf32, #tpu.memory_space<hbm>>) target_semaphore(%dma_start3A_1284 : memref<!tpu.dma_semaphore, #tpu.memory_space<semaphore_mem>>)
      %add3A_1293 = arith.constant 8 : i32
      %add3A_1294 = arith.addi %add3A_1237, %add3A_1293 : i32
      %dma_start3A_1295 = arith.constant 1 : i32
      %dma_start3A_1296 = arith.constant 1 : i32
      %dma_start3A_1297 = arith.constant 0 : i32
      %dma_start3A_1298 = arith.constant 0 : i32
      %dma_start3A_1299 = tpu.memref_slice %arg6[%dma_start3A_1295, %dma_start3A_1297, %dma_start3A_1298] : memref<8x50x32xf32, #tpu.memory_space<vmem>> -> memref<1x50x32xf32, #tpu.memory_space<vmem>>
      %dma_start3A_1300 = tpu.memref_squeeze %dma_start3A_1299 : memref<1x50x32xf32, #tpu.memory_space<vmem>> -> memref<50x32xf32, #tpu.memory_space<vmem>>
      %dma_start3A_1301 = arith.constant 0 : i32
      %dma_start3A_1302 = tpu.memref_slice %arg5[%add3A_1294, %dma_start3A_1301] : memref<128x50xi32, #tpu.memory_space<vmem>> -> memref<1x50xi32, #tpu.memory_space<vmem>>
      %dma_start3A_1303 = tpu.memref_squeeze %dma_start3A_1302 : memref<1x50xi32, #tpu.memory_space<vmem>> -> memref<50xi32, #tpu.memory_space<vmem>>
      %dma_start3A_1304 = arith.constant 0 : i32
      %dma_start3A_1305 = arith.constant 0 : i32
      %dma_start3A_1306 = tpu.memref_slice %arg2[%dma_start3A_1304, %dma_start3A_1305] : memref<1000000x32xf32, #tpu.memory_space<hbm>> -> memref<1000000x32xf32, #tpu.memory_space<hbm>>
      %dma_start3A_1307 = tpu.memref_slice %arg7[%dma_start3A_1296] : memref<8x!tpu.dma_semaphore, #tpu.memory_space<semaphore_mem>> -> memref<1x!tpu.dma_semaphore, #tpu.memory_space<semaphore_mem>>
      %dma_start3A_1308 = tpu.memref_squeeze %dma_start3A_1307 : memref<1x!tpu.dma_semaphore, #tpu.memory_space<semaphore_mem>> -> memref<!tpu.dma_semaphore, #tpu.memory_space<semaphore_mem>>
      tpu.enqueue_indirect_dma source(%dma_start3A_1306 : memref<1000000x32xf32, #tpu.memory_space<hbm>>) target(%dma_start3A_1300 : memref<50x32xf32, #tpu.memory_space<vmem>>) offsets(%dma_start3A_1303 : memref<50xi32, #tpu.memory_space<vmem>>) semaphore(%dma_start3A_1308 : memref<!tpu.dma_semaphore, #tpu.memory_space<semaphore_mem>>)
      %mul3A_1309 = arith.constant 8 : i32
      %mul3A_1310 = arith.muli %scan3A_1158, %mul3A_1309 : i32
      %add3A_1311 = arith.constant 2 : i32
      %add3A_1312 = arith.addi %mul3A_1310, %add3A_1311 : i32
      %dma_wait3A_1313 = arith.constant 2 : i32
      %dma_wait3A_1314 = arith.constant 2 : i32
      %dma_wait3A_1315 = arith.constant 0 : i32
      %dma_wait3A_1316 = arith.constant 0 : i32
      %dma_wait3A_1317 = tpu.memref_slice %arg6[%dma_wait3A_1313, %dma_wait3A_1315, %dma_wait3A_1316] : memref<8x50x32xf32, #tpu.memory_space<vmem>> -> memref<1x50x32xf32, #tpu.memory_space<vmem>>
      %dma_wait3A_1318 = tpu.memref_squeeze %dma_wait3A_1317 : memref<1x50x32xf32, #tpu.memory_space<vmem>> -> memref<50x32xf32, #tpu.memory_space<vmem>>
      %dma_wait3A_1319 = arith.constant 0 : i32
      %dma_wait3A_1320 = tpu.memref_slice %arg5[%add3A_1312, %dma_wait3A_1319] : memref<128x50xi32, #tpu.memory_space<vmem>> -> memref<1x50xi32, #tpu.memory_space<vmem>>
      %dma_wait3A_1321 = tpu.memref_squeeze %dma_wait3A_1320 : memref<1x50xi32, #tpu.memory_space<vmem>> -> memref<50xi32, #tpu.memory_space<vmem>>
      %dma_wait3A_1322 = arith.constant 0 : i32
      %dma_wait3A_1323 = arith.constant 0 : i32
      %dma_wait3A_1324 = tpu.memref_slice %arg2[%dma_wait3A_1322, %dma_wait3A_1323] : memref<1000000x32xf32, #tpu.memory_space<hbm>> -> memref<1000000x32xf32, #tpu.memory_space<hbm>>
      %dma_wait3A_1325 = tpu.memref_slice %arg7[%dma_wait3A_1314] : memref<8x!tpu.dma_semaphore, #tpu.memory_space<semaphore_mem>> -> memref<1x!tpu.dma_semaphore, #tpu.memory_space<semaphore_mem>>
      %dma_wait3A_1326 = tpu.memref_squeeze %dma_wait3A_1325 : memref<1x!tpu.dma_semaphore, #tpu.memory_space<semaphore_mem>> -> memref<!tpu.dma_semaphore, #tpu.memory_space<semaphore_mem>>
      tpu.wait_indirect_dma semaphore(%dma_wait3A_1326 : memref<!tpu.dma_semaphore, #tpu.memory_space<semaphore_mem>>) src(%dma_wait3A_1324 : memref<1000000x32xf32, #tpu.memory_space<hbm>>) dst(%dma_wait3A_1318 : memref<50x32xf32, #tpu.memory_space<vmem>>)
      %dma_wait3A_1327 = arith.constant 2 : i32
      %dma_wait3A_1328 = arith.constant 2 : i32
      %dma_wait3A_1329 = arith.constant 0 : i32
      %dma_wait3A_1330 = arith.constant 0 : i32
      %dma_wait3A_1331 = tpu.memref_slice %arg6[%dma_wait3A_1327, %dma_wait3A_1329, %dma_wait3A_1330] : memref<8x50x32xf32, #tpu.memory_space<vmem>> -> memref<1x50x32xf32, #tpu.memory_space<vmem>>
      %dma_wait3A_1332 = tpu.memref_squeeze %dma_wait3A_1331 : memref<1x50x32xf32, #tpu.memory_space<vmem>> -> memref<50x32xf32, #tpu.memory_space<vmem>>
      %dma_wait3A_1333 = arith.constant 0 : i32
      %dma_wait3A_1334 = arith.constant 0 : i32
      %dma_wait3A_1335 = tpu.memref_slice %arg4[%multiple_of3A, %dma_wait3A_1333, %dma_wait3A_1334] : memref<4096x50x32xf32, #tpu.memory_space<hbm>> -> memref<1x50x32xf32, #tpu.memory_space<hbm>>
      %dma_wait3A_1336 = tpu.memref_squeeze %dma_wait3A_1335 : memref<1x50x32xf32, #tpu.memory_space<hbm>> -> memref<50x32xf32, #tpu.memory_space<hbm>>
      %dma_wait3A_1337 = tpu.memref_slice %arg8[%dma_wait3A_1328] : memref<8x!tpu.dma_semaphore, #tpu.memory_space<semaphore_mem>> -> memref<1x!tpu.dma_semaphore, #tpu.memory_space<semaphore_mem>>
      %dma_wait3A_1338 = tpu.memref_squeeze %dma_wait3A_1337 : memref<1x!tpu.dma_semaphore, #tpu.memory_space<semaphore_mem>> -> memref<!tpu.dma_semaphore, #tpu.memory_space<semaphore_mem>>
      %dma_wait3A_1339 = arith.constant 0 : i32
      %dma_wait3A_1340 = arith.constant 0 : i32
      %dma_wait3A_1341 = tpu.memref_slice %arg4[%multiple_of3A, %dma_wait3A_1339, %dma_wait3A_1340] : memref<4096x50x32xf32, #tpu.memory_space<hbm>> -> memref<1x50x32xf32, #tpu.memory_space<hbm>>
      %dma_wait3A_1342 = tpu.memref_squeeze %dma_wait3A_1341 : memref<1x50x32xf32, #tpu.memory_space<hbm>> -> memref<50x32xf32, #tpu.memory_space<hbm>>
      %dma_wait3A_1343 = arith.constant 0 : i32
      %dma_wait3A_1344 = arith.constant 0 : i32
      %dma_wait3A_1345 = tpu.memref_slice %arg6[%dma_wait3A_1327, %dma_wait3A_1343, %dma_wait3A_1344] : memref<8x50x32xf32, #tpu.memory_space<vmem>> -> memref<1x50x32xf32, #tpu.memory_space<vmem>>
      %dma_wait3A_1346 = tpu.memref_squeeze %dma_wait3A_1345 : memref<1x50x32xf32, #tpu.memory_space<vmem>> -> memref<50x32xf32, #tpu.memory_space<vmem>>
      tpu.wait_dma2 semaphore(%dma_wait3A_1338 : memref<!tpu.dma_semaphore, #tpu.memory_space<semaphore_mem>>) src(%dma_wait3A_1346 : memref<50x32xf32, #tpu.memory_space<vmem>>) dst(%dma_wait3A_1342 : memref<50x32xf32, #tpu.memory_space<hbm>>)
      %add3A_1347 = arith.addi %multiple_of3A, %add3A_1312 : i32
      %dma_start3A_1348 = arith.constant 2 : i32
      %dma_start3A_1349 = arith.constant 2 : i32
      %dma_start3A_1350 = arith.constant 0 : i32
      %dma_start3A_1351 = arith.constant 0 : i32
      %dma_start3A_1352 = tpu.memref_slice %arg6[%dma_start3A_1348, %dma_start3A_1350, %dma_start3A_1351] : memref<8x50x32xf32, #tpu.memory_space<vmem>> -> memref<1x50x32xf32, #tpu.memory_space<vmem>>
      %dma_start3A_1353 = tpu.memref_squeeze %dma_start3A_1352 : memref<1x50x32xf32, #tpu.memory_space<vmem>> -> memref<50x32xf32, #tpu.memory_space<vmem>>
      %dma_start3A_1354 = arith.constant 0 : i32
      %dma_start3A_1355 = arith.constant 0 : i32
      %dma_start3A_1356 = tpu.memref_slice %arg4[%add3A_1347, %dma_start3A_1354, %dma_start3A_1355] : memref<4096x50x32xf32, #tpu.memory_space<hbm>> -> memref<1x50x32xf32, #tpu.memory_space<hbm>>
      %dma_start3A_1357 = tpu.memref_squeeze %dma_start3A_1356 : memref<1x50x32xf32, #tpu.memory_space<hbm>> -> memref<50x32xf32, #tpu.memory_space<hbm>>
      %dma_start3A_1358 = tpu.memref_slice %arg8[%dma_start3A_1349] : memref<8x!tpu.dma_semaphore, #tpu.memory_space<semaphore_mem>> -> memref<1x!tpu.dma_semaphore, #tpu.memory_space<semaphore_mem>>
      %dma_start3A_1359 = tpu.memref_squeeze %dma_start3A_1358 : memref<1x!tpu.dma_semaphore, #tpu.memory_space<semaphore_mem>> -> memref<!tpu.dma_semaphore, #tpu.memory_space<semaphore_mem>>
      %dma_start3A_1360 = arith.constant 0 : i32
      %dma_start3A_1361 = arith.constant 0 : i32
      %dma_start3A_1362 = tpu.memref_slice %arg4[%add3A_1347, %dma_start3A_1360, %dma_start3A_1361] : memref<4096x50x32xf32, #tpu.memory_space<hbm>> -> memref<1x50x32xf32, #tpu.memory_space<hbm>>
      %dma_start3A_1363 = tpu.memref_squeeze %dma_start3A_1362 : memref<1x50x32xf32, #tpu.memory_space<hbm>> -> memref<50x32xf32, #tpu.memory_space<hbm>>
      %dma_start3A_1364 = arith.constant 0 : i32
      %dma_start3A_1365 = arith.constant 0 : i32
      %dma_start3A_1366 = tpu.memref_slice %arg6[%dma_start3A_1348, %dma_start3A_1364, %dma_start3A_1365] : memref<8x50x32xf32, #tpu.memory_space<vmem>> -> memref<1x50x32xf32, #tpu.memory_space<vmem>>
      %dma_start3A_1367 = tpu.memref_squeeze %dma_start3A_1366 : memref<1x50x32xf32, #tpu.memory_space<vmem>> -> memref<50x32xf32, #tpu.memory_space<vmem>>
      tpu.enqueue_dma source(%dma_start3A_1367 : memref<50x32xf32, #tpu.memory_space<vmem>>) target(%dma_start3A_1363 : memref<50x32xf32, #tpu.memory_space<hbm>>) target_semaphore(%dma_start3A_1359 : memref<!tpu.dma_semaphore, #tpu.memory_space<semaphore_mem>>)
      %add3A_1368 = arith.constant 8 : i32
      %add3A_1369 = arith.addi %add3A_1312, %add3A_1368 : i32
      %dma_start3A_1370 = arith.constant 2 : i32
      %dma_start3A_1371 = arith.constant 2 : i32
      %dma_start3A_1372 = arith.constant 0 : i32
      %dma_start3A_1373 = arith.constant 0 : i32
      %dma_start3A_1374 = tpu.memref_slice %arg6[%dma_start3A_1370, %dma_start3A_1372, %dma_start3A_1373] : memref<8x50x32xf32, #tpu.memory_space<vmem>> -> memref<1x50x32xf32, #tpu.memory_space<vmem>>
      %dma_start3A_1375 = tpu.memref_squeeze %dma_start3A_1374 : memref<1x50x32xf32, #tpu.memory_space<vmem>> -> memref<50x32xf32, #tpu.memory_space<vmem>>
      %dma_start3A_1376 = arith.constant 0 : i32
      %dma_start3A_1377 = tpu.memref_slice %arg5[%add3A_1369, %dma_start3A_1376] : memref<128x50xi32, #tpu.memory_space<vmem>> -> memref<1x50xi32, #tpu.memory_space<vmem>>
      %dma_start3A_1378 = tpu.memref_squeeze %dma_start3A_1377 : memref<1x50xi32, #tpu.memory_space<vmem>> -> memref<50xi32, #tpu.memory_space<vmem>>
      %dma_start3A_1379 = arith.constant 0 : i32
      %dma_start3A_1380 = arith.constant 0 : i32
      %dma_start3A_1381 = tpu.memref_slice %arg2[%dma_start3A_1379, %dma_start3A_1380] : memref<1000000x32xf32, #tpu.memory_space<hbm>> -> memref<1000000x32xf32, #tpu.memory_space<hbm>>
      %dma_start3A_1382 = tpu.memref_slice %arg7[%dma_start3A_1371] : memref<8x!tpu.dma_semaphore, #tpu.memory_space<semaphore_mem>> -> memref<1x!tpu.dma_semaphore, #tpu.memory_space<semaphore_mem>>
      %dma_start3A_1383 = tpu.memref_squeeze %dma_start3A_1382 : memref<1x!tpu.dma_semaphore, #tpu.memory_space<semaphore_mem>> -> memref<!tpu.dma_semaphore, #tpu.memory_space<semaphore_mem>>
      tpu.enqueue_indirect_dma source(%dma_start3A_1381 : memref<1000000x32xf32, #tpu.memory_space<hbm>>) target(%dma_start3A_1375 : memref<50x32xf32, #tpu.memory_space<vmem>>) offsets(%dma_start3A_1378 : memref<50xi32, #tpu.memory_space<vmem>>) semaphore(%dma_start3A_1383 : memref<!tpu.dma_semaphore, #tpu.memory_space<semaphore_mem>>)
      %mul3A_1384 = arith.constant 8 : i32
      %mul3A_1385 = arith.muli %scan3A_1158, %mul3A_1384 : i32
      %add3A_1386 = arith.constant 3 : i32
      %add3A_1387 = arith.addi %mul3A_1385, %add3A_1386 : i32
      %dma_wait3A_1388 = arith.constant 3 : i32
      %dma_wait3A_1389 = arith.constant 3 : i32
      %dma_wait3A_1390 = arith.constant 0 : i32
      %dma_wait3A_1391 = arith.constant 0 : i32
      %dma_wait3A_1392 = tpu.memref_slice %arg6[%dma_wait3A_1388, %dma_wait3A_1390, %dma_wait3A_1391] : memref<8x50x32xf32, #tpu.memory_space<vmem>> -> memref<1x50x32xf32, #tpu.memory_space<vmem>>
      %dma_wait3A_1393 = tpu.memref_squeeze %dma_wait3A_1392 : memref<1x50x32xf32, #tpu.memory_space<vmem>> -> memref<50x32xf32, #tpu.memory_space<vmem>>
      %dma_wait3A_1394 = arith.constant 0 : i32
      %dma_wait3A_1395 = tpu.memref_slice %arg5[%add3A_1387, %dma_wait3A_1394] : memref<128x50xi32, #tpu.memory_space<vmem>> -> memref<1x50xi32, #tpu.memory_space<vmem>>
      %dma_wait3A_1396 = tpu.memref_squeeze %dma_wait3A_1395 : memref<1x50xi32, #tpu.memory_space<vmem>> -> memref<50xi32, #tpu.memory_space<vmem>>
      %dma_wait3A_1397 = arith.constant 0 : i32
      %dma_wait3A_1398 = arith.constant 0 : i32
      %dma_wait3A_1399 = tpu.memref_slice %arg2[%dma_wait3A_1397, %dma_wait3A_1398] : memref<1000000x32xf32, #tpu.memory_space<hbm>> -> memref<1000000x32xf32, #tpu.memory_space<hbm>>
      %dma_wait3A_1400 = tpu.memref_slice %arg7[%dma_wait3A_1389] : memref<8x!tpu.dma_semaphore, #tpu.memory_space<semaphore_mem>> -> memref<1x!tpu.dma_semaphore, #tpu.memory_space<semaphore_mem>>
      %dma_wait3A_1401 = tpu.memref_squeeze %dma_wait3A_1400 : memref<1x!tpu.dma_semaphore, #tpu.memory_space<semaphore_mem>> -> memref<!tpu.dma_semaphore, #tpu.memory_space<semaphore_mem>>
      tpu.wait_indirect_dma semaphore(%dma_wait3A_1401 : memref<!tpu.dma_semaphore, #tpu.memory_space<semaphore_mem>>) src(%dma_wait3A_1399 : memref<1000000x32xf32, #tpu.memory_space<hbm>>) dst(%dma_wait3A_1393 : memref<50x32xf32, #tpu.memory_space<vmem>>)
      %dma_wait3A_1402 = arith.constant 3 : i32
      %dma_wait3A_1403 = arith.constant 3 : i32
      %dma_wait3A_1404 = arith.constant 0 : i32
      %dma_wait3A_1405 = arith.constant 0 : i32
      %dma_wait3A_1406 = tpu.memref_slice %arg6[%dma_wait3A_1402, %dma_wait3A_1404, %dma_wait3A_1405] : memref<8x50x32xf32, #tpu.memory_space<vmem>> -> memref<1x50x32xf32, #tpu.memory_space<vmem>>
      %dma_wait3A_1407 = tpu.memref_squeeze %dma_wait3A_1406 : memref<1x50x32xf32, #tpu.memory_space<vmem>> -> memref<50x32xf32, #tpu.memory_space<vmem>>
      %dma_wait3A_1408 = arith.constant 0 : i32
      %dma_wait3A_1409 = arith.constant 0 : i32
      %dma_wait3A_1410 = tpu.memref_slice %arg4[%multiple_of3A, %dma_wait3A_1408, %dma_wait3A_1409] : memref<4096x50x32xf32, #tpu.memory_space<hbm>> -> memref<1x50x32xf32, #tpu.memory_space<hbm>>
      %dma_wait3A_1411 = tpu.memref_squeeze %dma_wait3A_1410 : memref<1x50x32xf32, #tpu.memory_space<hbm>> -> memref<50x32xf32, #tpu.memory_space<hbm>>
      %dma_wait3A_1412 = tpu.memref_slice %arg8[%dma_wait3A_1403] : memref<8x!tpu.dma_semaphore, #tpu.memory_space<semaphore_mem>> -> memref<1x!tpu.dma_semaphore, #tpu.memory_space<semaphore_mem>>
      %dma_wait3A_1413 = tpu.memref_squeeze %dma_wait3A_1412 : memref<1x!tpu.dma_semaphore, #tpu.memory_space<semaphore_mem>> -> memref<!tpu.dma_semaphore, #tpu.memory_space<semaphore_mem>>
      %dma_wait3A_1414 = arith.constant 0 : i32
      %dma_wait3A_1415 = arith.constant 0 : i32
      %dma_wait3A_1416 = tpu.memref_slice %arg4[%multiple_of3A, %dma_wait3A_1414, %dma_wait3A_1415] : memref<4096x50x32xf32, #tpu.memory_space<hbm>> -> memref<1x50x32xf32, #tpu.memory_space<hbm>>
      %dma_wait3A_1417 = tpu.memref_squeeze %dma_wait3A_1416 : memref<1x50x32xf32, #tpu.memory_space<hbm>> -> memref<50x32xf32, #tpu.memory_space<hbm>>
      %dma_wait3A_1418 = arith.constant 0 : i32
      %dma_wait3A_1419 = arith.constant 0 : i32
      %dma_wait3A_1420 = tpu.memref_slice %arg6[%dma_wait3A_1402, %dma_wait3A_1418, %dma_wait3A_1419] : memref<8x50x32xf32, #tpu.memory_space<vmem>> -> memref<1x50x32xf32, #tpu.memory_space<vmem>>
      %dma_wait3A_1421 = tpu.memref_squeeze %dma_wait3A_1420 : memref<1x50x32xf32, #tpu.memory_space<vmem>> -> memref<50x32xf32, #tpu.memory_space<vmem>>
      tpu.wait_dma2 semaphore(%dma_wait3A_1413 : memref<!tpu.dma_semaphore, #tpu.memory_space<semaphore_mem>>) src(%dma_wait3A_1421 : memref<50x32xf32, #tpu.memory_space<vmem>>) dst(%dma_wait3A_1417 : memref<50x32xf32, #tpu.memory_space<hbm>>)
      %add3A_1422 = arith.addi %multiple_of3A, %add3A_1387 : i32
      %dma_start3A_1423 = arith.constant 3 : i32
      %dma_start3A_1424 = arith.constant 3 : i32
      %dma_start3A_1425 = arith.constant 0 : i32
      %dma_start3A_1426 = arith.constant 0 : i32
      %dma_start3A_1427 = tpu.memref_slice %arg6[%dma_start3A_1423, %dma_start3A_1425, %dma_start3A_1426] : memref<8x50x32xf32, #tpu.memory_space<vmem>> -> memref<1x50x32xf32, #tpu.memory_space<vmem>>
      %dma_start3A_1428 = tpu.memref_squeeze %dma_start3A_1427 : memref<1x50x32xf32, #tpu.memory_space<vmem>> -> memref<50x32xf32, #tpu.memory_space<vmem>>
      %dma_start3A_1429 = arith.constant 0 : i32
      %dma_start3A_1430 = arith.constant 0 : i32
      %dma_start3A_1431 = tpu.memref_slice %arg4[%add3A_1422, %dma_start3A_1429, %dma_start3A_1430] : memref<4096x50x32xf32, #tpu.memory_space<hbm>> -> memref<1x50x32xf32, #tpu.memory_space<hbm>>
      %dma_start3A_1432 = tpu.memref_squeeze %dma_start3A_1431 : memref<1x50x32xf32, #tpu.memory_space<hbm>> -> memref<50x32xf32, #tpu.memory_space<hbm>>
      %dma_start3A_1433 = tpu.memref_slice %arg8[%dma_start3A_1424] : memref<8x!tpu.dma_semaphore, #tpu.memory_space<semaphore_mem>> -> memref<1x!tpu.dma_semaphore, #tpu.memory_space<semaphore_mem>>
      %dma_start3A_1434 = tpu.memref_squeeze %dma_start3A_1433 : memref<1x!tpu.dma_semaphore, #tpu.memory_space<semaphore_mem>> -> memref<!tpu.dma_semaphore, #tpu.memory_space<semaphore_mem>>
      %dma_start3A_1435 = arith.constant 0 : i32
      %dma_start3A_1436 = arith.constant 0 : i32
      %dma_start3A_1437 = tpu.memref_slice %arg4[%add3A_1422, %dma_start3A_1435, %dma_start3A_1436] : memref<4096x50x32xf32, #tpu.memory_space<hbm>> -> memref<1x50x32xf32, #tpu.memory_space<hbm>>
      %dma_start3A_1438 = tpu.memref_squeeze %dma_start3A_1437 : memref<1x50x32xf32, #tpu.memory_space<hbm>> -> memref<50x32xf32, #tpu.memory_space<hbm>>
      %dma_start3A_1439 = arith.constant 0 : i32
      %dma_start3A_1440 = arith.constant 0 : i32
      %dma_start3A_1441 = tpu.memref_slice %arg6[%dma_start3A_1423, %dma_start3A_1439, %dma_start3A_1440] : memref<8x50x32xf32, #tpu.memory_space<vmem>> -> memref<1x50x32xf32, #tpu.memory_space<vmem>>
      %dma_start3A_1442 = tpu.memref_squeeze %dma_start3A_1441 : memref<1x50x32xf32, #tpu.memory_space<vmem>> -> memref<50x32xf32, #tpu.memory_space<vmem>>
      tpu.enqueue_dma source(%dma_start3A_1442 : memref<50x32xf32, #tpu.memory_space<vmem>>) target(%dma_start3A_1438 : memref<50x32xf32, #tpu.memory_space<hbm>>) target_semaphore(%dma_start3A_1434 : memref<!tpu.dma_semaphore, #tpu.memory_space<semaphore_mem>>)
      %add3A_1443 = arith.constant 8 : i32
      %add3A_1444 = arith.addi %add3A_1387, %add3A_1443 : i32
      %dma_start3A_1445 = arith.constant 3 : i32
      %dma_start3A_1446 = arith.constant 3 : i32
      %dma_start3A_1447 = arith.constant 0 : i32
      %dma_start3A_1448 = arith.constant 0 : i32
      %dma_start3A_1449 = tpu.memref_slice %arg6[%dma_start3A_1445, %dma_start3A_1447, %dma_start3A_1448] : memref<8x50x32xf32, #tpu.memory_space<vmem>> -> memref<1x50x32xf32, #tpu.memory_space<vmem>>
      %dma_start3A_1450 = tpu.memref_squeeze %dma_start3A_1449 : memref<1x50x32xf32, #tpu.memory_space<vmem>> -> memref<50x32xf32, #tpu.memory_space<vmem>>
      %dma_start3A_1451 = arith.constant 0 : i32
      %dma_start3A_1452 = tpu.memref_slice %arg5[%add3A_1444, %dma_start3A_1451] : memref<128x50xi32, #tpu.memory_space<vmem>> -> memref<1x50xi32, #tpu.memory_space<vmem>>
      %dma_start3A_1453 = tpu.memref_squeeze %dma_start3A_1452 : memref<1x50xi32, #tpu.memory_space<vmem>> -> memref<50xi32, #tpu.memory_space<vmem>>
      %dma_start3A_1454 = arith.constant 0 : i32
      %dma_start3A_1455 = arith.constant 0 : i32
      %dma_start3A_1456 = tpu.memref_slice %arg2[%dma_start3A_1454, %dma_start3A_1455] : memref<1000000x32xf32, #tpu.memory_space<hbm>> -> memref<1000000x32xf32, #tpu.memory_space<hbm>>
      %dma_start3A_1457 = tpu.memref_slice %arg7[%dma_start3A_1446] : memref<8x!tpu.dma_semaphore, #tpu.memory_space<semaphore_mem>> -> memref<1x!tpu.dma_semaphore, #tpu.memory_space<semaphore_mem>>
      %dma_start3A_1458 = tpu.memref_squeeze %dma_start3A_1457 : memref<1x!tpu.dma_semaphore, #tpu.memory_space<semaphore_mem>> -> memref<!tpu.dma_semaphore, #tpu.memory_space<semaphore_mem>>
      tpu.enqueue_indirect_dma source(%dma_start3A_1456 : memref<1000000x32xf32, #tpu.memory_space<hbm>>) target(%dma_start3A_1450 : memref<50x32xf32, #tpu.memory_space<vmem>>) offsets(%dma_start3A_1453 : memref<50xi32, #tpu.memory_space<vmem>>) semaphore(%dma_start3A_1458 : memref<!tpu.dma_semaphore, #tpu.memory_space<semaphore_mem>>)
      %mul3A_1459 = arith.constant 8 : i32
      %mul3A_1460 = arith.muli %scan3A_1158, %mul3A_1459 : i32
      %add3A_1461 = arith.constant 4 : i32
      %add3A_1462 = arith.addi %mul3A_1460, %add3A_1461 : i32
      %dma_wait3A_1463 = arith.constant 4 : i32
      %dma_wait3A_1464 = arith.constant 4 : i32
      %dma_wait3A_1465 = arith.constant 0 : i32
      %dma_wait3A_1466 = arith.constant 0 : i32
      %dma_wait3A_1467 = tpu.memref_slice %arg6[%dma_wait3A_1463, %dma_wait3A_1465, %dma_wait3A_1466] : memref<8x50x32xf32, #tpu.memory_space<vmem>> -> memref<1x50x32xf32, #tpu.memory_space<vmem>>
      %dma_wait3A_1468 = tpu.memref_squeeze %dma_wait3A_1467 : memref<1x50x32xf32, #tpu.memory_space<vmem>> -> memref<50x32xf32, #tpu.memory_space<vmem>>
      %dma_wait3A_1469 = arith.constant 0 : i32
      %dma_wait3A_1470 = tpu.memref_slice %arg5[%add3A_1462, %dma_wait3A_1469] : memref<128x50xi32, #tpu.memory_space<vmem>> -> memref<1x50xi32, #tpu.memory_space<vmem>>
      %dma_wait3A_1471 = tpu.memref_squeeze %dma_wait3A_1470 : memref<1x50xi32, #tpu.memory_space<vmem>> -> memref<50xi32, #tpu.memory_space<vmem>>
      %dma_wait3A_1472 = arith.constant 0 : i32
      %dma_wait3A_1473 = arith.constant 0 : i32
      %dma_wait3A_1474 = tpu.memref_slice %arg2[%dma_wait3A_1472, %dma_wait3A_1473] : memref<1000000x32xf32, #tpu.memory_space<hbm>> -> memref<1000000x32xf32, #tpu.memory_space<hbm>>
      %dma_wait3A_1475 = tpu.memref_slice %arg7[%dma_wait3A_1464] : memref<8x!tpu.dma_semaphore, #tpu.memory_space<semaphore_mem>> -> memref<1x!tpu.dma_semaphore, #tpu.memory_space<semaphore_mem>>
      %dma_wait3A_1476 = tpu.memref_squeeze %dma_wait3A_1475 : memref<1x!tpu.dma_semaphore, #tpu.memory_space<semaphore_mem>> -> memref<!tpu.dma_semaphore, #tpu.memory_space<semaphore_mem>>
      tpu.wait_indirect_dma semaphore(%dma_wait3A_1476 : memref<!tpu.dma_semaphore, #tpu.memory_space<semaphore_mem>>) src(%dma_wait3A_1474 : memref<1000000x32xf32, #tpu.memory_space<hbm>>) dst(%dma_wait3A_1468 : memref<50x32xf32, #tpu.memory_space<vmem>>)
      %dma_wait3A_1477 = arith.constant 4 : i32
      %dma_wait3A_1478 = arith.constant 4 : i32
      %dma_wait3A_1479 = arith.constant 0 : i32
      %dma_wait3A_1480 = arith.constant 0 : i32
      %dma_wait3A_1481 = tpu.memref_slice %arg6[%dma_wait3A_1477, %dma_wait3A_1479, %dma_wait3A_1480] : memref<8x50x32xf32, #tpu.memory_space<vmem>> -> memref<1x50x32xf32, #tpu.memory_space<vmem>>
      %dma_wait3A_1482 = tpu.memref_squeeze %dma_wait3A_1481 : memref<1x50x32xf32, #tpu.memory_space<vmem>> -> memref<50x32xf32, #tpu.memory_space<vmem>>
      %dma_wait3A_1483 = arith.constant 0 : i32
      %dma_wait3A_1484 = arith.constant 0 : i32
      %dma_wait3A_1485 = tpu.memref_slice %arg4[%multiple_of3A, %dma_wait3A_1483, %dma_wait3A_1484] : memref<4096x50x32xf32, #tpu.memory_space<hbm>> -> memref<1x50x32xf32, #tpu.memory_space<hbm>>
      %dma_wait3A_1486 = tpu.memref_squeeze %dma_wait3A_1485 : memref<1x50x32xf32, #tpu.memory_space<hbm>> -> memref<50x32xf32, #tpu.memory_space<hbm>>
      %dma_wait3A_1487 = tpu.memref_slice %arg8[%dma_wait3A_1478] : memref<8x!tpu.dma_semaphore, #tpu.memory_space<semaphore_mem>> -> memref<1x!tpu.dma_semaphore, #tpu.memory_space<semaphore_mem>>
      %dma_wait3A_1488 = tpu.memref_squeeze %dma_wait3A_1487 : memref<1x!tpu.dma_semaphore, #tpu.memory_space<semaphore_mem>> -> memref<!tpu.dma_semaphore, #tpu.memory_space<semaphore_mem>>
      %dma_wait3A_1489 = arith.constant 0 : i32
      %dma_wait3A_1490 = arith.constant 0 : i32
      %dma_wait3A_1491 = tpu.memref_slice %arg4[%multiple_of3A, %dma_wait3A_1489, %dma_wait3A_1490] : memref<4096x50x32xf32, #tpu.memory_space<hbm>> -> memref<1x50x32xf32, #tpu.memory_space<hbm>>
      %dma_wait3A_1492 = tpu.memref_squeeze %dma_wait3A_1491 : memref<1x50x32xf32, #tpu.memory_space<hbm>> -> memref<50x32xf32, #tpu.memory_space<hbm>>
      %dma_wait3A_1493 = arith.constant 0 : i32
      %dma_wait3A_1494 = arith.constant 0 : i32
      %dma_wait3A_1495 = tpu.memref_slice %arg6[%dma_wait3A_1477, %dma_wait3A_1493, %dma_wait3A_1494] : memref<8x50x32xf32, #tpu.memory_space<vmem>> -> memref<1x50x32xf32, #tpu.memory_space<vmem>>
      %dma_wait3A_1496 = tpu.memref_squeeze %dma_wait3A_1495 : memref<1x50x32xf32, #tpu.memory_space<vmem>> -> memref<50x32xf32, #tpu.memory_space<vmem>>
      tpu.wait_dma2 semaphore(%dma_wait3A_1488 : memref<!tpu.dma_semaphore, #tpu.memory_space<semaphore_mem>>) src(%dma_wait3A_1496 : memref<50x32xf32, #tpu.memory_space<vmem>>) dst(%dma_wait3A_1492 : memref<50x32xf32, #tpu.memory_space<hbm>>)
      %add3A_1497 = arith.addi %multiple_of3A, %add3A_1462 : i32
      %dma_start3A_1498 = arith.constant 4 : i32
      %dma_start3A_1499 = arith.constant 4 : i32
      %dma_start3A_1500 = arith.constant 0 : i32
      %dma_start3A_1501 = arith.constant 0 : i32
      %dma_start3A_1502 = tpu.memref_slice %arg6[%dma_start3A_1498, %dma_start3A_1500, %dma_start3A_1501] : memref<8x50x32xf32, #tpu.memory_space<vmem>> -> memref<1x50x32xf32, #tpu.memory_space<vmem>>
      %dma_start3A_1503 = tpu.memref_squeeze %dma_start3A_1502 : memref<1x50x32xf32, #tpu.memory_space<vmem>> -> memref<50x32xf32, #tpu.memory_space<vmem>>
      %dma_start3A_1504 = arith.constant 0 : i32
      %dma_start3A_1505 = arith.constant 0 : i32
      %dma_start3A_1506 = tpu.memref_slice %arg4[%add3A_1497, %dma_start3A_1504, %dma_start3A_1505] : memref<4096x50x32xf32, #tpu.memory_space<hbm>> -> memref<1x50x32xf32, #tpu.memory_space<hbm>>
      %dma_start3A_1507 = tpu.memref_squeeze %dma_start3A_1506 : memref<1x50x32xf32, #tpu.memory_space<hbm>> -> memref<50x32xf32, #tpu.memory_space<hbm>>
      %dma_start3A_1508 = tpu.memref_slice %arg8[%dma_start3A_1499] : memref<8x!tpu.dma_semaphore, #tpu.memory_space<semaphore_mem>> -> memref<1x!tpu.dma_semaphore, #tpu.memory_space<semaphore_mem>>
      %dma_start3A_1509 = tpu.memref_squeeze %dma_start3A_1508 : memref<1x!tpu.dma_semaphore, #tpu.memory_space<semaphore_mem>> -> memref<!tpu.dma_semaphore, #tpu.memory_space<semaphore_mem>>
      %dma_start3A_1510 = arith.constant 0 : i32
      %dma_start3A_1511 = arith.constant 0 : i32
      %dma_start3A_1512 = tpu.memref_slice %arg4[%add3A_1497, %dma_start3A_1510, %dma_start3A_1511] : memref<4096x50x32xf32, #tpu.memory_space<hbm>> -> memref<1x50x32xf32, #tpu.memory_space<hbm>>
      %dma_start3A_1513 = tpu.memref_squeeze %dma_start3A_1512 : memref<1x50x32xf32, #tpu.memory_space<hbm>> -> memref<50x32xf32, #tpu.memory_space<hbm>>
      %dma_start3A_1514 = arith.constant 0 : i32
      %dma_start3A_1515 = arith.constant 0 : i32
      %dma_start3A_1516 = tpu.memref_slice %arg6[%dma_start3A_1498, %dma_start3A_1514, %dma_start3A_1515] : memref<8x50x32xf32, #tpu.memory_space<vmem>> -> memref<1x50x32xf32, #tpu.memory_space<vmem>>
      %dma_start3A_1517 = tpu.memref_squeeze %dma_start3A_1516 : memref<1x50x32xf32, #tpu.memory_space<vmem>> -> memref<50x32xf32, #tpu.memory_space<vmem>>
      tpu.enqueue_dma source(%dma_start3A_1517 : memref<50x32xf32, #tpu.memory_space<vmem>>) target(%dma_start3A_1513 : memref<50x32xf32, #tpu.memory_space<hbm>>) target_semaphore(%dma_start3A_1509 : memref<!tpu.dma_semaphore, #tpu.memory_space<semaphore_mem>>)
      %add3A_1518 = arith.constant 8 : i32
      %add3A_1519 = arith.addi %add3A_1462, %add3A_1518 : i32
      %dma_start3A_1520 = arith.constant 4 : i32
      %dma_start3A_1521 = arith.constant 4 : i32
      %dma_start3A_1522 = arith.constant 0 : i32
      %dma_start3A_1523 = arith.constant 0 : i32
      %dma_start3A_1524 = tpu.memref_slice %arg6[%dma_start3A_1520, %dma_start3A_1522, %dma_start3A_1523] : memref<8x50x32xf32, #tpu.memory_space<vmem>> -> memref<1x50x32xf32, #tpu.memory_space<vmem>>
      %dma_start3A_1525 = tpu.memref_squeeze %dma_start3A_1524 : memref<1x50x32xf32, #tpu.memory_space<vmem>> -> memref<50x32xf32, #tpu.memory_space<vmem>>
      %dma_start3A_1526 = arith.constant 0 : i32
      %dma_start3A_1527 = tpu.memref_slice %arg5[%add3A_1519, %dma_start3A_1526] : memref<128x50xi32, #tpu.memory_space<vmem>> -> memref<1x50xi32, #tpu.memory_space<vmem>>
      %dma_start3A_1528 = tpu.memref_squeeze %dma_start3A_1527 : memref<1x50xi32, #tpu.memory_space<vmem>> -> memref<50xi32, #tpu.memory_space<vmem>>
      %dma_start3A_1529 = arith.constant 0 : i32
      %dma_start3A_1530 = arith.constant 0 : i32
      %dma_start3A_1531 = tpu.memref_slice %arg2[%dma_start3A_1529, %dma_start3A_1530] : memref<1000000x32xf32, #tpu.memory_space<hbm>> -> memref<1000000x32xf32, #tpu.memory_space<hbm>>
      %dma_start3A_1532 = tpu.memref_slice %arg7[%dma_start3A_1521] : memref<8x!tpu.dma_semaphore, #tpu.memory_space<semaphore_mem>> -> memref<1x!tpu.dma_semaphore, #tpu.memory_space<semaphore_mem>>
      %dma_start3A_1533 = tpu.memref_squeeze %dma_start3A_1532 : memref<1x!tpu.dma_semaphore, #tpu.memory_space<semaphore_mem>> -> memref<!tpu.dma_semaphore, #tpu.memory_space<semaphore_mem>>
      tpu.enqueue_indirect_dma source(%dma_start3A_1531 : memref<1000000x32xf32, #tpu.memory_space<hbm>>) target(%dma_start3A_1525 : memref<50x32xf32, #tpu.memory_space<vmem>>) offsets(%dma_start3A_1528 : memref<50xi32, #tpu.memory_space<vmem>>) semaphore(%dma_start3A_1533 : memref<!tpu.dma_semaphore, #tpu.memory_space<semaphore_mem>>)
      %mul3A_1534 = arith.constant 8 : i32
      %mul3A_1535 = arith.muli %scan3A_1158, %mul3A_1534 : i32
      %add3A_1536 = arith.constant 5 : i32
      %add3A_1537 = arith.addi %mul3A_1535, %add3A_1536 : i32
      %dma_wait3A_1538 = arith.constant 5 : i32
      %dma_wait3A_1539 = arith.constant 5 : i32
      %dma_wait3A_1540 = arith.constant 0 : i32
      %dma_wait3A_1541 = arith.constant 0 : i32
      %dma_wait3A_1542 = tpu.memref_slice %arg6[%dma_wait3A_1538, %dma_wait3A_1540, %dma_wait3A_1541] : memref<8x50x32xf32, #tpu.memory_space<vmem>> -> memref<1x50x32xf32, #tpu.memory_space<vmem>>
      %dma_wait3A_1543 = tpu.memref_squeeze %dma_wait3A_1542 : memref<1x50x32xf32, #tpu.memory_space<vmem>> -> memref<50x32xf32, #tpu.memory_space<vmem>>
      %dma_wait3A_1544 = arith.constant 0 : i32
      %dma_wait3A_1545 = tpu.memref_slice %arg5[%add3A_1537, %dma_wait3A_1544] : memref<128x50xi32, #tpu.memory_space<vmem>> -> memref<1x50xi32, #tpu.memory_space<vmem>>
      %dma_wait3A_1546 = tpu.memref_squeeze %dma_wait3A_1545 : memref<1x50xi32, #tpu.memory_space<vmem>> -> memref<50xi32, #tpu.memory_space<vmem>>
      %dma_wait3A_1547 = arith.constant 0 : i32
      %dma_wait3A_1548 = arith.constant 0 : i32
      %dma_wait3A_1549 = tpu.memref_slice %arg2[%dma_wait3A_1547, %dma_wait3A_1548] : memref<1000000x32xf32, #tpu.memory_space<hbm>> -> memref<1000000x32xf32, #tpu.memory_space<hbm>>
      %dma_wait3A_1550 = tpu.memref_slice %arg7[%dma_wait3A_1539] : memref<8x!tpu.dma_semaphore, #tpu.memory_space<semaphore_mem>> -> memref<1x!tpu.dma_semaphore, #tpu.memory_space<semaphore_mem>>
      %dma_wait3A_1551 = tpu.memref_squeeze %dma_wait3A_1550 : memref<1x!tpu.dma_semaphore, #tpu.memory_space<semaphore_mem>> -> memref<!tpu.dma_semaphore, #tpu.memory_space<semaphore_mem>>
      tpu.wait_indirect_dma semaphore(%dma_wait3A_1551 : memref<!tpu.dma_semaphore, #tpu.memory_space<semaphore_mem>>) src(%dma_wait3A_1549 : memref<1000000x32xf32, #tpu.memory_space<hbm>>) dst(%dma_wait3A_1543 : memref<50x32xf32, #tpu.memory_space<vmem>>)
      %dma_wait3A_1552 = arith.constant 5 : i32
      %dma_wait3A_1553 = arith.constant 5 : i32
      %dma_wait3A_1554 = arith.constant 0 : i32
      %dma_wait3A_1555 = arith.constant 0 : i32
      %dma_wait3A_1556 = tpu.memref_slice %arg6[%dma_wait3A_1552, %dma_wait3A_1554, %dma_wait3A_1555] : memref<8x50x32xf32, #tpu.memory_space<vmem>> -> memref<1x50x32xf32, #tpu.memory_space<vmem>>
      %dma_wait3A_1557 = tpu.memref_squeeze %dma_wait3A_1556 : memref<1x50x32xf32, #tpu.memory_space<vmem>> -> memref<50x32xf32, #tpu.memory_space<vmem>>
      %dma_wait3A_1558 = arith.constant 0 : i32
      %dma_wait3A_1559 = arith.constant 0 : i32
      %dma_wait3A_1560 = tpu.memref_slice %arg4[%multiple_of3A, %dma_wait3A_1558, %dma_wait3A_1559] : memref<4096x50x32xf32, #tpu.memory_space<hbm>> -> memref<1x50x32xf32, #tpu.memory_space<hbm>>
      %dma_wait3A_1561 = tpu.memref_squeeze %dma_wait3A_1560 : memref<1x50x32xf32, #tpu.memory_space<hbm>> -> memref<50x32xf32, #tpu.memory_space<hbm>>
      %dma_wait3A_1562 = tpu.memref_slice %arg8[%dma_wait3A_1553] : memref<8x!tpu.dma_semaphore, #tpu.memory_space<semaphore_mem>> -> memref<1x!tpu.dma_semaphore, #tpu.memory_space<semaphore_mem>>
      %dma_wait3A_1563 = tpu.memref_squeeze %dma_wait3A_1562 : memref<1x!tpu.dma_semaphore, #tpu.memory_space<semaphore_mem>> -> memref<!tpu.dma_semaphore, #tpu.memory_space<semaphore_mem>>
      %dma_wait3A_1564 = arith.constant 0 : i32
      %dma_wait3A_1565 = arith.constant 0 : i32
      %dma_wait3A_1566 = tpu.memref_slice %arg4[%multiple_of3A, %dma_wait3A_1564, %dma_wait3A_1565] : memref<4096x50x32xf32, #tpu.memory_space<hbm>> -> memref<1x50x32xf32, #tpu.memory_space<hbm>>
      %dma_wait3A_1567 = tpu.memref_squeeze %dma_wait3A_1566 : memref<1x50x32xf32, #tpu.memory_space<hbm>> -> memref<50x32xf32, #tpu.memory_space<hbm>>
      %dma_wait3A_1568 = arith.constant 0 : i32
      %dma_wait3A_1569 = arith.constant 0 : i32
      %dma_wait3A_1570 = tpu.memref_slice %arg6[%dma_wait3A_1552, %dma_wait3A_1568, %dma_wait3A_1569] : memref<8x50x32xf32, #tpu.memory_space<vmem>> -> memref<1x50x32xf32, #tpu.memory_space<vmem>>
      %dma_wait3A_1571 = tpu.memref_squeeze %dma_wait3A_1570 : memref<1x50x32xf32, #tpu.memory_space<vmem>> -> memref<50x32xf32, #tpu.memory_space<vmem>>
      tpu.wait_dma2 semaphore(%dma_wait3A_1563 : memref<!tpu.dma_semaphore, #tpu.memory_space<semaphore_mem>>) src(%dma_wait3A_1571 : memref<50x32xf32, #tpu.memory_space<vmem>>) dst(%dma_wait3A_1567 : memref<50x32xf32, #tpu.memory_space<hbm>>)
      %add3A_1572 = arith.addi %multiple_of3A, %add3A_1537 : i32
      %dma_start3A_1573 = arith.constant 5 : i32
      %dma_start3A_1574 = arith.constant 5 : i32
      %dma_start3A_1575 = arith.constant 0 : i32
      %dma_start3A_1576 = arith.constant 0 : i32
      %dma_start3A_1577 = tpu.memref_slice %arg6[%dma_start3A_1573, %dma_start3A_1575, %dma_start3A_1576] : memref<8x50x32xf32, #tpu.memory_space<vmem>> -> memref<1x50x32xf32, #tpu.memory_space<vmem>>
      %dma_start3A_1578 = tpu.memref_squeeze %dma_start3A_1577 : memref<1x50x32xf32, #tpu.memory_space<vmem>> -> memref<50x32xf32, #tpu.memory_space<vmem>>
      %dma_start3A_1579 = arith.constant 0 : i32
      %dma_start3A_1580 = arith.constant 0 : i32
      %dma_start3A_1581 = tpu.memref_slice %arg4[%add3A_1572, %dma_start3A_1579, %dma_start3A_1580] : memref<4096x50x32xf32, #tpu.memory_space<hbm>> -> memref<1x50x32xf32, #tpu.memory_space<hbm>>
      %dma_start3A_1582 = tpu.memref_squeeze %dma_start3A_1581 : memref<1x50x32xf32, #tpu.memory_space<hbm>> -> memref<50x32xf32, #tpu.memory_space<hbm>>
      %dma_start3A_1583 = tpu.memref_slice %arg8[%dma_start3A_1574] : memref<8x!tpu.dma_semaphore, #tpu.memory_space<semaphore_mem>> -> memref<1x!tpu.dma_semaphore, #tpu.memory_space<semaphore_mem>>
      %dma_start3A_1584 = tpu.memref_squeeze %dma_start3A_1583 : memref<1x!tpu.dma_semaphore, #tpu.memory_space<semaphore_mem>> -> memref<!tpu.dma_semaphore, #tpu.memory_space<semaphore_mem>>
      %dma_start3A_1585 = arith.constant 0 : i32
      %dma_start3A_1586 = arith.constant 0 : i32
      %dma_start3A_1587 = tpu.memref_slice %arg4[%add3A_1572, %dma_start3A_1585, %dma_start3A_1586] : memref<4096x50x32xf32, #tpu.memory_space<hbm>> -> memref<1x50x32xf32, #tpu.memory_space<hbm>>
      %dma_start3A_1588 = tpu.memref_squeeze %dma_start3A_1587 : memref<1x50x32xf32, #tpu.memory_space<hbm>> -> memref<50x32xf32, #tpu.memory_space<hbm>>
      %dma_start3A_1589 = arith.constant 0 : i32
      %dma_start3A_1590 = arith.constant 0 : i32
      %dma_start3A_1591 = tpu.memref_slice %arg6[%dma_start3A_1573, %dma_start3A_1589, %dma_start3A_1590] : memref<8x50x32xf32, #tpu.memory_space<vmem>> -> memref<1x50x32xf32, #tpu.memory_space<vmem>>
      %dma_start3A_1592 = tpu.memref_squeeze %dma_start3A_1591 : memref<1x50x32xf32, #tpu.memory_space<vmem>> -> memref<50x32xf32, #tpu.memory_space<vmem>>
      tpu.enqueue_dma source(%dma_start3A_1592 : memref<50x32xf32, #tpu.memory_space<vmem>>) target(%dma_start3A_1588 : memref<50x32xf32, #tpu.memory_space<hbm>>) target_semaphore(%dma_start3A_1584 : memref<!tpu.dma_semaphore, #tpu.memory_space<semaphore_mem>>)
      %add3A_1593 = arith.constant 8 : i32
      %add3A_1594 = arith.addi %add3A_1537, %add3A_1593 : i32
      %dma_start3A_1595 = arith.constant 5 : i32
      %dma_start3A_1596 = arith.constant 5 : i32
      %dma_start3A_1597 = arith.constant 0 : i32
      %dma_start3A_1598 = arith.constant 0 : i32
      %dma_start3A_1599 = tpu.memref_slice %arg6[%dma_start3A_1595, %dma_start3A_1597, %dma_start3A_1598] : memref<8x50x32xf32, #tpu.memory_space<vmem>> -> memref<1x50x32xf32, #tpu.memory_space<vmem>>
      %dma_start3A_1600 = tpu.memref_squeeze %dma_start3A_1599 : memref<1x50x32xf32, #tpu.memory_space<vmem>> -> memref<50x32xf32, #tpu.memory_space<vmem>>
      %dma_start3A_1601 = arith.constant 0 : i32
      %dma_start3A_1602 = tpu.memref_slice %arg5[%add3A_1594, %dma_start3A_1601] : memref<128x50xi32, #tpu.memory_space<vmem>> -> memref<1x50xi32, #tpu.memory_space<vmem>>
      %dma_start3A_1603 = tpu.memref_squeeze %dma_start3A_1602 : memref<1x50xi32, #tpu.memory_space<vmem>> -> memref<50xi32, #tpu.memory_space<vmem>>
      %dma_start3A_1604 = arith.constant 0 : i32
      %dma_start3A_1605 = arith.constant 0 : i32
      %dma_start3A_1606 = tpu.memref_slice %arg2[%dma_start3A_1604, %dma_start3A_1605] : memref<1000000x32xf32, #tpu.memory_space<hbm>> -> memref<1000000x32xf32, #tpu.memory_space<hbm>>
      %dma_start3A_1607 = tpu.memref_slice %arg7[%dma_start3A_1596] : memref<8x!tpu.dma_semaphore, #tpu.memory_space<semaphore_mem>> -> memref<1x!tpu.dma_semaphore, #tpu.memory_space<semaphore_mem>>
      %dma_start3A_1608 = tpu.memref_squeeze %dma_start3A_1607 : memref<1x!tpu.dma_semaphore, #tpu.memory_space<semaphore_mem>> -> memref<!tpu.dma_semaphore, #tpu.memory_space<semaphore_mem>>
      tpu.enqueue_indirect_dma source(%dma_start3A_1606 : memref<1000000x32xf32, #tpu.memory_space<hbm>>) target(%dma_start3A_1600 : memref<50x32xf32, #tpu.memory_space<vmem>>) offsets(%dma_start3A_1603 : memref<50xi32, #tpu.memory_space<vmem>>) semaphore(%dma_start3A_1608 : memref<!tpu.dma_semaphore, #tpu.memory_space<semaphore_mem>>)
      %mul3A_1609 = arith.constant 8 : i32
      %mul3A_1610 = arith.muli %scan3A_1158, %mul3A_1609 : i32
      %add3A_1611 = arith.constant 6 : i32
      %add3A_1612 = arith.addi %mul3A_1610, %add3A_1611 : i32
      %dma_wait3A_1613 = arith.constant 6 : i32
      %dma_wait3A_1614 = arith.constant 6 : i32
      %dma_wait3A_1615 = arith.constant 0 : i32
      %dma_wait3A_1616 = arith.constant 0 : i32
      %dma_wait3A_1617 = tpu.memref_slice %arg6[%dma_wait3A_1613, %dma_wait3A_1615, %dma_wait3A_1616] : memref<8x50x32xf32, #tpu.memory_space<vmem>> -> memref<1x50x32xf32, #tpu.memory_space<vmem>>
      %dma_wait3A_1618 = tpu.memref_squeeze %dma_wait3A_1617 : memref<1x50x32xf32, #tpu.memory_space<vmem>> -> memref<50x32xf32, #tpu.memory_space<vmem>>
      %dma_wait3A_1619 = arith.constant 0 : i32
      %dma_wait3A_1620 = tpu.memref_slice %arg5[%add3A_1612, %dma_wait3A_1619] : memref<128x50xi32, #tpu.memory_space<vmem>> -> memref<1x50xi32, #tpu.memory_space<vmem>>
      %dma_wait3A_1621 = tpu.memref_squeeze %dma_wait3A_1620 : memref<1x50xi32, #tpu.memory_space<vmem>> -> memref<50xi32, #tpu.memory_space<vmem>>
      %dma_wait3A_1622 = arith.constant 0 : i32
      %dma_wait3A_1623 = arith.constant 0 : i32
      %dma_wait3A_1624 = tpu.memref_slice %arg2[%dma_wait3A_1622, %dma_wait3A_1623] : memref<1000000x32xf32, #tpu.memory_space<hbm>> -> memref<1000000x32xf32, #tpu.memory_space<hbm>>
      %dma_wait3A_1625 = tpu.memref_slice %arg7[%dma_wait3A_1614] : memref<8x!tpu.dma_semaphore, #tpu.memory_space<semaphore_mem>> -> memref<1x!tpu.dma_semaphore, #tpu.memory_space<semaphore_mem>>
      %dma_wait3A_1626 = tpu.memref_squeeze %dma_wait3A_1625 : memref<1x!tpu.dma_semaphore, #tpu.memory_space<semaphore_mem>> -> memref<!tpu.dma_semaphore, #tpu.memory_space<semaphore_mem>>
      tpu.wait_indirect_dma semaphore(%dma_wait3A_1626 : memref<!tpu.dma_semaphore, #tpu.memory_space<semaphore_mem>>) src(%dma_wait3A_1624 : memref<1000000x32xf32, #tpu.memory_space<hbm>>) dst(%dma_wait3A_1618 : memref<50x32xf32, #tpu.memory_space<vmem>>)
      %dma_wait3A_1627 = arith.constant 6 : i32
      %dma_wait3A_1628 = arith.constant 6 : i32
      %dma_wait3A_1629 = arith.constant 0 : i32
      %dma_wait3A_1630 = arith.constant 0 : i32
      %dma_wait3A_1631 = tpu.memref_slice %arg6[%dma_wait3A_1627, %dma_wait3A_1629, %dma_wait3A_1630] : memref<8x50x32xf32, #tpu.memory_space<vmem>> -> memref<1x50x32xf32, #tpu.memory_space<vmem>>
      %dma_wait3A_1632 = tpu.memref_squeeze %dma_wait3A_1631 : memref<1x50x32xf32, #tpu.memory_space<vmem>> -> memref<50x32xf32, #tpu.memory_space<vmem>>
      %dma_wait3A_1633 = arith.constant 0 : i32
      %dma_wait3A_1634 = arith.constant 0 : i32
      %dma_wait3A_1635 = tpu.memref_slice %arg4[%multiple_of3A, %dma_wait3A_1633, %dma_wait3A_1634] : memref<4096x50x32xf32, #tpu.memory_space<hbm>> -> memref<1x50x32xf32, #tpu.memory_space<hbm>>
      %dma_wait3A_1636 = tpu.memref_squeeze %dma_wait3A_1635 : memref<1x50x32xf32, #tpu.memory_space<hbm>> -> memref<50x32xf32, #tpu.memory_space<hbm>>
      %dma_wait3A_1637 = tpu.memref_slice %arg8[%dma_wait3A_1628] : memref<8x!tpu.dma_semaphore, #tpu.memory_space<semaphore_mem>> -> memref<1x!tpu.dma_semaphore, #tpu.memory_space<semaphore_mem>>
      %dma_wait3A_1638 = tpu.memref_squeeze %dma_wait3A_1637 : memref<1x!tpu.dma_semaphore, #tpu.memory_space<semaphore_mem>> -> memref<!tpu.dma_semaphore, #tpu.memory_space<semaphore_mem>>
      %dma_wait3A_1639 = arith.constant 0 : i32
      %dma_wait3A_1640 = arith.constant 0 : i32
      %dma_wait3A_1641 = tpu.memref_slice %arg4[%multiple_of3A, %dma_wait3A_1639, %dma_wait3A_1640] : memref<4096x50x32xf32, #tpu.memory_space<hbm>> -> memref<1x50x32xf32, #tpu.memory_space<hbm>>
      %dma_wait3A_1642 = tpu.memref_squeeze %dma_wait3A_1641 : memref<1x50x32xf32, #tpu.memory_space<hbm>> -> memref<50x32xf32, #tpu.memory_space<hbm>>
      %dma_wait3A_1643 = arith.constant 0 : i32
      %dma_wait3A_1644 = arith.constant 0 : i32
      %dma_wait3A_1645 = tpu.memref_slice %arg6[%dma_wait3A_1627, %dma_wait3A_1643, %dma_wait3A_1644] : memref<8x50x32xf32, #tpu.memory_space<vmem>> -> memref<1x50x32xf32, #tpu.memory_space<vmem>>
      %dma_wait3A_1646 = tpu.memref_squeeze %dma_wait3A_1645 : memref<1x50x32xf32, #tpu.memory_space<vmem>> -> memref<50x32xf32, #tpu.memory_space<vmem>>
      tpu.wait_dma2 semaphore(%dma_wait3A_1638 : memref<!tpu.dma_semaphore, #tpu.memory_space<semaphore_mem>>) src(%dma_wait3A_1646 : memref<50x32xf32, #tpu.memory_space<vmem>>) dst(%dma_wait3A_1642 : memref<50x32xf32, #tpu.memory_space<hbm>>)
      %add3A_1647 = arith.addi %multiple_of3A, %add3A_1612 : i32
      %dma_start3A_1648 = arith.constant 6 : i32
      %dma_start3A_1649 = arith.constant 6 : i32
      %dma_start3A_1650 = arith.constant 0 : i32
      %dma_start3A_1651 = arith.constant 0 : i32
      %dma_start3A_1652 = tpu.memref_slice %arg6[%dma_start3A_1648, %dma_start3A_1650, %dma_start3A_1651] : memref<8x50x32xf32, #tpu.memory_space<vmem>> -> memref<1x50x32xf32, #tpu.memory_space<vmem>>
      %dma_start3A_1653 = tpu.memref_squeeze %dma_start3A_1652 : memref<1x50x32xf32, #tpu.memory_space<vmem>> -> memref<50x32xf32, #tpu.memory_space<vmem>>
      %dma_start3A_1654 = arith.constant 0 : i32
      %dma_start3A_1655 = arith.constant 0 : i32
      %dma_start3A_1656 = tpu.memref_slice %arg4[%add3A_1647, %dma_start3A_1654, %dma_start3A_1655] : memref<4096x50x32xf32, #tpu.memory_space<hbm>> -> memref<1x50x32xf32, #tpu.memory_space<hbm>>
      %dma_start3A_1657 = tpu.memref_squeeze %dma_start3A_1656 : memref<1x50x32xf32, #tpu.memory_space<hbm>> -> memref<50x32xf32, #tpu.memory_space<hbm>>
      %dma_start3A_1658 = tpu.memref_slice %arg8[%dma_start3A_1649] : memref<8x!tpu.dma_semaphore, #tpu.memory_space<semaphore_mem>> -> memref<1x!tpu.dma_semaphore, #tpu.memory_space<semaphore_mem>>
      %dma_start3A_1659 = tpu.memref_squeeze %dma_start3A_1658 : memref<1x!tpu.dma_semaphore, #tpu.memory_space<semaphore_mem>> -> memref<!tpu.dma_semaphore, #tpu.memory_space<semaphore_mem>>
      %dma_start3A_1660 = arith.constant 0 : i32
      %dma_start3A_1661 = arith.constant 0 : i32
      %dma_start3A_1662 = tpu.memref_slice %arg4[%add3A_1647, %dma_start3A_1660, %dma_start3A_1661] : memref<4096x50x32xf32, #tpu.memory_space<hbm>> -> memref<1x50x32xf32, #tpu.memory_space<hbm>>
      %dma_start3A_1663 = tpu.memref_squeeze %dma_start3A_1662 : memref<1x50x32xf32, #tpu.memory_space<hbm>> -> memref<50x32xf32, #tpu.memory_space<hbm>>
      %dma_start3A_1664 = arith.constant 0 : i32
      %dma_start3A_1665 = arith.constant 0 : i32
      %dma_start3A_1666 = tpu.memref_slice %arg6[%dma_start3A_1648, %dma_start3A_1664, %dma_start3A_1665] : memref<8x50x32xf32, #tpu.memory_space<vmem>> -> memref<1x50x32xf32, #tpu.memory_space<vmem>>
      %dma_start3A_1667 = tpu.memref_squeeze %dma_start3A_1666 : memref<1x50x32xf32, #tpu.memory_space<vmem>> -> memref<50x32xf32, #tpu.memory_space<vmem>>
      tpu.enqueue_dma source(%dma_start3A_1667 : memref<50x32xf32, #tpu.memory_space<vmem>>) target(%dma_start3A_1663 : memref<50x32xf32, #tpu.memory_space<hbm>>) target_semaphore(%dma_start3A_1659 : memref<!tpu.dma_semaphore, #tpu.memory_space<semaphore_mem>>)
      %add3A_1668 = arith.constant 8 : i32
      %add3A_1669 = arith.addi %add3A_1612, %add3A_1668 : i32
      %dma_start3A_1670 = arith.constant 6 : i32
      %dma_start3A_1671 = arith.constant 6 : i32
      %dma_start3A_1672 = arith.constant 0 : i32
      %dma_start3A_1673 = arith.constant 0 : i32
      %dma_start3A_1674 = tpu.memref_slice %arg6[%dma_start3A_1670, %dma_start3A_1672, %dma_start3A_1673] : memref<8x50x32xf32, #tpu.memory_space<vmem>> -> memref<1x50x32xf32, #tpu.memory_space<vmem>>
      %dma_start3A_1675 = tpu.memref_squeeze %dma_start3A_1674 : memref<1x50x32xf32, #tpu.memory_space<vmem>> -> memref<50x32xf32, #tpu.memory_space<vmem>>
      %dma_start3A_1676 = arith.constant 0 : i32
      %dma_start3A_1677 = tpu.memref_slice %arg5[%add3A_1669, %dma_start3A_1676] : memref<128x50xi32, #tpu.memory_space<vmem>> -> memref<1x50xi32, #tpu.memory_space<vmem>>
      %dma_start3A_1678 = tpu.memref_squeeze %dma_start3A_1677 : memref<1x50xi32, #tpu.memory_space<vmem>> -> memref<50xi32, #tpu.memory_space<vmem>>
      %dma_start3A_1679 = arith.constant 0 : i32
      %dma_start3A_1680 = arith.constant 0 : i32
      %dma_start3A_1681 = tpu.memref_slice %arg2[%dma_start3A_1679, %dma_start3A_1680] : memref<1000000x32xf32, #tpu.memory_space<hbm>> -> memref<1000000x32xf32, #tpu.memory_space<hbm>>
      %dma_start3A_1682 = tpu.memref_slice %arg7[%dma_start3A_1671] : memref<8x!tpu.dma_semaphore, #tpu.memory_space<semaphore_mem>> -> memref<1x!tpu.dma_semaphore, #tpu.memory_space<semaphore_mem>>
      %dma_start3A_1683 = tpu.memref_squeeze %dma_start3A_1682 : memref<1x!tpu.dma_semaphore, #tpu.memory_space<semaphore_mem>> -> memref<!tpu.dma_semaphore, #tpu.memory_space<semaphore_mem>>
      tpu.enqueue_indirect_dma source(%dma_start3A_1681 : memref<1000000x32xf32, #tpu.memory_space<hbm>>) target(%dma_start3A_1675 : memref<50x32xf32, #tpu.memory_space<vmem>>) offsets(%dma_start3A_1678 : memref<50xi32, #tpu.memory_space<vmem>>) semaphore(%dma_start3A_1683 : memref<!tpu.dma_semaphore, #tpu.memory_space<semaphore_mem>>)
      %mul3A_1684 = arith.constant 8 : i32
      %mul3A_1685 = arith.muli %scan3A_1158, %mul3A_1684 : i32
      %add3A_1686 = arith.constant 7 : i32
      %add3A_1687 = arith.addi %mul3A_1685, %add3A_1686 : i32
      %dma_wait3A_1688 = arith.constant 7 : i32
      %dma_wait3A_1689 = arith.constant 7 : i32
      %dma_wait3A_1690 = arith.constant 0 : i32
      %dma_wait3A_1691 = arith.constant 0 : i32
      %dma_wait3A_1692 = tpu.memref_slice %arg6[%dma_wait3A_1688, %dma_wait3A_1690, %dma_wait3A_1691] : memref<8x50x32xf32, #tpu.memory_space<vmem>> -> memref<1x50x32xf32, #tpu.memory_space<vmem>>
      %dma_wait3A_1693 = tpu.memref_squeeze %dma_wait3A_1692 : memref<1x50x32xf32, #tpu.memory_space<vmem>> -> memref<50x32xf32, #tpu.memory_space<vmem>>
      %dma_wait3A_1694 = arith.constant 0 : i32
      %dma_wait3A_1695 = tpu.memref_slice %arg5[%add3A_1687, %dma_wait3A_1694] : memref<128x50xi32, #tpu.memory_space<vmem>> -> memref<1x50xi32, #tpu.memory_space<vmem>>
      %dma_wait3A_1696 = tpu.memref_squeeze %dma_wait3A_1695 : memref<1x50xi32, #tpu.memory_space<vmem>> -> memref<50xi32, #tpu.memory_space<vmem>>
      %dma_wait3A_1697 = arith.constant 0 : i32
      %dma_wait3A_1698 = arith.constant 0 : i32
      %dma_wait3A_1699 = tpu.memref_slice %arg2[%dma_wait3A_1697, %dma_wait3A_1698] : memref<1000000x32xf32, #tpu.memory_space<hbm>> -> memref<1000000x32xf32, #tpu.memory_space<hbm>>
      %dma_wait3A_1700 = tpu.memref_slice %arg7[%dma_wait3A_1689] : memref<8x!tpu.dma_semaphore, #tpu.memory_space<semaphore_mem>> -> memref<1x!tpu.dma_semaphore, #tpu.memory_space<semaphore_mem>>
      %dma_wait3A_1701 = tpu.memref_squeeze %dma_wait3A_1700 : memref<1x!tpu.dma_semaphore, #tpu.memory_space<semaphore_mem>> -> memref<!tpu.dma_semaphore, #tpu.memory_space<semaphore_mem>>
      tpu.wait_indirect_dma semaphore(%dma_wait3A_1701 : memref<!tpu.dma_semaphore, #tpu.memory_space<semaphore_mem>>) src(%dma_wait3A_1699 : memref<1000000x32xf32, #tpu.memory_space<hbm>>) dst(%dma_wait3A_1693 : memref<50x32xf32, #tpu.memory_space<vmem>>)
      %dma_wait3A_1702 = arith.constant 7 : i32
      %dma_wait3A_1703 = arith.constant 7 : i32
      %dma_wait3A_1704 = arith.constant 0 : i32
      %dma_wait3A_1705 = arith.constant 0 : i32
      %dma_wait3A_1706 = tpu.memref_slice %arg6[%dma_wait3A_1702, %dma_wait3A_1704, %dma_wait3A_1705] : memref<8x50x32xf32, #tpu.memory_space<vmem>> -> memref<1x50x32xf32, #tpu.memory_space<vmem>>
      %dma_wait3A_1707 = tpu.memref_squeeze %dma_wait3A_1706 : memref<1x50x32xf32, #tpu.memory_space<vmem>> -> memref<50x32xf32, #tpu.memory_space<vmem>>
      %dma_wait3A_1708 = arith.constant 0 : i32
      %dma_wait3A_1709 = arith.constant 0 : i32
      %dma_wait3A_1710 = tpu.memref_slice %arg4[%multiple_of3A, %dma_wait3A_1708, %dma_wait3A_1709] : memref<4096x50x32xf32, #tpu.memory_space<hbm>> -> memref<1x50x32xf32, #tpu.memory_space<hbm>>
      %dma_wait3A_1711 = tpu.memref_squeeze %dma_wait3A_1710 : memref<1x50x32xf32, #tpu.memory_space<hbm>> -> memref<50x32xf32, #tpu.memory_space<hbm>>
      %dma_wait3A_1712 = tpu.memref_slice %arg8[%dma_wait3A_1703] : memref<8x!tpu.dma_semaphore, #tpu.memory_space<semaphore_mem>> -> memref<1x!tpu.dma_semaphore, #tpu.memory_space<semaphore_mem>>
      %dma_wait3A_1713 = tpu.memref_squeeze %dma_wait3A_1712 : memref<1x!tpu.dma_semaphore, #tpu.memory_space<semaphore_mem>> -> memref<!tpu.dma_semaphore, #tpu.memory_space<semaphore_mem>>
      %dma_wait3A_1714 = arith.constant 0 : i32
      %dma_wait3A_1715 = arith.constant 0 : i32
      %dma_wait3A_1716 = tpu.memref_slice %arg4[%multiple_of3A, %dma_wait3A_1714, %dma_wait3A_1715] : memref<4096x50x32xf32, #tpu.memory_space<hbm>> -> memref<1x50x32xf32, #tpu.memory_space<hbm>>
      %dma_wait3A_1717 = tpu.memref_squeeze %dma_wait3A_1716 : memref<1x50x32xf32, #tpu.memory_space<hbm>> -> memref<50x32xf32, #tpu.memory_space<hbm>>
      %dma_wait3A_1718 = arith.constant 0 : i32
      %dma_wait3A_1719 = arith.constant 0 : i32
      %dma_wait3A_1720 = tpu.memref_slice %arg6[%dma_wait3A_1702, %dma_wait3A_1718, %dma_wait3A_1719] : memref<8x50x32xf32, #tpu.memory_space<vmem>> -> memref<1x50x32xf32, #tpu.memory_space<vmem>>
      %dma_wait3A_1721 = tpu.memref_squeeze %dma_wait3A_1720 : memref<1x50x32xf32, #tpu.memory_space<vmem>> -> memref<50x32xf32, #tpu.memory_space<vmem>>
      tpu.wait_dma2 semaphore(%dma_wait3A_1713 : memref<!tpu.dma_semaphore, #tpu.memory_space<semaphore_mem>>) src(%dma_wait3A_1721 : memref<50x32xf32, #tpu.memory_space<vmem>>) dst(%dma_wait3A_1717 : memref<50x32xf32, #tpu.memory_space<hbm>>)
      %add3A_1722 = arith.addi %multiple_of3A, %add3A_1687 : i32
      %dma_start3A_1723 = arith.constant 7 : i32
      %dma_start3A_1724 = arith.constant 7 : i32
      %dma_start3A_1725 = arith.constant 0 : i32
      %dma_start3A_1726 = arith.constant 0 : i32
      %dma_start3A_1727 = tpu.memref_slice %arg6[%dma_start3A_1723, %dma_start3A_1725, %dma_start3A_1726] : memref<8x50x32xf32, #tpu.memory_space<vmem>> -> memref<1x50x32xf32, #tpu.memory_space<vmem>>
      %dma_start3A_1728 = tpu.memref_squeeze %dma_start3A_1727 : memref<1x50x32xf32, #tpu.memory_space<vmem>> -> memref<50x32xf32, #tpu.memory_space<vmem>>
      %dma_start3A_1729 = arith.constant 0 : i32
      %dma_start3A_1730 = arith.constant 0 : i32
      %dma_start3A_1731 = tpu.memref_slice %arg4[%add3A_1722, %dma_start3A_1729, %dma_start3A_1730] : memref<4096x50x32xf32, #tpu.memory_space<hbm>> -> memref<1x50x32xf32, #tpu.memory_space<hbm>>
      %dma_start3A_1732 = tpu.memref_squeeze %dma_start3A_1731 : memref<1x50x32xf32, #tpu.memory_space<hbm>> -> memref<50x32xf32, #tpu.memory_space<hbm>>
      %dma_start3A_1733 = tpu.memref_slice %arg8[%dma_start3A_1724] : memref<8x!tpu.dma_semaphore, #tpu.memory_space<semaphore_mem>> -> memref<1x!tpu.dma_semaphore, #tpu.memory_space<semaphore_mem>>
      %dma_start3A_1734 = tpu.memref_squeeze %dma_start3A_1733 : memref<1x!tpu.dma_semaphore, #tpu.memory_space<semaphore_mem>> -> memref<!tpu.dma_semaphore, #tpu.memory_space<semaphore_mem>>
      %dma_start3A_1735 = arith.constant 0 : i32
      %dma_start3A_1736 = arith.constant 0 : i32
      %dma_start3A_1737 = tpu.memref_slice %arg4[%add3A_1722, %dma_start3A_1735, %dma_start3A_1736] : memref<4096x50x32xf32, #tpu.memory_space<hbm>> -> memref<1x50x32xf32, #tpu.memory_space<hbm>>
      %dma_start3A_1738 = tpu.memref_squeeze %dma_start3A_1737 : memref<1x50x32xf32, #tpu.memory_space<hbm>> -> memref<50x32xf32, #tpu.memory_space<hbm>>
      %dma_start3A_1739 = arith.constant 0 : i32
      %dma_start3A_1740 = arith.constant 0 : i32
      %dma_start3A_1741 = tpu.memref_slice %arg6[%dma_start3A_1723, %dma_start3A_1739, %dma_start3A_1740] : memref<8x50x32xf32, #tpu.memory_space<vmem>> -> memref<1x50x32xf32, #tpu.memory_space<vmem>>
      %dma_start3A_1742 = tpu.memref_squeeze %dma_start3A_1741 : memref<1x50x32xf32, #tpu.memory_space<vmem>> -> memref<50x32xf32, #tpu.memory_space<vmem>>
      tpu.enqueue_dma source(%dma_start3A_1742 : memref<50x32xf32, #tpu.memory_space<vmem>>) target(%dma_start3A_1738 : memref<50x32xf32, #tpu.memory_space<hbm>>) target_semaphore(%dma_start3A_1734 : memref<!tpu.dma_semaphore, #tpu.memory_space<semaphore_mem>>)
      %add3A_1743 = arith.constant 8 : i32
      %add3A_1744 = arith.addi %add3A_1687, %add3A_1743 : i32
      %dma_start3A_1745 = arith.constant 7 : i32
      %dma_start3A_1746 = arith.constant 7 : i32
      %dma_start3A_1747 = arith.constant 0 : i32
      %dma_start3A_1748 = arith.constant 0 : i32
      %dma_start3A_1749 = tpu.memref_slice %arg6[%dma_start3A_1745, %dma_start3A_1747, %dma_start3A_1748] : memref<8x50x32xf32, #tpu.memory_space<vmem>> -> memref<1x50x32xf32, #tpu.memory_space<vmem>>
      %dma_start3A_1750 = tpu.memref_squeeze %dma_start3A_1749 : memref<1x50x32xf32, #tpu.memory_space<vmem>> -> memref<50x32xf32, #tpu.memory_space<vmem>>
      %dma_start3A_1751 = arith.constant 0 : i32
      %dma_start3A_1752 = tpu.memref_slice %arg5[%add3A_1744, %dma_start3A_1751] : memref<128x50xi32, #tpu.memory_space<vmem>> -> memref<1x50xi32, #tpu.memory_space<vmem>>
      %dma_start3A_1753 = tpu.memref_squeeze %dma_start3A_1752 : memref<1x50xi32, #tpu.memory_space<vmem>> -> memref<50xi32, #tpu.memory_space<vmem>>
      %dma_start3A_1754 = arith.constant 0 : i32
      %dma_start3A_1755 = arith.constant 0 : i32
      %dma_start3A_1756 = tpu.memref_slice %arg2[%dma_start3A_1754, %dma_start3A_1755] : memref<1000000x32xf32, #tpu.memory_space<hbm>> -> memref<1000000x32xf32, #tpu.memory_space<hbm>>
      %dma_start3A_1757 = tpu.memref_slice %arg7[%dma_start3A_1746] : memref<8x!tpu.dma_semaphore, #tpu.memory_space<semaphore_mem>> -> memref<1x!tpu.dma_semaphore, #tpu.memory_space<semaphore_mem>>
      %dma_start3A_1758 = tpu.memref_squeeze %dma_start3A_1757 : memref<1x!tpu.dma_semaphore, #tpu.memory_space<semaphore_mem>> -> memref<!tpu.dma_semaphore, #tpu.memory_space<semaphore_mem>>
      tpu.enqueue_indirect_dma source(%dma_start3A_1756 : memref<1000000x32xf32, #tpu.memory_space<hbm>>) target(%dma_start3A_1750 : memref<50x32xf32, #tpu.memory_space<vmem>>) offsets(%dma_start3A_1753 : memref<50xi32, #tpu.memory_space<vmem>>) semaphore(%dma_start3A_1758 : memref<!tpu.dma_semaphore, #tpu.memory_space<semaphore_mem>>)
    }
    %scan3A_541 = arith.constant 14 : i32
    %dma_wait3A_542 = arith.constant 120 : i32
    %dma_wait3A_543 = arith.constant 0 : i32
    %dma_wait3A_544 = arith.constant 0 : i32
    %dma_wait3A_545 = arith.constant 0 : i32
    %dma_wait3A_546 = arith.constant 0 : i32
    %dma_wait3A_547 = tpu.memref_slice %arg6[%dma_wait3A_543, %dma_wait3A_545, %dma_wait3A_546] : memref<8x50x32xf32, #tpu.memory_space<vmem>> -> memref<1x50x32xf32, #tpu.memory_space<vmem>>
    %dma_wait3A_548 = tpu.memref_squeeze %dma_wait3A_547 : memref<1x50x32xf32, #tpu.memory_space<vmem>> -> memref<50x32xf32, #tpu.memory_space<vmem>>
    %dma_wait3A_549 = arith.constant 0 : i32
    %dma_wait3A_550 = tpu.memref_slice %arg5[%dma_wait3A_542, %dma_wait3A_549] : memref<128x50xi32, #tpu.memory_space<vmem>> -> memref<1x50xi32, #tpu.memory_space<vmem>>
    %dma_wait3A_551 = tpu.memref_squeeze %dma_wait3A_550 : memref<1x50xi32, #tpu.memory_space<vmem>> -> memref<50xi32, #tpu.memory_space<vmem>>
    %dma_wait3A_552 = arith.constant 0 : i32
    %dma_wait3A_553 = arith.constant 0 : i32
    %dma_wait3A_554 = tpu.memref_slice %arg2[%dma_wait3A_552, %dma_wait3A_553] : memref<1000000x32xf32, #tpu.memory_space<hbm>> -> memref<1000000x32xf32, #tpu.memory_space<hbm>>
    %dma_wait3A_555 = tpu.memref_slice %arg7[%dma_wait3A_544] : memref<8x!tpu.dma_semaphore, #tpu.memory_space<semaphore_mem>> -> memref<1x!tpu.dma_semaphore, #tpu.memory_space<semaphore_mem>>
    %dma_wait3A_556 = tpu.memref_squeeze %dma_wait3A_555 : memref<1x!tpu.dma_semaphore, #tpu.memory_space<semaphore_mem>> -> memref<!tpu.dma_semaphore, #tpu.memory_space<semaphore_mem>>
    tpu.wait_indirect_dma semaphore(%dma_wait3A_556 : memref<!tpu.dma_semaphore, #tpu.memory_space<semaphore_mem>>) src(%dma_wait3A_554 : memref<1000000x32xf32, #tpu.memory_space<hbm>>) dst(%dma_wait3A_548 : memref<50x32xf32, #tpu.memory_space<vmem>>)
    %dma_wait3A_557 = arith.constant 0 : i32
    %dma_wait3A_558 = arith.constant 0 : i32
    %dma_wait3A_559 = arith.constant 0 : i32
    %dma_wait3A_560 = arith.constant 0 : i32
    %dma_wait3A_561 = tpu.memref_slice %arg6[%dma_wait3A_557, %dma_wait3A_559, %dma_wait3A_560] : memref<8x50x32xf32, #tpu.memory_space<vmem>> -> memref<1x50x32xf32, #tpu.memory_space<vmem>>
    %dma_wait3A_562 = tpu.memref_squeeze %dma_wait3A_561 : memref<1x50x32xf32, #tpu.memory_space<vmem>> -> memref<50x32xf32, #tpu.memory_space<vmem>>
    %dma_wait3A_563 = arith.constant 0 : i32
    %dma_wait3A_564 = arith.constant 0 : i32
    %dma_wait3A_565 = tpu.memref_slice %arg4[%multiple_of3A, %dma_wait3A_563, %dma_wait3A_564] : memref<4096x50x32xf32, #tpu.memory_space<hbm>> -> memref<1x50x32xf32, #tpu.memory_space<hbm>>
    %dma_wait3A_566 = tpu.memref_squeeze %dma_wait3A_565 : memref<1x50x32xf32, #tpu.memory_space<hbm>> -> memref<50x32xf32, #tpu.memory_space<hbm>>
    %dma_wait3A_567 = tpu.memref_slice %arg8[%dma_wait3A_558] : memref<8x!tpu.dma_semaphore, #tpu.memory_space<semaphore_mem>> -> memref<1x!tpu.dma_semaphore, #tpu.memory_space<semaphore_mem>>
    %dma_wait3A_568 = tpu.memref_squeeze %dma_wait3A_567 : memref<1x!tpu.dma_semaphore, #tpu.memory_space<semaphore_mem>> -> memref<!tpu.dma_semaphore, #tpu.memory_space<semaphore_mem>>
    %dma_wait3A_569 = arith.constant 0 : i32
    %dma_wait3A_570 = arith.constant 0 : i32
    %dma_wait3A_571 = tpu.memref_slice %arg4[%multiple_of3A, %dma_wait3A_569, %dma_wait3A_570] : memref<4096x50x32xf32, #tpu.memory_space<hbm>> -> memref<1x50x32xf32, #tpu.memory_space<hbm>>
    %dma_wait3A_572 = tpu.memref_squeeze %dma_wait3A_571 : memref<1x50x32xf32, #tpu.memory_space<hbm>> -> memref<50x32xf32, #tpu.memory_space<hbm>>
    %dma_wait3A_573 = arith.constant 0 : i32
    %dma_wait3A_574 = arith.constant 0 : i32
    %dma_wait3A_575 = tpu.memref_slice %arg6[%dma_wait3A_557, %dma_wait3A_573, %dma_wait3A_574] : memref<8x50x32xf32, #tpu.memory_space<vmem>> -> memref<1x50x32xf32, #tpu.memory_space<vmem>>
    %dma_wait3A_576 = tpu.memref_squeeze %dma_wait3A_575 : memref<1x50x32xf32, #tpu.memory_space<vmem>> -> memref<50x32xf32, #tpu.memory_space<vmem>>
    tpu.wait_dma2 semaphore(%dma_wait3A_568 : memref<!tpu.dma_semaphore, #tpu.memory_space<semaphore_mem>>) src(%dma_wait3A_576 : memref<50x32xf32, #tpu.memory_space<vmem>>) dst(%dma_wait3A_572 : memref<50x32xf32, #tpu.memory_space<hbm>>)
    %add3A_577 = arith.constant 120 : i32
    %add3A_578 = arith.addi %multiple_of3A, %add3A_577 : i32
    %dma_start3A_579 = arith.constant 0 : i32
    %dma_start3A_580 = arith.constant 0 : i32
    %dma_start3A_581 = arith.constant 0 : i32
    %dma_start3A_582 = arith.constant 0 : i32
    %dma_start3A_583 = tpu.memref_slice %arg6[%dma_start3A_579, %dma_start3A_581, %dma_start3A_582] : memref<8x50x32xf32, #tpu.memory_space<vmem>> -> memref<1x50x32xf32, #tpu.memory_space<vmem>>
    %dma_start3A_584 = tpu.memref_squeeze %dma_start3A_583 : memref<1x50x32xf32, #tpu.memory_space<vmem>> -> memref<50x32xf32, #tpu.memory_space<vmem>>
    %dma_start3A_585 = arith.constant 0 : i32
    %dma_start3A_586 = arith.constant 0 : i32
    %dma_start3A_587 = tpu.memref_slice %arg4[%add3A_578, %dma_start3A_585, %dma_start3A_586] : memref<4096x50x32xf32, #tpu.memory_space<hbm>> -> memref<1x50x32xf32, #tpu.memory_space<hbm>>
    %dma_start3A_588 = tpu.memref_squeeze %dma_start3A_587 : memref<1x50x32xf32, #tpu.memory_space<hbm>> -> memref<50x32xf32, #tpu.memory_space<hbm>>
    %dma_start3A_589 = tpu.memref_slice %arg8[%dma_start3A_580] : memref<8x!tpu.dma_semaphore, #tpu.memory_space<semaphore_mem>> -> memref<1x!tpu.dma_semaphore, #tpu.memory_space<semaphore_mem>>
    %dma_start3A_590 = tpu.memref_squeeze %dma_start3A_589 : memref<1x!tpu.dma_semaphore, #tpu.memory_space<semaphore_mem>> -> memref<!tpu.dma_semaphore, #tpu.memory_space<semaphore_mem>>
    %dma_start3A_591 = arith.constant 0 : i32
    %dma_start3A_592 = arith.constant 0 : i32
    %dma_start3A_593 = tpu.memref_slice %arg4[%add3A_578, %dma_start3A_591, %dma_start3A_592] : memref<4096x50x32xf32, #tpu.memory_space<hbm>> -> memref<1x50x32xf32, #tpu.memory_space<hbm>>
    %dma_start3A_594 = tpu.memref_squeeze %dma_start3A_593 : memref<1x50x32xf32, #tpu.memory_space<hbm>> -> memref<50x32xf32, #tpu.memory_space<hbm>>
    %dma_start3A_595 = arith.constant 0 : i32
    %dma_start3A_596 = arith.constant 0 : i32
    %dma_start3A_597 = tpu.memref_slice %arg6[%dma_start3A_579, %dma_start3A_595, %dma_start3A_596] : memref<8x50x32xf32, #tpu.memory_space<vmem>> -> memref<1x50x32xf32, #tpu.memory_space<vmem>>
    %dma_start3A_598 = tpu.memref_squeeze %dma_start3A_597 : memref<1x50x32xf32, #tpu.memory_space<vmem>> -> memref<50x32xf32, #tpu.memory_space<vmem>>
    tpu.enqueue_dma source(%dma_start3A_598 : memref<50x32xf32, #tpu.memory_space<vmem>>) target(%dma_start3A_594 : memref<50x32xf32, #tpu.memory_space<hbm>>) target_semaphore(%dma_start3A_590 : memref<!tpu.dma_semaphore, #tpu.memory_space<semaphore_mem>>)
    %dma_wait3A_599 = arith.constant 121 : i32
    %dma_wait3A_600 = arith.constant 1 : i32
    %dma_wait3A_601 = arith.constant 1 : i32
    %dma_wait3A_602 = arith.constant 0 : i32
    %dma_wait3A_603 = arith.constant 0 : i32
    %dma_wait3A_604 = tpu.memref_slice %arg6[%dma_wait3A_600, %dma_wait3A_602, %dma_wait3A_603] : memref<8x50x32xf32, #tpu.memory_space<vmem>> -> memref<1x50x32xf32, #tpu.memory_space<vmem>>
    %dma_wait3A_605 = tpu.memref_squeeze %dma_wait3A_604 : memref<1x50x32xf32, #tpu.memory_space<vmem>> -> memref<50x32xf32, #tpu.memory_space<vmem>>
    %dma_wait3A_606 = arith.constant 0 : i32
    %dma_wait3A_607 = tpu.memref_slice %arg5[%dma_wait3A_599, %dma_wait3A_606] : memref<128x50xi32, #tpu.memory_space<vmem>> -> memref<1x50xi32, #tpu.memory_space<vmem>>
    %dma_wait3A_608 = tpu.memref_squeeze %dma_wait3A_607 : memref<1x50xi32, #tpu.memory_space<vmem>> -> memref<50xi32, #tpu.memory_space<vmem>>
    %dma_wait3A_609 = arith.constant 0 : i32
    %dma_wait3A_610 = arith.constant 0 : i32
    %dma_wait3A_611 = tpu.memref_slice %arg2[%dma_wait3A_609, %dma_wait3A_610] : memref<1000000x32xf32, #tpu.memory_space<hbm>> -> memref<1000000x32xf32, #tpu.memory_space<hbm>>
    %dma_wait3A_612 = tpu.memref_slice %arg7[%dma_wait3A_601] : memref<8x!tpu.dma_semaphore, #tpu.memory_space<semaphore_mem>> -> memref<1x!tpu.dma_semaphore, #tpu.memory_space<semaphore_mem>>
    %dma_wait3A_613 = tpu.memref_squeeze %dma_wait3A_612 : memref<1x!tpu.dma_semaphore, #tpu.memory_space<semaphore_mem>> -> memref<!tpu.dma_semaphore, #tpu.memory_space<semaphore_mem>>
    tpu.wait_indirect_dma semaphore(%dma_wait3A_613 : memref<!tpu.dma_semaphore, #tpu.memory_space<semaphore_mem>>) src(%dma_wait3A_611 : memref<1000000x32xf32, #tpu.memory_space<hbm>>) dst(%dma_wait3A_605 : memref<50x32xf32, #tpu.memory_space<vmem>>)
    %dma_wait3A_614 = arith.constant 1 : i32
    %dma_wait3A_615 = arith.constant 1 : i32
    %dma_wait3A_616 = arith.constant 0 : i32
    %dma_wait3A_617 = arith.constant 0 : i32
    %dma_wait3A_618 = tpu.memref_slice %arg6[%dma_wait3A_614, %dma_wait3A_616, %dma_wait3A_617] : memref<8x50x32xf32, #tpu.memory_space<vmem>> -> memref<1x50x32xf32, #tpu.memory_space<vmem>>
    %dma_wait3A_619 = tpu.memref_squeeze %dma_wait3A_618 : memref<1x50x32xf32, #tpu.memory_space<vmem>> -> memref<50x32xf32, #tpu.memory_space<vmem>>
    %dma_wait3A_620 = arith.constant 0 : i32
    %dma_wait3A_621 = arith.constant 0 : i32
    %dma_wait3A_622 = tpu.memref_slice %arg4[%multiple_of3A, %dma_wait3A_620, %dma_wait3A_621] : memref<4096x50x32xf32, #tpu.memory_space<hbm>> -> memref<1x50x32xf32, #tpu.memory_space<hbm>>
    %dma_wait3A_623 = tpu.memref_squeeze %dma_wait3A_622 : memref<1x50x32xf32, #tpu.memory_space<hbm>> -> memref<50x32xf32, #tpu.memory_space<hbm>>
    %dma_wait3A_624 = tpu.memref_slice %arg8[%dma_wait3A_615] : memref<8x!tpu.dma_semaphore, #tpu.memory_space<semaphore_mem>> -> memref<1x!tpu.dma_semaphore, #tpu.memory_space<semaphore_mem>>
    %dma_wait3A_625 = tpu.memref_squeeze %dma_wait3A_624 : memref<1x!tpu.dma_semaphore, #tpu.memory_space<semaphore_mem>> -> memref<!tpu.dma_semaphore, #tpu.memory_space<semaphore_mem>>
    %dma_wait3A_626 = arith.constant 0 : i32
    %dma_wait3A_627 = arith.constant 0 : i32
    %dma_wait3A_628 = tpu.memref_slice %arg4[%multiple_of3A, %dma_wait3A_626, %dma_wait3A_627] : memref<4096x50x32xf32, #tpu.memory_space<hbm>> -> memref<1x50x32xf32, #tpu.memory_space<hbm>>
    %dma_wait3A_629 = tpu.memref_squeeze %dma_wait3A_628 : memref<1x50x32xf32, #tpu.memory_space<hbm>> -> memref<50x32xf32, #tpu.memory_space<hbm>>
    %dma_wait3A_630 = arith.constant 0 : i32
    %dma_wait3A_631 = arith.constant 0 : i32
    %dma_wait3A_632 = tpu.memref_slice %arg6[%dma_wait3A_614, %dma_wait3A_630, %dma_wait3A_631] : memref<8x50x32xf32, #tpu.memory_space<vmem>> -> memref<1x50x32xf32, #tpu.memory_space<vmem>>
    %dma_wait3A_633 = tpu.memref_squeeze %dma_wait3A_632 : memref<1x50x32xf32, #tpu.memory_space<vmem>> -> memref<50x32xf32, #tpu.memory_space<vmem>>
    tpu.wait_dma2 semaphore(%dma_wait3A_625 : memref<!tpu.dma_semaphore, #tpu.memory_space<semaphore_mem>>) src(%dma_wait3A_633 : memref<50x32xf32, #tpu.memory_space<vmem>>) dst(%dma_wait3A_629 : memref<50x32xf32, #tpu.memory_space<hbm>>)
    %add3A_634 = arith.constant 121 : i32
    %add3A_635 = arith.addi %multiple_of3A, %add3A_634 : i32
    %dma_start3A_636 = arith.constant 1 : i32
    %dma_start3A_637 = arith.constant 1 : i32
    %dma_start3A_638 = arith.constant 0 : i32
    %dma_start3A_639 = arith.constant 0 : i32
    %dma_start3A_640 = tpu.memref_slice %arg6[%dma_start3A_636, %dma_start3A_638, %dma_start3A_639] : memref<8x50x32xf32, #tpu.memory_space<vmem>> -> memref<1x50x32xf32, #tpu.memory_space<vmem>>
    %dma_start3A_641 = tpu.memref_squeeze %dma_start3A_640 : memref<1x50x32xf32, #tpu.memory_space<vmem>> -> memref<50x32xf32, #tpu.memory_space<vmem>>
    %dma_start3A_642 = arith.constant 0 : i32
    %dma_start3A_643 = arith.constant 0 : i32
    %dma_start3A_644 = tpu.memref_slice %arg4[%add3A_635, %dma_start3A_642, %dma_start3A_643] : memref<4096x50x32xf32, #tpu.memory_space<hbm>> -> memref<1x50x32xf32, #tpu.memory_space<hbm>>
    %dma_start3A_645 = tpu.memref_squeeze %dma_start3A_644 : memref<1x50x32xf32, #tpu.memory_space<hbm>> -> memref<50x32xf32, #tpu.memory_space<hbm>>
    %dma_start3A_646 = tpu.memref_slice %arg8[%dma_start3A_637] : memref<8x!tpu.dma_semaphore, #tpu.memory_space<semaphore_mem>> -> memref<1x!tpu.dma_semaphore, #tpu.memory_space<semaphore_mem>>
    %dma_start3A_647 = tpu.memref_squeeze %dma_start3A_646 : memref<1x!tpu.dma_semaphore, #tpu.memory_space<semaphore_mem>> -> memref<!tpu.dma_semaphore, #tpu.memory_space<semaphore_mem>>
    %dma_start3A_648 = arith.constant 0 : i32
    %dma_start3A_649 = arith.constant 0 : i32
    %dma_start3A_650 = tpu.memref_slice %arg4[%add3A_635, %dma_start3A_648, %dma_start3A_649] : memref<4096x50x32xf32, #tpu.memory_space<hbm>> -> memref<1x50x32xf32, #tpu.memory_space<hbm>>
    %dma_start3A_651 = tpu.memref_squeeze %dma_start3A_650 : memref<1x50x32xf32, #tpu.memory_space<hbm>> -> memref<50x32xf32, #tpu.memory_space<hbm>>
    %dma_start3A_652 = arith.constant 0 : i32
    %dma_start3A_653 = arith.constant 0 : i32
    %dma_start3A_654 = tpu.memref_slice %arg6[%dma_start3A_636, %dma_start3A_652, %dma_start3A_653] : memref<8x50x32xf32, #tpu.memory_space<vmem>> -> memref<1x50x32xf32, #tpu.memory_space<vmem>>
    %dma_start3A_655 = tpu.memref_squeeze %dma_start3A_654 : memref<1x50x32xf32, #tpu.memory_space<vmem>> -> memref<50x32xf32, #tpu.memory_space<vmem>>
    tpu.enqueue_dma source(%dma_start3A_655 : memref<50x32xf32, #tpu.memory_space<vmem>>) target(%dma_start3A_651 : memref<50x32xf32, #tpu.memory_space<hbm>>) target_semaphore(%dma_start3A_647 : memref<!tpu.dma_semaphore, #tpu.memory_space<semaphore_mem>>)
    %dma_wait3A_656 = arith.constant 122 : i32
    %dma_wait3A_657 = arith.constant 2 : i32
    %dma_wait3A_658 = arith.constant 2 : i32
    %dma_wait3A_659 = arith.constant 0 : i32
    %dma_wait3A_660 = arith.constant 0 : i32
    %dma_wait3A_661 = tpu.memref_slice %arg6[%dma_wait3A_657, %dma_wait3A_659, %dma_wait3A_660] : memref<8x50x32xf32, #tpu.memory_space<vmem>> -> memref<1x50x32xf32, #tpu.memory_space<vmem>>
    %dma_wait3A_662 = tpu.memref_squeeze %dma_wait3A_661 : memref<1x50x32xf32, #tpu.memory_space<vmem>> -> memref<50x32xf32, #tpu.memory_space<vmem>>
    %dma_wait3A_663 = arith.constant 0 : i32
    %dma_wait3A_664 = tpu.memref_slice %arg5[%dma_wait3A_656, %dma_wait3A_663] : memref<128x50xi32, #tpu.memory_space<vmem>> -> memref<1x50xi32, #tpu.memory_space<vmem>>
    %dma_wait3A_665 = tpu.memref_squeeze %dma_wait3A_664 : memref<1x50xi32, #tpu.memory_space<vmem>> -> memref<50xi32, #tpu.memory_space<vmem>>
    %dma_wait3A_666 = arith.constant 0 : i32
    %dma_wait3A_667 = arith.constant 0 : i32
    %dma_wait3A_668 = tpu.memref_slice %arg2[%dma_wait3A_666, %dma_wait3A_667] : memref<1000000x32xf32, #tpu.memory_space<hbm>> -> memref<1000000x32xf32, #tpu.memory_space<hbm>>
    %dma_wait3A_669 = tpu.memref_slice %arg7[%dma_wait3A_658] : memref<8x!tpu.dma_semaphore, #tpu.memory_space<semaphore_mem>> -> memref<1x!tpu.dma_semaphore, #tpu.memory_space<semaphore_mem>>
    %dma_wait3A_670 = tpu.memref_squeeze %dma_wait3A_669 : memref<1x!tpu.dma_semaphore, #tpu.memory_space<semaphore_mem>> -> memref<!tpu.dma_semaphore, #tpu.memory_space<semaphore_mem>>
    tpu.wait_indirect_dma semaphore(%dma_wait3A_670 : memref<!tpu.dma_semaphore, #tpu.memory_space<semaphore_mem>>) src(%dma_wait3A_668 : memref<1000000x32xf32, #tpu.memory_space<hbm>>) dst(%dma_wait3A_662 : memref<50x32xf32, #tpu.memory_space<vmem>>)
    %dma_wait3A_671 = arith.constant 2 : i32
    %dma_wait3A_672 = arith.constant 2 : i32
    %dma_wait3A_673 = arith.constant 0 : i32
    %dma_wait3A_674 = arith.constant 0 : i32
    %dma_wait3A_675 = tpu.memref_slice %arg6[%dma_wait3A_671, %dma_wait3A_673, %dma_wait3A_674] : memref<8x50x32xf32, #tpu.memory_space<vmem>> -> memref<1x50x32xf32, #tpu.memory_space<vmem>>
    %dma_wait3A_676 = tpu.memref_squeeze %dma_wait3A_675 : memref<1x50x32xf32, #tpu.memory_space<vmem>> -> memref<50x32xf32, #tpu.memory_space<vmem>>
    %dma_wait3A_677 = arith.constant 0 : i32
    %dma_wait3A_678 = arith.constant 0 : i32
    %dma_wait3A_679 = tpu.memref_slice %arg4[%multiple_of3A, %dma_wait3A_677, %dma_wait3A_678] : memref<4096x50x32xf32, #tpu.memory_space<hbm>> -> memref<1x50x32xf32, #tpu.memory_space<hbm>>
    %dma_wait3A_680 = tpu.memref_squeeze %dma_wait3A_679 : memref<1x50x32xf32, #tpu.memory_space<hbm>> -> memref<50x32xf32, #tpu.memory_space<hbm>>
    %dma_wait3A_681 = tpu.memref_slice %arg8[%dma_wait3A_672] : memref<8x!tpu.dma_semaphore, #tpu.memory_space<semaphore_mem>> -> memref<1x!tpu.dma_semaphore, #tpu.memory_space<semaphore_mem>>
    %dma_wait3A_682 = tpu.memref_squeeze %dma_wait3A_681 : memref<1x!tpu.dma_semaphore, #tpu.memory_space<semaphore_mem>> -> memref<!tpu.dma_semaphore, #tpu.memory_space<semaphore_mem>>
    %dma_wait3A_683 = arith.constant 0 : i32
    %dma_wait3A_684 = arith.constant 0 : i32
    %dma_wait3A_685 = tpu.memref_slice %arg4[%multiple_of3A, %dma_wait3A_683, %dma_wait3A_684] : memref<4096x50x32xf32, #tpu.memory_space<hbm>> -> memref<1x50x32xf32, #tpu.memory_space<hbm>>
    %dma_wait3A_686 = tpu.memref_squeeze %dma_wait3A_685 : memref<1x50x32xf32, #tpu.memory_space<hbm>> -> memref<50x32xf32, #tpu.memory_space<hbm>>
    %dma_wait3A_687 = arith.constant 0 : i32
    %dma_wait3A_688 = arith.constant 0 : i32
    %dma_wait3A_689 = tpu.memref_slice %arg6[%dma_wait3A_671, %dma_wait3A_687, %dma_wait3A_688] : memref<8x50x32xf32, #tpu.memory_space<vmem>> -> memref<1x50x32xf32, #tpu.memory_space<vmem>>
    %dma_wait3A_690 = tpu.memref_squeeze %dma_wait3A_689 : memref<1x50x32xf32, #tpu.memory_space<vmem>> -> memref<50x32xf32, #tpu.memory_space<vmem>>
    tpu.wait_dma2 semaphore(%dma_wait3A_682 : memref<!tpu.dma_semaphore, #tpu.memory_space<semaphore_mem>>) src(%dma_wait3A_690 : memref<50x32xf32, #tpu.memory_space<vmem>>) dst(%dma_wait3A_686 : memref<50x32xf32, #tpu.memory_space<hbm>>)
    %add3A_691 = arith.constant 122 : i32
    %add3A_692 = arith.addi %multiple_of3A, %add3A_691 : i32
    %dma_start3A_693 = arith.constant 2 : i32
    %dma_start3A_694 = arith.constant 2 : i32
    %dma_start3A_695 = arith.constant 0 : i32
    %dma_start3A_696 = arith.constant 0 : i32
    %dma_start3A_697 = tpu.memref_slice %arg6[%dma_start3A_693, %dma_start3A_695, %dma_start3A_696] : memref<8x50x32xf32, #tpu.memory_space<vmem>> -> memref<1x50x32xf32, #tpu.memory_space<vmem>>
    %dma_start3A_698 = tpu.memref_squeeze %dma_start3A_697 : memref<1x50x32xf32, #tpu.memory_space<vmem>> -> memref<50x32xf32, #tpu.memory_space<vmem>>
    %dma_start3A_699 = arith.constant 0 : i32
    %dma_start3A_700 = arith.constant 0 : i32
    %dma_start3A_701 = tpu.memref_slice %arg4[%add3A_692, %dma_start3A_699, %dma_start3A_700] : memref<4096x50x32xf32, #tpu.memory_space<hbm>> -> memref<1x50x32xf32, #tpu.memory_space<hbm>>
    %dma_start3A_702 = tpu.memref_squeeze %dma_start3A_701 : memref<1x50x32xf32, #tpu.memory_space<hbm>> -> memref<50x32xf32, #tpu.memory_space<hbm>>
    %dma_start3A_703 = tpu.memref_slice %arg8[%dma_start3A_694] : memref<8x!tpu.dma_semaphore, #tpu.memory_space<semaphore_mem>> -> memref<1x!tpu.dma_semaphore, #tpu.memory_space<semaphore_mem>>
    %dma_start3A_704 = tpu.memref_squeeze %dma_start3A_703 : memref<1x!tpu.dma_semaphore, #tpu.memory_space<semaphore_mem>> -> memref<!tpu.dma_semaphore, #tpu.memory_space<semaphore_mem>>
    %dma_start3A_705 = arith.constant 0 : i32
    %dma_start3A_706 = arith.constant 0 : i32
    %dma_start3A_707 = tpu.memref_slice %arg4[%add3A_692, %dma_start3A_705, %dma_start3A_706] : memref<4096x50x32xf32, #tpu.memory_space<hbm>> -> memref<1x50x32xf32, #tpu.memory_space<hbm>>
    %dma_start3A_708 = tpu.memref_squeeze %dma_start3A_707 : memref<1x50x32xf32, #tpu.memory_space<hbm>> -> memref<50x32xf32, #tpu.memory_space<hbm>>
    %dma_start3A_709 = arith.constant 0 : i32
    %dma_start3A_710 = arith.constant 0 : i32
    %dma_start3A_711 = tpu.memref_slice %arg6[%dma_start3A_693, %dma_start3A_709, %dma_start3A_710] : memref<8x50x32xf32, #tpu.memory_space<vmem>> -> memref<1x50x32xf32, #tpu.memory_space<vmem>>
    %dma_start3A_712 = tpu.memref_squeeze %dma_start3A_711 : memref<1x50x32xf32, #tpu.memory_space<vmem>> -> memref<50x32xf32, #tpu.memory_space<vmem>>
    tpu.enqueue_dma source(%dma_start3A_712 : memref<50x32xf32, #tpu.memory_space<vmem>>) target(%dma_start3A_708 : memref<50x32xf32, #tpu.memory_space<hbm>>) target_semaphore(%dma_start3A_704 : memref<!tpu.dma_semaphore, #tpu.memory_space<semaphore_mem>>)
    %dma_wait3A_713 = arith.constant 123 : i32
    %dma_wait3A_714 = arith.constant 3 : i32
    %dma_wait3A_715 = arith.constant 3 : i32
    %dma_wait3A_716 = arith.constant 0 : i32
    %dma_wait3A_717 = arith.constant 0 : i32
    %dma_wait3A_718 = tpu.memref_slice %arg6[%dma_wait3A_714, %dma_wait3A_716, %dma_wait3A_717] : memref<8x50x32xf32, #tpu.memory_space<vmem>> -> memref<1x50x32xf32, #tpu.memory_space<vmem>>
    %dma_wait3A_719 = tpu.memref_squeeze %dma_wait3A_718 : memref<1x50x32xf32, #tpu.memory_space<vmem>> -> memref<50x32xf32, #tpu.memory_space<vmem>>
    %dma_wait3A_720 = arith.constant 0 : i32
    %dma_wait3A_721 = tpu.memref_slice %arg5[%dma_wait3A_713, %dma_wait3A_720] : memref<128x50xi32, #tpu.memory_space<vmem>> -> memref<1x50xi32, #tpu.memory_space<vmem>>
    %dma_wait3A_722 = tpu.memref_squeeze %dma_wait3A_721 : memref<1x50xi32, #tpu.memory_space<vmem>> -> memref<50xi32, #tpu.memory_space<vmem>>
    %dma_wait3A_723 = arith.constant 0 : i32
    %dma_wait3A_724 = arith.constant 0 : i32
    %dma_wait3A_725 = tpu.memref_slice %arg2[%dma_wait3A_723, %dma_wait3A_724] : memref<1000000x32xf32, #tpu.memory_space<hbm>> -> memref<1000000x32xf32, #tpu.memory_space<hbm>>
    %dma_wait3A_726 = tpu.memref_slice %arg7[%dma_wait3A_715] : memref<8x!tpu.dma_semaphore, #tpu.memory_space<semaphore_mem>> -> memref<1x!tpu.dma_semaphore, #tpu.memory_space<semaphore_mem>>
    %dma_wait3A_727 = tpu.memref_squeeze %dma_wait3A_726 : memref<1x!tpu.dma_semaphore, #tpu.memory_space<semaphore_mem>> -> memref<!tpu.dma_semaphore, #tpu.memory_space<semaphore_mem>>
    tpu.wait_indirect_dma semaphore(%dma_wait3A_727 : memref<!tpu.dma_semaphore, #tpu.memory_space<semaphore_mem>>) src(%dma_wait3A_725 : memref<1000000x32xf32, #tpu.memory_space<hbm>>) dst(%dma_wait3A_719 : memref<50x32xf32, #tpu.memory_space<vmem>>)
    %dma_wait3A_728 = arith.constant 3 : i32
    %dma_wait3A_729 = arith.constant 3 : i32
    %dma_wait3A_730 = arith.constant 0 : i32
    %dma_wait3A_731 = arith.constant 0 : i32
    %dma_wait3A_732 = tpu.memref_slice %arg6[%dma_wait3A_728, %dma_wait3A_730, %dma_wait3A_731] : memref<8x50x32xf32, #tpu.memory_space<vmem>> -> memref<1x50x32xf32, #tpu.memory_space<vmem>>
    %dma_wait3A_733 = tpu.memref_squeeze %dma_wait3A_732 : memref<1x50x32xf32, #tpu.memory_space<vmem>> -> memref<50x32xf32, #tpu.memory_space<vmem>>
    %dma_wait3A_734 = arith.constant 0 : i32
    %dma_wait3A_735 = arith.constant 0 : i32
    %dma_wait3A_736 = tpu.memref_slice %arg4[%multiple_of3A, %dma_wait3A_734, %dma_wait3A_735] : memref<4096x50x32xf32, #tpu.memory_space<hbm>> -> memref<1x50x32xf32, #tpu.memory_space<hbm>>
    %dma_wait3A_737 = tpu.memref_squeeze %dma_wait3A_736 : memref<1x50x32xf32, #tpu.memory_space<hbm>> -> memref<50x32xf32, #tpu.memory_space<hbm>>
    %dma_wait3A_738 = tpu.memref_slice %arg8[%dma_wait3A_729] : memref<8x!tpu.dma_semaphore, #tpu.memory_space<semaphore_mem>> -> memref<1x!tpu.dma_semaphore, #tpu.memory_space<semaphore_mem>>
    %dma_wait3A_739 = tpu.memref_squeeze %dma_wait3A_738 : memref<1x!tpu.dma_semaphore, #tpu.memory_space<semaphore_mem>> -> memref<!tpu.dma_semaphore, #tpu.memory_space<semaphore_mem>>
    %dma_wait3A_740 = arith.constant 0 : i32
    %dma_wait3A_741 = arith.constant 0 : i32
    %dma_wait3A_742 = tpu.memref_slice %arg4[%multiple_of3A, %dma_wait3A_740, %dma_wait3A_741] : memref<4096x50x32xf32, #tpu.memory_space<hbm>> -> memref<1x50x32xf32, #tpu.memory_space<hbm>>
    %dma_wait3A_743 = tpu.memref_squeeze %dma_wait3A_742 : memref<1x50x32xf32, #tpu.memory_space<hbm>> -> memref<50x32xf32, #tpu.memory_space<hbm>>
    %dma_wait3A_744 = arith.constant 0 : i32
    %dma_wait3A_745 = arith.constant 0 : i32
    %dma_wait3A_746 = tpu.memref_slice %arg6[%dma_wait3A_728, %dma_wait3A_744, %dma_wait3A_745] : memref<8x50x32xf32, #tpu.memory_space<vmem>> -> memref<1x50x32xf32, #tpu.memory_space<vmem>>
    %dma_wait3A_747 = tpu.memref_squeeze %dma_wait3A_746 : memref<1x50x32xf32, #tpu.memory_space<vmem>> -> memref<50x32xf32, #tpu.memory_space<vmem>>
    tpu.wait_dma2 semaphore(%dma_wait3A_739 : memref<!tpu.dma_semaphore, #tpu.memory_space<semaphore_mem>>) src(%dma_wait3A_747 : memref<50x32xf32, #tpu.memory_space<vmem>>) dst(%dma_wait3A_743 : memref<50x32xf32, #tpu.memory_space<hbm>>)
    %add3A_748 = arith.constant 123 : i32
    %add3A_749 = arith.addi %multiple_of3A, %add3A_748 : i32
    %dma_start3A_750 = arith.constant 3 : i32
    %dma_start3A_751 = arith.constant 3 : i32
    %dma_start3A_752 = arith.constant 0 : i32
    %dma_start3A_753 = arith.constant 0 : i32
    %dma_start3A_754 = tpu.memref_slice %arg6[%dma_start3A_750, %dma_start3A_752, %dma_start3A_753] : memref<8x50x32xf32, #tpu.memory_space<vmem>> -> memref<1x50x32xf32, #tpu.memory_space<vmem>>
    %dma_start3A_755 = tpu.memref_squeeze %dma_start3A_754 : memref<1x50x32xf32, #tpu.memory_space<vmem>> -> memref<50x32xf32, #tpu.memory_space<vmem>>
    %dma_start3A_756 = arith.constant 0 : i32
    %dma_start3A_757 = arith.constant 0 : i32
    %dma_start3A_758 = tpu.memref_slice %arg4[%add3A_749, %dma_start3A_756, %dma_start3A_757] : memref<4096x50x32xf32, #tpu.memory_space<hbm>> -> memref<1x50x32xf32, #tpu.memory_space<hbm>>
    %dma_start3A_759 = tpu.memref_squeeze %dma_start3A_758 : memref<1x50x32xf32, #tpu.memory_space<hbm>> -> memref<50x32xf32, #tpu.memory_space<hbm>>
    %dma_start3A_760 = tpu.memref_slice %arg8[%dma_start3A_751] : memref<8x!tpu.dma_semaphore, #tpu.memory_space<semaphore_mem>> -> memref<1x!tpu.dma_semaphore, #tpu.memory_space<semaphore_mem>>
    %dma_start3A_761 = tpu.memref_squeeze %dma_start3A_760 : memref<1x!tpu.dma_semaphore, #tpu.memory_space<semaphore_mem>> -> memref<!tpu.dma_semaphore, #tpu.memory_space<semaphore_mem>>
    %dma_start3A_762 = arith.constant 0 : i32
    %dma_start3A_763 = arith.constant 0 : i32
    %dma_start3A_764 = tpu.memref_slice %arg4[%add3A_749, %dma_start3A_762, %dma_start3A_763] : memref<4096x50x32xf32, #tpu.memory_space<hbm>> -> memref<1x50x32xf32, #tpu.memory_space<hbm>>
    %dma_start3A_765 = tpu.memref_squeeze %dma_start3A_764 : memref<1x50x32xf32, #tpu.memory_space<hbm>> -> memref<50x32xf32, #tpu.memory_space<hbm>>
    %dma_start3A_766 = arith.constant 0 : i32
    %dma_start3A_767 = arith.constant 0 : i32
    %dma_start3A_768 = tpu.memref_slice %arg6[%dma_start3A_750, %dma_start3A_766, %dma_start3A_767] : memref<8x50x32xf32, #tpu.memory_space<vmem>> -> memref<1x50x32xf32, #tpu.memory_space<vmem>>
    %dma_start3A_769 = tpu.memref_squeeze %dma_start3A_768 : memref<1x50x32xf32, #tpu.memory_space<vmem>> -> memref<50x32xf32, #tpu.memory_space<vmem>>
    tpu.enqueue_dma source(%dma_start3A_769 : memref<50x32xf32, #tpu.memory_space<vmem>>) target(%dma_start3A_765 : memref<50x32xf32, #tpu.memory_space<hbm>>) target_semaphore(%dma_start3A_761 : memref<!tpu.dma_semaphore, #tpu.memory_space<semaphore_mem>>)
    %dma_wait3A_770 = arith.constant 124 : i32
    %dma_wait3A_771 = arith.constant 4 : i32
    %dma_wait3A_772 = arith.constant 4 : i32
    %dma_wait3A_773 = arith.constant 0 : i32
    %dma_wait3A_774 = arith.constant 0 : i32
    %dma_wait3A_775 = tpu.memref_slice %arg6[%dma_wait3A_771, %dma_wait3A_773, %dma_wait3A_774] : memref<8x50x32xf32, #tpu.memory_space<vmem>> -> memref<1x50x32xf32, #tpu.memory_space<vmem>>
    %dma_wait3A_776 = tpu.memref_squeeze %dma_wait3A_775 : memref<1x50x32xf32, #tpu.memory_space<vmem>> -> memref<50x32xf32, #tpu.memory_space<vmem>>
    %dma_wait3A_777 = arith.constant 0 : i32
    %dma_wait3A_778 = tpu.memref_slice %arg5[%dma_wait3A_770, %dma_wait3A_777] : memref<128x50xi32, #tpu.memory_space<vmem>> -> memref<1x50xi32, #tpu.memory_space<vmem>>
    %dma_wait3A_779 = tpu.memref_squeeze %dma_wait3A_778 : memref<1x50xi32, #tpu.memory_space<vmem>> -> memref<50xi32, #tpu.memory_space<vmem>>
    %dma_wait3A_780 = arith.constant 0 : i32
    %dma_wait3A_781 = arith.constant 0 : i32
    %dma_wait3A_782 = tpu.memref_slice %arg2[%dma_wait3A_780, %dma_wait3A_781] : memref<1000000x32xf32, #tpu.memory_space<hbm>> -> memref<1000000x32xf32, #tpu.memory_space<hbm>>
    %dma_wait3A_783 = tpu.memref_slice %arg7[%dma_wait3A_772] : memref<8x!tpu.dma_semaphore, #tpu.memory_space<semaphore_mem>> -> memref<1x!tpu.dma_semaphore, #tpu.memory_space<semaphore_mem>>
    %dma_wait3A_784 = tpu.memref_squeeze %dma_wait3A_783 : memref<1x!tpu.dma_semaphore, #tpu.memory_space<semaphore_mem>> -> memref<!tpu.dma_semaphore, #tpu.memory_space<semaphore_mem>>
    tpu.wait_indirect_dma semaphore(%dma_wait3A_784 : memref<!tpu.dma_semaphore, #tpu.memory_space<semaphore_mem>>) src(%dma_wait3A_782 : memref<1000000x32xf32, #tpu.memory_space<hbm>>) dst(%dma_wait3A_776 : memref<50x32xf32, #tpu.memory_space<vmem>>)
    %dma_wait3A_785 = arith.constant 4 : i32
    %dma_wait3A_786 = arith.constant 4 : i32
    %dma_wait3A_787 = arith.constant 0 : i32
    %dma_wait3A_788 = arith.constant 0 : i32
    %dma_wait3A_789 = tpu.memref_slice %arg6[%dma_wait3A_785, %dma_wait3A_787, %dma_wait3A_788] : memref<8x50x32xf32, #tpu.memory_space<vmem>> -> memref<1x50x32xf32, #tpu.memory_space<vmem>>
    %dma_wait3A_790 = tpu.memref_squeeze %dma_wait3A_789 : memref<1x50x32xf32, #tpu.memory_space<vmem>> -> memref<50x32xf32, #tpu.memory_space<vmem>>
    %dma_wait3A_791 = arith.constant 0 : i32
    %dma_wait3A_792 = arith.constant 0 : i32
    %dma_wait3A_793 = tpu.memref_slice %arg4[%multiple_of3A, %dma_wait3A_791, %dma_wait3A_792] : memref<4096x50x32xf32, #tpu.memory_space<hbm>> -> memref<1x50x32xf32, #tpu.memory_space<hbm>>
    %dma_wait3A_794 = tpu.memref_squeeze %dma_wait3A_793 : memref<1x50x32xf32, #tpu.memory_space<hbm>> -> memref<50x32xf32, #tpu.memory_space<hbm>>
    %dma_wait3A_795 = tpu.memref_slice %arg8[%dma_wait3A_786] : memref<8x!tpu.dma_semaphore, #tpu.memory_space<semaphore_mem>> -> memref<1x!tpu.dma_semaphore, #tpu.memory_space<semaphore_mem>>
    %dma_wait3A_796 = tpu.memref_squeeze %dma_wait3A_795 : memref<1x!tpu.dma_semaphore, #tpu.memory_space<semaphore_mem>> -> memref<!tpu.dma_semaphore, #tpu.memory_space<semaphore_mem>>
    %dma_wait3A_797 = arith.constant 0 : i32
    %dma_wait3A_798 = arith.constant 0 : i32
    %dma_wait3A_799 = tpu.memref_slice %arg4[%multiple_of3A, %dma_wait3A_797, %dma_wait3A_798] : memref<4096x50x32xf32, #tpu.memory_space<hbm>> -> memref<1x50x32xf32, #tpu.memory_space<hbm>>
    %dma_wait3A_800 = tpu.memref_squeeze %dma_wait3A_799 : memref<1x50x32xf32, #tpu.memory_space<hbm>> -> memref<50x32xf32, #tpu.memory_space<hbm>>
    %dma_wait3A_801 = arith.constant 0 : i32
    %dma_wait3A_802 = arith.constant 0 : i32
    %dma_wait3A_803 = tpu.memref_slice %arg6[%dma_wait3A_785, %dma_wait3A_801, %dma_wait3A_802] : memref<8x50x32xf32, #tpu.memory_space<vmem>> -> memref<1x50x32xf32, #tpu.memory_space<vmem>>
    %dma_wait3A_804 = tpu.memref_squeeze %dma_wait3A_803 : memref<1x50x32xf32, #tpu.memory_space<vmem>> -> memref<50x32xf32, #tpu.memory_space<vmem>>
    tpu.wait_dma2 semaphore(%dma_wait3A_796 : memref<!tpu.dma_semaphore, #tpu.memory_space<semaphore_mem>>) src(%dma_wait3A_804 : memref<50x32xf32, #tpu.memory_space<vmem>>) dst(%dma_wait3A_800 : memref<50x32xf32, #tpu.memory_space<hbm>>)
    %add3A_805 = arith.constant 124 : i32
    %add3A_806 = arith.addi %multiple_of3A, %add3A_805 : i32
    %dma_start3A_807 = arith.constant 4 : i32
    %dma_start3A_808 = arith.constant 4 : i32
    %dma_start3A_809 = arith.constant 0 : i32
    %dma_start3A_810 = arith.constant 0 : i32
    %dma_start3A_811 = tpu.memref_slice %arg6[%dma_start3A_807, %dma_start3A_809, %dma_start3A_810] : memref<8x50x32xf32, #tpu.memory_space<vmem>> -> memref<1x50x32xf32, #tpu.memory_space<vmem>>
    %dma_start3A_812 = tpu.memref_squeeze %dma_start3A_811 : memref<1x50x32xf32, #tpu.memory_space<vmem>> -> memref<50x32xf32, #tpu.memory_space<vmem>>
    %dma_start3A_813 = arith.constant 0 : i32
    %dma_start3A_814 = arith.constant 0 : i32
    %dma_start3A_815 = tpu.memref_slice %arg4[%add3A_806, %dma_start3A_813, %dma_start3A_814] : memref<4096x50x32xf32, #tpu.memory_space<hbm>> -> memref<1x50x32xf32, #tpu.memory_space<hbm>>
    %dma_start3A_816 = tpu.memref_squeeze %dma_start3A_815 : memref<1x50x32xf32, #tpu.memory_space<hbm>> -> memref<50x32xf32, #tpu.memory_space<hbm>>
    %dma_start3A_817 = tpu.memref_slice %arg8[%dma_start3A_808] : memref<8x!tpu.dma_semaphore, #tpu.memory_space<semaphore_mem>> -> memref<1x!tpu.dma_semaphore, #tpu.memory_space<semaphore_mem>>
    %dma_start3A_818 = tpu.memref_squeeze %dma_start3A_817 : memref<1x!tpu.dma_semaphore, #tpu.memory_space<semaphore_mem>> -> memref<!tpu.dma_semaphore, #tpu.memory_space<semaphore_mem>>
    %dma_start3A_819 = arith.constant 0 : i32
    %dma_start3A_820 = arith.constant 0 : i32
    %dma_start3A_821 = tpu.memref_slice %arg4[%add3A_806, %dma_start3A_819, %dma_start3A_820] : memref<4096x50x32xf32, #tpu.memory_space<hbm>> -> memref<1x50x32xf32, #tpu.memory_space<hbm>>
    %dma_start3A_822 = tpu.memref_squeeze %dma_start3A_821 : memref<1x50x32xf32, #tpu.memory_space<hbm>> -> memref<50x32xf32, #tpu.memory_space<hbm>>
    %dma_start3A_823 = arith.constant 0 : i32
    %dma_start3A_824 = arith.constant 0 : i32
    %dma_start3A_825 = tpu.memref_slice %arg6[%dma_start3A_807, %dma_start3A_823, %dma_start3A_824] : memref<8x50x32xf32, #tpu.memory_space<vmem>> -> memref<1x50x32xf32, #tpu.memory_space<vmem>>
    %dma_start3A_826 = tpu.memref_squeeze %dma_start3A_825 : memref<1x50x32xf32, #tpu.memory_space<vmem>> -> memref<50x32xf32, #tpu.memory_space<vmem>>
    tpu.enqueue_dma source(%dma_start3A_826 : memref<50x32xf32, #tpu.memory_space<vmem>>) target(%dma_start3A_822 : memref<50x32xf32, #tpu.memory_space<hbm>>) target_semaphore(%dma_start3A_818 : memref<!tpu.dma_semaphore, #tpu.memory_space<semaphore_mem>>)
    %dma_wait3A_827 = arith.constant 125 : i32
    %dma_wait3A_828 = arith.constant 5 : i32
    %dma_wait3A_829 = arith.constant 5 : i32
    %dma_wait3A_830 = arith.constant 0 : i32
    %dma_wait3A_831 = arith.constant 0 : i32
    %dma_wait3A_832 = tpu.memref_slice %arg6[%dma_wait3A_828, %dma_wait3A_830, %dma_wait3A_831] : memref<8x50x32xf32, #tpu.memory_space<vmem>> -> memref<1x50x32xf32, #tpu.memory_space<vmem>>
    %dma_wait3A_833 = tpu.memref_squeeze %dma_wait3A_832 : memref<1x50x32xf32, #tpu.memory_space<vmem>> -> memref<50x32xf32, #tpu.memory_space<vmem>>
    %dma_wait3A_834 = arith.constant 0 : i32
    %dma_wait3A_835 = tpu.memref_slice %arg5[%dma_wait3A_827, %dma_wait3A_834] : memref<128x50xi32, #tpu.memory_space<vmem>> -> memref<1x50xi32, #tpu.memory_space<vmem>>
    %dma_wait3A_836 = tpu.memref_squeeze %dma_wait3A_835 : memref<1x50xi32, #tpu.memory_space<vmem>> -> memref<50xi32, #tpu.memory_space<vmem>>
    %dma_wait3A_837 = arith.constant 0 : i32
    %dma_wait3A_838 = arith.constant 0 : i32
    %dma_wait3A_839 = tpu.memref_slice %arg2[%dma_wait3A_837, %dma_wait3A_838] : memref<1000000x32xf32, #tpu.memory_space<hbm>> -> memref<1000000x32xf32, #tpu.memory_space<hbm>>
    %dma_wait3A_840 = tpu.memref_slice %arg7[%dma_wait3A_829] : memref<8x!tpu.dma_semaphore, #tpu.memory_space<semaphore_mem>> -> memref<1x!tpu.dma_semaphore, #tpu.memory_space<semaphore_mem>>
    %dma_wait3A_841 = tpu.memref_squeeze %dma_wait3A_840 : memref<1x!tpu.dma_semaphore, #tpu.memory_space<semaphore_mem>> -> memref<!tpu.dma_semaphore, #tpu.memory_space<semaphore_mem>>
    tpu.wait_indirect_dma semaphore(%dma_wait3A_841 : memref<!tpu.dma_semaphore, #tpu.memory_space<semaphore_mem>>) src(%dma_wait3A_839 : memref<1000000x32xf32, #tpu.memory_space<hbm>>) dst(%dma_wait3A_833 : memref<50x32xf32, #tpu.memory_space<vmem>>)
    %dma_wait3A_842 = arith.constant 5 : i32
    %dma_wait3A_843 = arith.constant 5 : i32
    %dma_wait3A_844 = arith.constant 0 : i32
    %dma_wait3A_845 = arith.constant 0 : i32
    %dma_wait3A_846 = tpu.memref_slice %arg6[%dma_wait3A_842, %dma_wait3A_844, %dma_wait3A_845] : memref<8x50x32xf32, #tpu.memory_space<vmem>> -> memref<1x50x32xf32, #tpu.memory_space<vmem>>
    %dma_wait3A_847 = tpu.memref_squeeze %dma_wait3A_846 : memref<1x50x32xf32, #tpu.memory_space<vmem>> -> memref<50x32xf32, #tpu.memory_space<vmem>>
    %dma_wait3A_848 = arith.constant 0 : i32
    %dma_wait3A_849 = arith.constant 0 : i32
    %dma_wait3A_850 = tpu.memref_slice %arg4[%multiple_of3A, %dma_wait3A_848, %dma_wait3A_849] : memref<4096x50x32xf32, #tpu.memory_space<hbm>> -> memref<1x50x32xf32, #tpu.memory_space<hbm>>
    %dma_wait3A_851 = tpu.memref_squeeze %dma_wait3A_850 : memref<1x50x32xf32, #tpu.memory_space<hbm>> -> memref<50x32xf32, #tpu.memory_space<hbm>>
    %dma_wait3A_852 = tpu.memref_slice %arg8[%dma_wait3A_843] : memref<8x!tpu.dma_semaphore, #tpu.memory_space<semaphore_mem>> -> memref<1x!tpu.dma_semaphore, #tpu.memory_space<semaphore_mem>>
    %dma_wait3A_853 = tpu.memref_squeeze %dma_wait3A_852 : memref<1x!tpu.dma_semaphore, #tpu.memory_space<semaphore_mem>> -> memref<!tpu.dma_semaphore, #tpu.memory_space<semaphore_mem>>
    %dma_wait3A_854 = arith.constant 0 : i32
    %dma_wait3A_855 = arith.constant 0 : i32
    %dma_wait3A_856 = tpu.memref_slice %arg4[%multiple_of3A, %dma_wait3A_854, %dma_wait3A_855] : memref<4096x50x32xf32, #tpu.memory_space<hbm>> -> memref<1x50x32xf32, #tpu.memory_space<hbm>>
    %dma_wait3A_857 = tpu.memref_squeeze %dma_wait3A_856 : memref<1x50x32xf32, #tpu.memory_space<hbm>> -> memref<50x32xf32, #tpu.memory_space<hbm>>
    %dma_wait3A_858 = arith.constant 0 : i32
    %dma_wait3A_859 = arith.constant 0 : i32
    %dma_wait3A_860 = tpu.memref_slice %arg6[%dma_wait3A_842, %dma_wait3A_858, %dma_wait3A_859] : memref<8x50x32xf32, #tpu.memory_space<vmem>> -> memref<1x50x32xf32, #tpu.memory_space<vmem>>
    %dma_wait3A_861 = tpu.memref_squeeze %dma_wait3A_860 : memref<1x50x32xf32, #tpu.memory_space<vmem>> -> memref<50x32xf32, #tpu.memory_space<vmem>>
    tpu.wait_dma2 semaphore(%dma_wait3A_853 : memref<!tpu.dma_semaphore, #tpu.memory_space<semaphore_mem>>) src(%dma_wait3A_861 : memref<50x32xf32, #tpu.memory_space<vmem>>) dst(%dma_wait3A_857 : memref<50x32xf32, #tpu.memory_space<hbm>>)
    %add3A_862 = arith.constant 125 : i32
    %add3A_863 = arith.addi %multiple_of3A, %add3A_862 : i32
    %dma_start3A_864 = arith.constant 5 : i32
    %dma_start3A_865 = arith.constant 5 : i32
    %dma_start3A_866 = arith.constant 0 : i32
    %dma_start3A_867 = arith.constant 0 : i32
    %dma_start3A_868 = tpu.memref_slice %arg6[%dma_start3A_864, %dma_start3A_866, %dma_start3A_867] : memref<8x50x32xf32, #tpu.memory_space<vmem>> -> memref<1x50x32xf32, #tpu.memory_space<vmem>>
    %dma_start3A_869 = tpu.memref_squeeze %dma_start3A_868 : memref<1x50x32xf32, #tpu.memory_space<vmem>> -> memref<50x32xf32, #tpu.memory_space<vmem>>
    %dma_start3A_870 = arith.constant 0 : i32
    %dma_start3A_871 = arith.constant 0 : i32
    %dma_start3A_872 = tpu.memref_slice %arg4[%add3A_863, %dma_start3A_870, %dma_start3A_871] : memref<4096x50x32xf32, #tpu.memory_space<hbm>> -> memref<1x50x32xf32, #tpu.memory_space<hbm>>
    %dma_start3A_873 = tpu.memref_squeeze %dma_start3A_872 : memref<1x50x32xf32, #tpu.memory_space<hbm>> -> memref<50x32xf32, #tpu.memory_space<hbm>>
    %dma_start3A_874 = tpu.memref_slice %arg8[%dma_start3A_865] : memref<8x!tpu.dma_semaphore, #tpu.memory_space<semaphore_mem>> -> memref<1x!tpu.dma_semaphore, #tpu.memory_space<semaphore_mem>>
    %dma_start3A_875 = tpu.memref_squeeze %dma_start3A_874 : memref<1x!tpu.dma_semaphore, #tpu.memory_space<semaphore_mem>> -> memref<!tpu.dma_semaphore, #tpu.memory_space<semaphore_mem>>
    %dma_start3A_876 = arith.constant 0 : i32
    %dma_start3A_877 = arith.constant 0 : i32
    %dma_start3A_878 = tpu.memref_slice %arg4[%add3A_863, %dma_start3A_876, %dma_start3A_877] : memref<4096x50x32xf32, #tpu.memory_space<hbm>> -> memref<1x50x32xf32, #tpu.memory_space<hbm>>
    %dma_start3A_879 = tpu.memref_squeeze %dma_start3A_878 : memref<1x50x32xf32, #tpu.memory_space<hbm>> -> memref<50x32xf32, #tpu.memory_space<hbm>>
    %dma_start3A_880 = arith.constant 0 : i32
    %dma_start3A_881 = arith.constant 0 : i32
    %dma_start3A_882 = tpu.memref_slice %arg6[%dma_start3A_864, %dma_start3A_880, %dma_start3A_881] : memref<8x50x32xf32, #tpu.memory_space<vmem>> -> memref<1x50x32xf32, #tpu.memory_space<vmem>>
    %dma_start3A_883 = tpu.memref_squeeze %dma_start3A_882 : memref<1x50x32xf32, #tpu.memory_space<vmem>> -> memref<50x32xf32, #tpu.memory_space<vmem>>
    tpu.enqueue_dma source(%dma_start3A_883 : memref<50x32xf32, #tpu.memory_space<vmem>>) target(%dma_start3A_879 : memref<50x32xf32, #tpu.memory_space<hbm>>) target_semaphore(%dma_start3A_875 : memref<!tpu.dma_semaphore, #tpu.memory_space<semaphore_mem>>)
    %dma_wait3A_884 = arith.constant 126 : i32
    %dma_wait3A_885 = arith.constant 6 : i32
    %dma_wait3A_886 = arith.constant 6 : i32
    %dma_wait3A_887 = arith.constant 0 : i32
    %dma_wait3A_888 = arith.constant 0 : i32
    %dma_wait3A_889 = tpu.memref_slice %arg6[%dma_wait3A_885, %dma_wait3A_887, %dma_wait3A_888] : memref<8x50x32xf32, #tpu.memory_space<vmem>> -> memref<1x50x32xf32, #tpu.memory_space<vmem>>
    %dma_wait3A_890 = tpu.memref_squeeze %dma_wait3A_889 : memref<1x50x32xf32, #tpu.memory_space<vmem>> -> memref<50x32xf32, #tpu.memory_space<vmem>>
    %dma_wait3A_891 = arith.constant 0 : i32
    %dma_wait3A_892 = tpu.memref_slice %arg5[%dma_wait3A_884, %dma_wait3A_891] : memref<128x50xi32, #tpu.memory_space<vmem>> -> memref<1x50xi32, #tpu.memory_space<vmem>>
    %dma_wait3A_893 = tpu.memref_squeeze %dma_wait3A_892 : memref<1x50xi32, #tpu.memory_space<vmem>> -> memref<50xi32, #tpu.memory_space<vmem>>
    %dma_wait3A_894 = arith.constant 0 : i32
    %dma_wait3A_895 = arith.constant 0 : i32
    %dma_wait3A_896 = tpu.memref_slice %arg2[%dma_wait3A_894, %dma_wait3A_895] : memref<1000000x32xf32, #tpu.memory_space<hbm>> -> memref<1000000x32xf32, #tpu.memory_space<hbm>>
    %dma_wait3A_897 = tpu.memref_slice %arg7[%dma_wait3A_886] : memref<8x!tpu.dma_semaphore, #tpu.memory_space<semaphore_mem>> -> memref<1x!tpu.dma_semaphore, #tpu.memory_space<semaphore_mem>>
    %dma_wait3A_898 = tpu.memref_squeeze %dma_wait3A_897 : memref<1x!tpu.dma_semaphore, #tpu.memory_space<semaphore_mem>> -> memref<!tpu.dma_semaphore, #tpu.memory_space<semaphore_mem>>
    tpu.wait_indirect_dma semaphore(%dma_wait3A_898 : memref<!tpu.dma_semaphore, #tpu.memory_space<semaphore_mem>>) src(%dma_wait3A_896 : memref<1000000x32xf32, #tpu.memory_space<hbm>>) dst(%dma_wait3A_890 : memref<50x32xf32, #tpu.memory_space<vmem>>)
    %dma_wait3A_899 = arith.constant 6 : i32
    %dma_wait3A_900 = arith.constant 6 : i32
    %dma_wait3A_901 = arith.constant 0 : i32
    %dma_wait3A_902 = arith.constant 0 : i32
    %dma_wait3A_903 = tpu.memref_slice %arg6[%dma_wait3A_899, %dma_wait3A_901, %dma_wait3A_902] : memref<8x50x32xf32, #tpu.memory_space<vmem>> -> memref<1x50x32xf32, #tpu.memory_space<vmem>>
    %dma_wait3A_904 = tpu.memref_squeeze %dma_wait3A_903 : memref<1x50x32xf32, #tpu.memory_space<vmem>> -> memref<50x32xf32, #tpu.memory_space<vmem>>
    %dma_wait3A_905 = arith.constant 0 : i32
    %dma_wait3A_906 = arith.constant 0 : i32
    %dma_wait3A_907 = tpu.memref_slice %arg4[%multiple_of3A, %dma_wait3A_905, %dma_wait3A_906] : memref<4096x50x32xf32, #tpu.memory_space<hbm>> -> memref<1x50x32xf32, #tpu.memory_space<hbm>>
    %dma_wait3A_908 = tpu.memref_squeeze %dma_wait3A_907 : memref<1x50x32xf32, #tpu.memory_space<hbm>> -> memref<50x32xf32, #tpu.memory_space<hbm>>
    %dma_wait3A_909 = tpu.memref_slice %arg8[%dma_wait3A_900] : memref<8x!tpu.dma_semaphore, #tpu.memory_space<semaphore_mem>> -> memref<1x!tpu.dma_semaphore, #tpu.memory_space<semaphore_mem>>
    %dma_wait3A_910 = tpu.memref_squeeze %dma_wait3A_909 : memref<1x!tpu.dma_semaphore, #tpu.memory_space<semaphore_mem>> -> memref<!tpu.dma_semaphore, #tpu.memory_space<semaphore_mem>>
    %dma_wait3A_911 = arith.constant 0 : i32
    %dma_wait3A_912 = arith.constant 0 : i32
    %dma_wait3A_913 = tpu.memref_slice %arg4[%multiple_of3A, %dma_wait3A_911, %dma_wait3A_912] : memref<4096x50x32xf32, #tpu.memory_space<hbm>> -> memref<1x50x32xf32, #tpu.memory_space<hbm>>
    %dma_wait3A_914 = tpu.memref_squeeze %dma_wait3A_913 : memref<1x50x32xf32, #tpu.memory_space<hbm>> -> memref<50x32xf32, #tpu.memory_space<hbm>>
    %dma_wait3A_915 = arith.constant 0 : i32
    %dma_wait3A_916 = arith.constant 0 : i32
    %dma_wait3A_917 = tpu.memref_slice %arg6[%dma_wait3A_899, %dma_wait3A_915, %dma_wait3A_916] : memref<8x50x32xf32, #tpu.memory_space<vmem>> -> memref<1x50x32xf32, #tpu.memory_space<vmem>>
    %dma_wait3A_918 = tpu.memref_squeeze %dma_wait3A_917 : memref<1x50x32xf32, #tpu.memory_space<vmem>> -> memref<50x32xf32, #tpu.memory_space<vmem>>
    tpu.wait_dma2 semaphore(%dma_wait3A_910 : memref<!tpu.dma_semaphore, #tpu.memory_space<semaphore_mem>>) src(%dma_wait3A_918 : memref<50x32xf32, #tpu.memory_space<vmem>>) dst(%dma_wait3A_914 : memref<50x32xf32, #tpu.memory_space<hbm>>)
    %add3A_919 = arith.constant 126 : i32
    %add3A_920 = arith.addi %multiple_of3A, %add3A_919 : i32
    %dma_start3A_921 = arith.constant 6 : i32
    %dma_start3A_922 = arith.constant 6 : i32
    %dma_start3A_923 = arith.constant 0 : i32
    %dma_start3A_924 = arith.constant 0 : i32
    %dma_start3A_925 = tpu.memref_slice %arg6[%dma_start3A_921, %dma_start3A_923, %dma_start3A_924] : memref<8x50x32xf32, #tpu.memory_space<vmem>> -> memref<1x50x32xf32, #tpu.memory_space<vmem>>
    %dma_start3A_926 = tpu.memref_squeeze %dma_start3A_925 : memref<1x50x32xf32, #tpu.memory_space<vmem>> -> memref<50x32xf32, #tpu.memory_space<vmem>>
    %dma_start3A_927 = arith.constant 0 : i32
    %dma_start3A_928 = arith.constant 0 : i32
    %dma_start3A_929 = tpu.memref_slice %arg4[%add3A_920, %dma_start3A_927, %dma_start3A_928] : memref<4096x50x32xf32, #tpu.memory_space<hbm>> -> memref<1x50x32xf32, #tpu.memory_space<hbm>>
    %dma_start3A_930 = tpu.memref_squeeze %dma_start3A_929 : memref<1x50x32xf32, #tpu.memory_space<hbm>> -> memref<50x32xf32, #tpu.memory_space<hbm>>
    %dma_start3A_931 = tpu.memref_slice %arg8[%dma_start3A_922] : memref<8x!tpu.dma_semaphore, #tpu.memory_space<semaphore_mem>> -> memref<1x!tpu.dma_semaphore, #tpu.memory_space<semaphore_mem>>
    %dma_start3A_932 = tpu.memref_squeeze %dma_start3A_931 : memref<1x!tpu.dma_semaphore, #tpu.memory_space<semaphore_mem>> -> memref<!tpu.dma_semaphore, #tpu.memory_space<semaphore_mem>>
    %dma_start3A_933 = arith.constant 0 : i32
    %dma_start3A_934 = arith.constant 0 : i32
    %dma_start3A_935 = tpu.memref_slice %arg4[%add3A_920, %dma_start3A_933, %dma_start3A_934] : memref<4096x50x32xf32, #tpu.memory_space<hbm>> -> memref<1x50x32xf32, #tpu.memory_space<hbm>>
    %dma_start3A_936 = tpu.memref_squeeze %dma_start3A_935 : memref<1x50x32xf32, #tpu.memory_space<hbm>> -> memref<50x32xf32, #tpu.memory_space<hbm>>
    %dma_start3A_937 = arith.constant 0 : i32
    %dma_start3A_938 = arith.constant 0 : i32
    %dma_start3A_939 = tpu.memref_slice %arg6[%dma_start3A_921, %dma_start3A_937, %dma_start3A_938] : memref<8x50x32xf32, #tpu.memory_space<vmem>> -> memref<1x50x32xf32, #tpu.memory_space<vmem>>
    %dma_start3A_940 = tpu.memref_squeeze %dma_start3A_939 : memref<1x50x32xf32, #tpu.memory_space<vmem>> -> memref<50x32xf32, #tpu.memory_space<vmem>>
    tpu.enqueue_dma source(%dma_start3A_940 : memref<50x32xf32, #tpu.memory_space<vmem>>) target(%dma_start3A_936 : memref<50x32xf32, #tpu.memory_space<hbm>>) target_semaphore(%dma_start3A_932 : memref<!tpu.dma_semaphore, #tpu.memory_space<semaphore_mem>>)
    %dma_wait3A_941 = arith.constant 127 : i32
    %dma_wait3A_942 = arith.constant 7 : i32
    %dma_wait3A_943 = arith.constant 7 : i32
    %dma_wait3A_944 = arith.constant 0 : i32
    %dma_wait3A_945 = arith.constant 0 : i32
    %dma_wait3A_946 = tpu.memref_slice %arg6[%dma_wait3A_942, %dma_wait3A_944, %dma_wait3A_945] : memref<8x50x32xf32, #tpu.memory_space<vmem>> -> memref<1x50x32xf32, #tpu.memory_space<vmem>>
    %dma_wait3A_947 = tpu.memref_squeeze %dma_wait3A_946 : memref<1x50x32xf32, #tpu.memory_space<vmem>> -> memref<50x32xf32, #tpu.memory_space<vmem>>
    %dma_wait3A_948 = arith.constant 0 : i32
    %dma_wait3A_949 = tpu.memref_slice %arg5[%dma_wait3A_941, %dma_wait3A_948] : memref<128x50xi32, #tpu.memory_space<vmem>> -> memref<1x50xi32, #tpu.memory_space<vmem>>
    %dma_wait3A_950 = tpu.memref_squeeze %dma_wait3A_949 : memref<1x50xi32, #tpu.memory_space<vmem>> -> memref<50xi32, #tpu.memory_space<vmem>>
    %dma_wait3A_951 = arith.constant 0 : i32
    %dma_wait3A_952 = arith.constant 0 : i32
    %dma_wait3A_953 = tpu.memref_slice %arg2[%dma_wait3A_951, %dma_wait3A_952] : memref<1000000x32xf32, #tpu.memory_space<hbm>> -> memref<1000000x32xf32, #tpu.memory_space<hbm>>
    %dma_wait3A_954 = tpu.memref_slice %arg7[%dma_wait3A_943] : memref<8x!tpu.dma_semaphore, #tpu.memory_space<semaphore_mem>> -> memref<1x!tpu.dma_semaphore, #tpu.memory_space<semaphore_mem>>
    %dma_wait3A_955 = tpu.memref_squeeze %dma_wait3A_954 : memref<1x!tpu.dma_semaphore, #tpu.memory_space<semaphore_mem>> -> memref<!tpu.dma_semaphore, #tpu.memory_space<semaphore_mem>>
    tpu.wait_indirect_dma semaphore(%dma_wait3A_955 : memref<!tpu.dma_semaphore, #tpu.memory_space<semaphore_mem>>) src(%dma_wait3A_953 : memref<1000000x32xf32, #tpu.memory_space<hbm>>) dst(%dma_wait3A_947 : memref<50x32xf32, #tpu.memory_space<vmem>>)
    %dma_wait3A_956 = arith.constant 7 : i32
    %dma_wait3A_957 = arith.constant 7 : i32
    %dma_wait3A_958 = arith.constant 0 : i32
    %dma_wait3A_959 = arith.constant 0 : i32
    %dma_wait3A_960 = tpu.memref_slice %arg6[%dma_wait3A_956, %dma_wait3A_958, %dma_wait3A_959] : memref<8x50x32xf32, #tpu.memory_space<vmem>> -> memref<1x50x32xf32, #tpu.memory_space<vmem>>
    %dma_wait3A_961 = tpu.memref_squeeze %dma_wait3A_960 : memref<1x50x32xf32, #tpu.memory_space<vmem>> -> memref<50x32xf32, #tpu.memory_space<vmem>>
    %dma_wait3A_962 = arith.constant 0 : i32
    %dma_wait3A_963 = arith.constant 0 : i32
    %dma_wait3A_964 = tpu.memref_slice %arg4[%multiple_of3A, %dma_wait3A_962, %dma_wait3A_963] : memref<4096x50x32xf32, #tpu.memory_space<hbm>> -> memref<1x50x32xf32, #tpu.memory_space<hbm>>
    %dma_wait3A_965 = tpu.memref_squeeze %dma_wait3A_964 : memref<1x50x32xf32, #tpu.memory_space<hbm>> -> memref<50x32xf32, #tpu.memory_space<hbm>>
    %dma_wait3A_966 = tpu.memref_slice %arg8[%dma_wait3A_957] : memref<8x!tpu.dma_semaphore, #tpu.memory_space<semaphore_mem>> -> memref<1x!tpu.dma_semaphore, #tpu.memory_space<semaphore_mem>>
    %dma_wait3A_967 = tpu.memref_squeeze %dma_wait3A_966 : memref<1x!tpu.dma_semaphore, #tpu.memory_space<semaphore_mem>> -> memref<!tpu.dma_semaphore, #tpu.memory_space<semaphore_mem>>
    %dma_wait3A_968 = arith.constant 0 : i32
    %dma_wait3A_969 = arith.constant 0 : i32
    %dma_wait3A_970 = tpu.memref_slice %arg4[%multiple_of3A, %dma_wait3A_968, %dma_wait3A_969] : memref<4096x50x32xf32, #tpu.memory_space<hbm>> -> memref<1x50x32xf32, #tpu.memory_space<hbm>>
    %dma_wait3A_971 = tpu.memref_squeeze %dma_wait3A_970 : memref<1x50x32xf32, #tpu.memory_space<hbm>> -> memref<50x32xf32, #tpu.memory_space<hbm>>
    %dma_wait3A_972 = arith.constant 0 : i32
    %dma_wait3A_973 = arith.constant 0 : i32
    %dma_wait3A_974 = tpu.memref_slice %arg6[%dma_wait3A_956, %dma_wait3A_972, %dma_wait3A_973] : memref<8x50x32xf32, #tpu.memory_space<vmem>> -> memref<1x50x32xf32, #tpu.memory_space<vmem>>
    %dma_wait3A_975 = tpu.memref_squeeze %dma_wait3A_974 : memref<1x50x32xf32, #tpu.memory_space<vmem>> -> memref<50x32xf32, #tpu.memory_space<vmem>>
    tpu.wait_dma2 semaphore(%dma_wait3A_967 : memref<!tpu.dma_semaphore, #tpu.memory_space<semaphore_mem>>) src(%dma_wait3A_975 : memref<50x32xf32, #tpu.memory_space<vmem>>) dst(%dma_wait3A_971 : memref<50x32xf32, #tpu.memory_space<hbm>>)
    %add3A_976 = arith.constant 127 : i32
    %add3A_977 = arith.addi %multiple_of3A, %add3A_976 : i32
    %dma_start3A_978 = arith.constant 7 : i32
    %dma_start3A_979 = arith.constant 7 : i32
    %dma_start3A_980 = arith.constant 0 : i32
    %dma_start3A_981 = arith.constant 0 : i32
    %dma_start3A_982 = tpu.memref_slice %arg6[%dma_start3A_978, %dma_start3A_980, %dma_start3A_981] : memref<8x50x32xf32, #tpu.memory_space<vmem>> -> memref<1x50x32xf32, #tpu.memory_space<vmem>>
    %dma_start3A_983 = tpu.memref_squeeze %dma_start3A_982 : memref<1x50x32xf32, #tpu.memory_space<vmem>> -> memref<50x32xf32, #tpu.memory_space<vmem>>
    %dma_start3A_984 = arith.constant 0 : i32
    %dma_start3A_985 = arith.constant 0 : i32
    %dma_start3A_986 = tpu.memref_slice %arg4[%add3A_977, %dma_start3A_984, %dma_start3A_985] : memref<4096x50x32xf32, #tpu.memory_space<hbm>> -> memref<1x50x32xf32, #tpu.memory_space<hbm>>
    %dma_start3A_987 = tpu.memref_squeeze %dma_start3A_986 : memref<1x50x32xf32, #tpu.memory_space<hbm>> -> memref<50x32xf32, #tpu.memory_space<hbm>>
    %dma_start3A_988 = tpu.memref_slice %arg8[%dma_start3A_979] : memref<8x!tpu.dma_semaphore, #tpu.memory_space<semaphore_mem>> -> memref<1x!tpu.dma_semaphore, #tpu.memory_space<semaphore_mem>>
    %dma_start3A_989 = tpu.memref_squeeze %dma_start3A_988 : memref<1x!tpu.dma_semaphore, #tpu.memory_space<semaphore_mem>> -> memref<!tpu.dma_semaphore, #tpu.memory_space<semaphore_mem>>
    %dma_start3A_990 = arith.constant 0 : i32
    %dma_start3A_991 = arith.constant 0 : i32
    %dma_start3A_992 = tpu.memref_slice %arg4[%add3A_977, %dma_start3A_990, %dma_start3A_991] : memref<4096x50x32xf32, #tpu.memory_space<hbm>> -> memref<1x50x32xf32, #tpu.memory_space<hbm>>
    %dma_start3A_993 = tpu.memref_squeeze %dma_start3A_992 : memref<1x50x32xf32, #tpu.memory_space<hbm>> -> memref<50x32xf32, #tpu.memory_space<hbm>>
    %dma_start3A_994 = arith.constant 0 : i32
    %dma_start3A_995 = arith.constant 0 : i32
    %dma_start3A_996 = tpu.memref_slice %arg6[%dma_start3A_978, %dma_start3A_994, %dma_start3A_995] : memref<8x50x32xf32, #tpu.memory_space<vmem>> -> memref<1x50x32xf32, #tpu.memory_space<vmem>>
    %dma_start3A_997 = tpu.memref_squeeze %dma_start3A_996 : memref<1x50x32xf32, #tpu.memory_space<vmem>> -> memref<50x32xf32, #tpu.memory_space<vmem>>
    tpu.enqueue_dma source(%dma_start3A_997 : memref<50x32xf32, #tpu.memory_space<vmem>>) target(%dma_start3A_993 : memref<50x32xf32, #tpu.memory_space<hbm>>) target_semaphore(%dma_start3A_989 : memref<!tpu.dma_semaphore, #tpu.memory_space<semaphore_mem>>)
    %dma_wait3A_998 = arith.constant 0 : i32
    %dma_wait3A_999 = arith.constant 0 : i32
    %dma_wait3A_1000 = arith.constant 0 : i32
    %dma_wait3A_1001 = arith.constant 0 : i32
    %dma_wait3A_1002 = tpu.memref_slice %arg6[%dma_wait3A_998, %dma_wait3A_1000, %dma_wait3A_1001] : memref<8x50x32xf32, #tpu.memory_space<vmem>> -> memref<1x50x32xf32, #tpu.memory_space<vmem>>
    %dma_wait3A_1003 = tpu.memref_squeeze %dma_wait3A_1002 : memref<1x50x32xf32, #tpu.memory_space<vmem>> -> memref<50x32xf32, #tpu.memory_space<vmem>>
    %dma_wait3A_1004 = arith.constant 0 : i32
    %dma_wait3A_1005 = arith.constant 0 : i32
    %dma_wait3A_1006 = tpu.memref_slice %arg4[%multiple_of3A, %dma_wait3A_1004, %dma_wait3A_1005] : memref<4096x50x32xf32, #tpu.memory_space<hbm>> -> memref<1x50x32xf32, #tpu.memory_space<hbm>>
    %dma_wait3A_1007 = tpu.memref_squeeze %dma_wait3A_1006 : memref<1x50x32xf32, #tpu.memory_space<hbm>> -> memref<50x32xf32, #tpu.memory_space<hbm>>
    %dma_wait3A_1008 = tpu.memref_slice %arg8[%dma_wait3A_999] : memref<8x!tpu.dma_semaphore, #tpu.memory_space<semaphore_mem>> -> memref<1x!tpu.dma_semaphore, #tpu.memory_space<semaphore_mem>>
    %dma_wait3A_1009 = tpu.memref_squeeze %dma_wait3A_1008 : memref<1x!tpu.dma_semaphore, #tpu.memory_space<semaphore_mem>> -> memref<!tpu.dma_semaphore, #tpu.memory_space<semaphore_mem>>
    %dma_wait3A_1010 = arith.constant 0 : i32
    %dma_wait3A_1011 = arith.constant 0 : i32
    %dma_wait3A_1012 = tpu.memref_slice %arg4[%multiple_of3A, %dma_wait3A_1010, %dma_wait3A_1011] : memref<4096x50x32xf32, #tpu.memory_space<hbm>> -> memref<1x50x32xf32, #tpu.memory_space<hbm>>
    %dma_wait3A_1013 = tpu.memref_squeeze %dma_wait3A_1012 : memref<1x50x32xf32, #tpu.memory_space<hbm>> -> memref<50x32xf32, #tpu.memory_space<hbm>>
    %dma_wait3A_1014 = arith.constant 0 : i32
    %dma_wait3A_1015 = arith.constant 0 : i32
    %dma_wait3A_1016 = tpu.memref_slice %arg6[%dma_wait3A_998, %dma_wait3A_1014, %dma_wait3A_1015] : memref<8x50x32xf32, #tpu.memory_space<vmem>> -> memref<1x50x32xf32, #tpu.memory_space<vmem>>
    %dma_wait3A_1017 = tpu.memref_squeeze %dma_wait3A_1016 : memref<1x50x32xf32, #tpu.memory_space<vmem>> -> memref<50x32xf32, #tpu.memory_space<vmem>>
    tpu.wait_dma2 semaphore(%dma_wait3A_1009 : memref<!tpu.dma_semaphore, #tpu.memory_space<semaphore_mem>>) src(%dma_wait3A_1017 : memref<50x32xf32, #tpu.memory_space<vmem>>) dst(%dma_wait3A_1013 : memref<50x32xf32, #tpu.memory_space<hbm>>)
    %dma_wait3A_1018 = arith.constant 1 : i32
    %dma_wait3A_1019 = arith.constant 1 : i32
    %dma_wait3A_1020 = arith.constant 0 : i32
    %dma_wait3A_1021 = arith.constant 0 : i32
    %dma_wait3A_1022 = tpu.memref_slice %arg6[%dma_wait3A_1018, %dma_wait3A_1020, %dma_wait3A_1021] : memref<8x50x32xf32, #tpu.memory_space<vmem>> -> memref<1x50x32xf32, #tpu.memory_space<vmem>>
    %dma_wait3A_1023 = tpu.memref_squeeze %dma_wait3A_1022 : memref<1x50x32xf32, #tpu.memory_space<vmem>> -> memref<50x32xf32, #tpu.memory_space<vmem>>
    %dma_wait3A_1024 = arith.constant 0 : i32
    %dma_wait3A_1025 = arith.constant 0 : i32
    %dma_wait3A_1026 = tpu.memref_slice %arg4[%multiple_of3A, %dma_wait3A_1024, %dma_wait3A_1025] : memref<4096x50x32xf32, #tpu.memory_space<hbm>> -> memref<1x50x32xf32, #tpu.memory_space<hbm>>
    %dma_wait3A_1027 = tpu.memref_squeeze %dma_wait3A_1026 : memref<1x50x32xf32, #tpu.memory_space<hbm>> -> memref<50x32xf32, #tpu.memory_space<hbm>>
    %dma_wait3A_1028 = tpu.memref_slice %arg8[%dma_wait3A_1019] : memref<8x!tpu.dma_semaphore, #tpu.memory_space<semaphore_mem>> -> memref<1x!tpu.dma_semaphore, #tpu.memory_space<semaphore_mem>>
    %dma_wait3A_1029 = tpu.memref_squeeze %dma_wait3A_1028 : memref<1x!tpu.dma_semaphore, #tpu.memory_space<semaphore_mem>> -> memref<!tpu.dma_semaphore, #tpu.memory_space<semaphore_mem>>
    %dma_wait3A_1030 = arith.constant 0 : i32
    %dma_wait3A_1031 = arith.constant 0 : i32
    %dma_wait3A_1032 = tpu.memref_slice %arg4[%multiple_of3A, %dma_wait3A_1030, %dma_wait3A_1031] : memref<4096x50x32xf32, #tpu.memory_space<hbm>> -> memref<1x50x32xf32, #tpu.memory_space<hbm>>
    %dma_wait3A_1033 = tpu.memref_squeeze %dma_wait3A_1032 : memref<1x50x32xf32, #tpu.memory_space<hbm>> -> memref<50x32xf32, #tpu.memory_space<hbm>>
    %dma_wait3A_1034 = arith.constant 0 : i32
    %dma_wait3A_1035 = arith.constant 0 : i32
    %dma_wait3A_1036 = tpu.memref_slice %arg6[%dma_wait3A_1018, %dma_wait3A_1034, %dma_wait3A_1035] : memref<8x50x32xf32, #tpu.memory_space<vmem>> -> memref<1x50x32xf32, #tpu.memory_space<vmem>>
    %dma_wait3A_1037 = tpu.memref_squeeze %dma_wait3A_1036 : memref<1x50x32xf32, #tpu.memory_space<vmem>> -> memref<50x32xf32, #tpu.memory_space<vmem>>
    tpu.wait_dma2 semaphore(%dma_wait3A_1029 : memref<!tpu.dma_semaphore, #tpu.memory_space<semaphore_mem>>) src(%dma_wait3A_1037 : memref<50x32xf32, #tpu.memory_space<vmem>>) dst(%dma_wait3A_1033 : memref<50x32xf32, #tpu.memory_space<hbm>>)
    %dma_wait3A_1038 = arith.constant 2 : i32
    %dma_wait3A_1039 = arith.constant 2 : i32
    %dma_wait3A_1040 = arith.constant 0 : i32
    %dma_wait3A_1041 = arith.constant 0 : i32
    %dma_wait3A_1042 = tpu.memref_slice %arg6[%dma_wait3A_1038, %dma_wait3A_1040, %dma_wait3A_1041] : memref<8x50x32xf32, #tpu.memory_space<vmem>> -> memref<1x50x32xf32, #tpu.memory_space<vmem>>
    %dma_wait3A_1043 = tpu.memref_squeeze %dma_wait3A_1042 : memref<1x50x32xf32, #tpu.memory_space<vmem>> -> memref<50x32xf32, #tpu.memory_space<vmem>>
    %dma_wait3A_1044 = arith.constant 0 : i32
    %dma_wait3A_1045 = arith.constant 0 : i32
    %dma_wait3A_1046 = tpu.memref_slice %arg4[%multiple_of3A, %dma_wait3A_1044, %dma_wait3A_1045] : memref<4096x50x32xf32, #tpu.memory_space<hbm>> -> memref<1x50x32xf32, #tpu.memory_space<hbm>>
    %dma_wait3A_1047 = tpu.memref_squeeze %dma_wait3A_1046 : memref<1x50x32xf32, #tpu.memory_space<hbm>> -> memref<50x32xf32, #tpu.memory_space<hbm>>
    %dma_wait3A_1048 = tpu.memref_slice %arg8[%dma_wait3A_1039] : memref<8x!tpu.dma_semaphore, #tpu.memory_space<semaphore_mem>> -> memref<1x!tpu.dma_semaphore, #tpu.memory_space<semaphore_mem>>
    %dma_wait3A_1049 = tpu.memref_squeeze %dma_wait3A_1048 : memref<1x!tpu.dma_semaphore, #tpu.memory_space<semaphore_mem>> -> memref<!tpu.dma_semaphore, #tpu.memory_space<semaphore_mem>>
    %dma_wait3A_1050 = arith.constant 0 : i32
    %dma_wait3A_1051 = arith.constant 0 : i32
    %dma_wait3A_1052 = tpu.memref_slice %arg4[%multiple_of3A, %dma_wait3A_1050, %dma_wait3A_1051] : memref<4096x50x32xf32, #tpu.memory_space<hbm>> -> memref<1x50x32xf32, #tpu.memory_space<hbm>>
    %dma_wait3A_1053 = tpu.memref_squeeze %dma_wait3A_1052 : memref<1x50x32xf32, #tpu.memory_space<hbm>> -> memref<50x32xf32, #tpu.memory_space<hbm>>
    %dma_wait3A_1054 = arith.constant 0 : i32
    %dma_wait3A_1055 = arith.constant 0 : i32
    %dma_wait3A_1056 = tpu.memref_slice %arg6[%dma_wait3A_1038, %dma_wait3A_1054, %dma_wait3A_1055] : memref<8x50x32xf32, #tpu.memory_space<vmem>> -> memref<1x50x32xf32, #tpu.memory_space<vmem>>
    %dma_wait3A_1057 = tpu.memref_squeeze %dma_wait3A_1056 : memref<1x50x32xf32, #tpu.memory_space<vmem>> -> memref<50x32xf32, #tpu.memory_space<vmem>>
    tpu.wait_dma2 semaphore(%dma_wait3A_1049 : memref<!tpu.dma_semaphore, #tpu.memory_space<semaphore_mem>>) src(%dma_wait3A_1057 : memref<50x32xf32, #tpu.memory_space<vmem>>) dst(%dma_wait3A_1053 : memref<50x32xf32, #tpu.memory_space<hbm>>)
    %dma_wait3A_1058 = arith.constant 3 : i32
    %dma_wait3A_1059 = arith.constant 3 : i32
    %dma_wait3A_1060 = arith.constant 0 : i32
    %dma_wait3A_1061 = arith.constant 0 : i32
    %dma_wait3A_1062 = tpu.memref_slice %arg6[%dma_wait3A_1058, %dma_wait3A_1060, %dma_wait3A_1061] : memref<8x50x32xf32, #tpu.memory_space<vmem>> -> memref<1x50x32xf32, #tpu.memory_space<vmem>>
    %dma_wait3A_1063 = tpu.memref_squeeze %dma_wait3A_1062 : memref<1x50x32xf32, #tpu.memory_space<vmem>> -> memref<50x32xf32, #tpu.memory_space<vmem>>
    %dma_wait3A_1064 = arith.constant 0 : i32
    %dma_wait3A_1065 = arith.constant 0 : i32
    %dma_wait3A_1066 = tpu.memref_slice %arg4[%multiple_of3A, %dma_wait3A_1064, %dma_wait3A_1065] : memref<4096x50x32xf32, #tpu.memory_space<hbm>> -> memref<1x50x32xf32, #tpu.memory_space<hbm>>
    %dma_wait3A_1067 = tpu.memref_squeeze %dma_wait3A_1066 : memref<1x50x32xf32, #tpu.memory_space<hbm>> -> memref<50x32xf32, #tpu.memory_space<hbm>>
    %dma_wait3A_1068 = tpu.memref_slice %arg8[%dma_wait3A_1059] : memref<8x!tpu.dma_semaphore, #tpu.memory_space<semaphore_mem>> -> memref<1x!tpu.dma_semaphore, #tpu.memory_space<semaphore_mem>>
    %dma_wait3A_1069 = tpu.memref_squeeze %dma_wait3A_1068 : memref<1x!tpu.dma_semaphore, #tpu.memory_space<semaphore_mem>> -> memref<!tpu.dma_semaphore, #tpu.memory_space<semaphore_mem>>
    %dma_wait3A_1070 = arith.constant 0 : i32
    %dma_wait3A_1071 = arith.constant 0 : i32
    %dma_wait3A_1072 = tpu.memref_slice %arg4[%multiple_of3A, %dma_wait3A_1070, %dma_wait3A_1071] : memref<4096x50x32xf32, #tpu.memory_space<hbm>> -> memref<1x50x32xf32, #tpu.memory_space<hbm>>
    %dma_wait3A_1073 = tpu.memref_squeeze %dma_wait3A_1072 : memref<1x50x32xf32, #tpu.memory_space<hbm>> -> memref<50x32xf32, #tpu.memory_space<hbm>>
    %dma_wait3A_1074 = arith.constant 0 : i32
    %dma_wait3A_1075 = arith.constant 0 : i32
    %dma_wait3A_1076 = tpu.memref_slice %arg6[%dma_wait3A_1058, %dma_wait3A_1074, %dma_wait3A_1075] : memref<8x50x32xf32, #tpu.memory_space<vmem>> -> memref<1x50x32xf32, #tpu.memory_space<vmem>>
    %dma_wait3A_1077 = tpu.memref_squeeze %dma_wait3A_1076 : memref<1x50x32xf32, #tpu.memory_space<vmem>> -> memref<50x32xf32, #tpu.memory_space<vmem>>
    tpu.wait_dma2 semaphore(%dma_wait3A_1069 : memref<!tpu.dma_semaphore, #tpu.memory_space<semaphore_mem>>) src(%dma_wait3A_1077 : memref<50x32xf32, #tpu.memory_space<vmem>>) dst(%dma_wait3A_1073 : memref<50x32xf32, #tpu.memory_space<hbm>>)
    %dma_wait3A_1078 = arith.constant 4 : i32
    %dma_wait3A_1079 = arith.constant 4 : i32
    %dma_wait3A_1080 = arith.constant 0 : i32
    %dma_wait3A_1081 = arith.constant 0 : i32
    %dma_wait3A_1082 = tpu.memref_slice %arg6[%dma_wait3A_1078, %dma_wait3A_1080, %dma_wait3A_1081] : memref<8x50x32xf32, #tpu.memory_space<vmem>> -> memref<1x50x32xf32, #tpu.memory_space<vmem>>
    %dma_wait3A_1083 = tpu.memref_squeeze %dma_wait3A_1082 : memref<1x50x32xf32, #tpu.memory_space<vmem>> -> memref<50x32xf32, #tpu.memory_space<vmem>>
    %dma_wait3A_1084 = arith.constant 0 : i32
    %dma_wait3A_1085 = arith.constant 0 : i32
    %dma_wait3A_1086 = tpu.memref_slice %arg4[%multiple_of3A, %dma_wait3A_1084, %dma_wait3A_1085] : memref<4096x50x32xf32, #tpu.memory_space<hbm>> -> memref<1x50x32xf32, #tpu.memory_space<hbm>>
    %dma_wait3A_1087 = tpu.memref_squeeze %dma_wait3A_1086 : memref<1x50x32xf32, #tpu.memory_space<hbm>> -> memref<50x32xf32, #tpu.memory_space<hbm>>
    %dma_wait3A_1088 = tpu.memref_slice %arg8[%dma_wait3A_1079] : memref<8x!tpu.dma_semaphore, #tpu.memory_space<semaphore_mem>> -> memref<1x!tpu.dma_semaphore, #tpu.memory_space<semaphore_mem>>
    %dma_wait3A_1089 = tpu.memref_squeeze %dma_wait3A_1088 : memref<1x!tpu.dma_semaphore, #tpu.memory_space<semaphore_mem>> -> memref<!tpu.dma_semaphore, #tpu.memory_space<semaphore_mem>>
    %dma_wait3A_1090 = arith.constant 0 : i32
    %dma_wait3A_1091 = arith.constant 0 : i32
    %dma_wait3A_1092 = tpu.memref_slice %arg4[%multiple_of3A, %dma_wait3A_1090, %dma_wait3A_1091] : memref<4096x50x32xf32, #tpu.memory_space<hbm>> -> memref<1x50x32xf32, #tpu.memory_space<hbm>>
    %dma_wait3A_1093 = tpu.memref_squeeze %dma_wait3A_1092 : memref<1x50x32xf32, #tpu.memory_space<hbm>> -> memref<50x32xf32, #tpu.memory_space<hbm>>
    %dma_wait3A_1094 = arith.constant 0 : i32
    %dma_wait3A_1095 = arith.constant 0 : i32
    %dma_wait3A_1096 = tpu.memref_slice %arg6[%dma_wait3A_1078, %dma_wait3A_1094, %dma_wait3A_1095] : memref<8x50x32xf32, #tpu.memory_space<vmem>> -> memref<1x50x32xf32, #tpu.memory_space<vmem>>
    %dma_wait3A_1097 = tpu.memref_squeeze %dma_wait3A_1096 : memref<1x50x32xf32, #tpu.memory_space<vmem>> -> memref<50x32xf32, #tpu.memory_space<vmem>>
    tpu.wait_dma2 semaphore(%dma_wait3A_1089 : memref<!tpu.dma_semaphore, #tpu.memory_space<semaphore_mem>>) src(%dma_wait3A_1097 : memref<50x32xf32, #tpu.memory_space<vmem>>) dst(%dma_wait3A_1093 : memref<50x32xf32, #tpu.memory_space<hbm>>)
    %dma_wait3A_1098 = arith.constant 5 : i32
    %dma_wait3A_1099 = arith.constant 5 : i32
    %dma_wait3A_1100 = arith.constant 0 : i32
    %dma_wait3A_1101 = arith.constant 0 : i32
    %dma_wait3A_1102 = tpu.memref_slice %arg6[%dma_wait3A_1098, %dma_wait3A_1100, %dma_wait3A_1101] : memref<8x50x32xf32, #tpu.memory_space<vmem>> -> memref<1x50x32xf32, #tpu.memory_space<vmem>>
    %dma_wait3A_1103 = tpu.memref_squeeze %dma_wait3A_1102 : memref<1x50x32xf32, #tpu.memory_space<vmem>> -> memref<50x32xf32, #tpu.memory_space<vmem>>
    %dma_wait3A_1104 = arith.constant 0 : i32
    %dma_wait3A_1105 = arith.constant 0 : i32
    %dma_wait3A_1106 = tpu.memref_slice %arg4[%multiple_of3A, %dma_wait3A_1104, %dma_wait3A_1105] : memref<4096x50x32xf32, #tpu.memory_space<hbm>> -> memref<1x50x32xf32, #tpu.memory_space<hbm>>
    %dma_wait3A_1107 = tpu.memref_squeeze %dma_wait3A_1106 : memref<1x50x32xf32, #tpu.memory_space<hbm>> -> memref<50x32xf32, #tpu.memory_space<hbm>>
    %dma_wait3A_1108 = tpu.memref_slice %arg8[%dma_wait3A_1099] : memref<8x!tpu.dma_semaphore, #tpu.memory_space<semaphore_mem>> -> memref<1x!tpu.dma_semaphore, #tpu.memory_space<semaphore_mem>>
    %dma_wait3A_1109 = tpu.memref_squeeze %dma_wait3A_1108 : memref<1x!tpu.dma_semaphore, #tpu.memory_space<semaphore_mem>> -> memref<!tpu.dma_semaphore, #tpu.memory_space<semaphore_mem>>
    %dma_wait3A_1110 = arith.constant 0 : i32
    %dma_wait3A_1111 = arith.constant 0 : i32
    %dma_wait3A_1112 = tpu.memref_slice %arg4[%multiple_of3A, %dma_wait3A_1110, %dma_wait3A_1111] : memref<4096x50x32xf32, #tpu.memory_space<hbm>> -> memref<1x50x32xf32, #tpu.memory_space<hbm>>
    %dma_wait3A_1113 = tpu.memref_squeeze %dma_wait3A_1112 : memref<1x50x32xf32, #tpu.memory_space<hbm>> -> memref<50x32xf32, #tpu.memory_space<hbm>>
    %dma_wait3A_1114 = arith.constant 0 : i32
    %dma_wait3A_1115 = arith.constant 0 : i32
    %dma_wait3A_1116 = tpu.memref_slice %arg6[%dma_wait3A_1098, %dma_wait3A_1114, %dma_wait3A_1115] : memref<8x50x32xf32, #tpu.memory_space<vmem>> -> memref<1x50x32xf32, #tpu.memory_space<vmem>>
    %dma_wait3A_1117 = tpu.memref_squeeze %dma_wait3A_1116 : memref<1x50x32xf32, #tpu.memory_space<vmem>> -> memref<50x32xf32, #tpu.memory_space<vmem>>
    tpu.wait_dma2 semaphore(%dma_wait3A_1109 : memref<!tpu.dma_semaphore, #tpu.memory_space<semaphore_mem>>) src(%dma_wait3A_1117 : memref<50x32xf32, #tpu.memory_space<vmem>>) dst(%dma_wait3A_1113 : memref<50x32xf32, #tpu.memory_space<hbm>>)
    %dma_wait3A_1118 = arith.constant 6 : i32
    %dma_wait3A_1119 = arith.constant 6 : i32
    %dma_wait3A_1120 = arith.constant 0 : i32
    %dma_wait3A_1121 = arith.constant 0 : i32
    %dma_wait3A_1122 = tpu.memref_slice %arg6[%dma_wait3A_1118, %dma_wait3A_1120, %dma_wait3A_1121] : memref<8x50x32xf32, #tpu.memory_space<vmem>> -> memref<1x50x32xf32, #tpu.memory_space<vmem>>
    %dma_wait3A_1123 = tpu.memref_squeeze %dma_wait3A_1122 : memref<1x50x32xf32, #tpu.memory_space<vmem>> -> memref<50x32xf32, #tpu.memory_space<vmem>>
    %dma_wait3A_1124 = arith.constant 0 : i32
    %dma_wait3A_1125 = arith.constant 0 : i32
    %dma_wait3A_1126 = tpu.memref_slice %arg4[%multiple_of3A, %dma_wait3A_1124, %dma_wait3A_1125] : memref<4096x50x32xf32, #tpu.memory_space<hbm>> -> memref<1x50x32xf32, #tpu.memory_space<hbm>>
    %dma_wait3A_1127 = tpu.memref_squeeze %dma_wait3A_1126 : memref<1x50x32xf32, #tpu.memory_space<hbm>> -> memref<50x32xf32, #tpu.memory_space<hbm>>
    %dma_wait3A_1128 = tpu.memref_slice %arg8[%dma_wait3A_1119] : memref<8x!tpu.dma_semaphore, #tpu.memory_space<semaphore_mem>> -> memref<1x!tpu.dma_semaphore, #tpu.memory_space<semaphore_mem>>
    %dma_wait3A_1129 = tpu.memref_squeeze %dma_wait3A_1128 : memref<1x!tpu.dma_semaphore, #tpu.memory_space<semaphore_mem>> -> memref<!tpu.dma_semaphore, #tpu.memory_space<semaphore_mem>>
    %dma_wait3A_1130 = arith.constant 0 : i32
    %dma_wait3A_1131 = arith.constant 0 : i32
    %dma_wait3A_1132 = tpu.memref_slice %arg4[%multiple_of3A, %dma_wait3A_1130, %dma_wait3A_1131] : memref<4096x50x32xf32, #tpu.memory_space<hbm>> -> memref<1x50x32xf32, #tpu.memory_space<hbm>>
    %dma_wait3A_1133 = tpu.memref_squeeze %dma_wait3A_1132 : memref<1x50x32xf32, #tpu.memory_space<hbm>> -> memref<50x32xf32, #tpu.memory_space<hbm>>
    %dma_wait3A_1134 = arith.constant 0 : i32
    %dma_wait3A_1135 = arith.constant 0 : i32
    %dma_wait3A_1136 = tpu.memref_slice %arg6[%dma_wait3A_1118, %dma_wait3A_1134, %dma_wait3A_1135] : memref<8x50x32xf32, #tpu.memory_space<vmem>> -> memref<1x50x32xf32, #tpu.memory_space<vmem>>
    %dma_wait3A_1137 = tpu.memref_squeeze %dma_wait3A_1136 : memref<1x50x32xf32, #tpu.memory_space<vmem>> -> memref<50x32xf32, #tpu.memory_space<vmem>>
    tpu.wait_dma2 semaphore(%dma_wait3A_1129 : memref<!tpu.dma_semaphore, #tpu.memory_space<semaphore_mem>>) src(%dma_wait3A_1137 : memref<50x32xf32, #tpu.memory_space<vmem>>) dst(%dma_wait3A_1133 : memref<50x32xf32, #tpu.memory_space<hbm>>)
    %dma_wait3A_1138 = arith.constant 7 : i32
    %dma_wait3A_1139 = arith.constant 7 : i32
    %dma_wait3A_1140 = arith.constant 0 : i32
    %dma_wait3A_1141 = arith.constant 0 : i32
    %dma_wait3A_1142 = tpu.memref_slice %arg6[%dma_wait3A_1138, %dma_wait3A_1140, %dma_wait3A_1141] : memref<8x50x32xf32, #tpu.memory_space<vmem>> -> memref<1x50x32xf32, #tpu.memory_space<vmem>>
    %dma_wait3A_1143 = tpu.memref_squeeze %dma_wait3A_1142 : memref<1x50x32xf32, #tpu.memory_space<vmem>> -> memref<50x32xf32, #tpu.memory_space<vmem>>
    %dma_wait3A_1144 = arith.constant 0 : i32
    %dma_wait3A_1145 = arith.constant 0 : i32
    %dma_wait3A_1146 = tpu.memref_slice %arg4[%multiple_of3A, %dma_wait3A_1144, %dma_wait3A_1145] : memref<4096x50x32xf32, #tpu.memory_space<hbm>> -> memref<1x50x32xf32, #tpu.memory_space<hbm>>
    %dma_wait3A_1147 = tpu.memref_squeeze %dma_wait3A_1146 : memref<1x50x32xf32, #tpu.memory_space<hbm>> -> memref<50x32xf32, #tpu.memory_space<hbm>>
    %dma_wait3A_1148 = tpu.memref_slice %arg8[%dma_wait3A_1139] : memref<8x!tpu.dma_semaphore, #tpu.memory_space<semaphore_mem>> -> memref<1x!tpu.dma_semaphore, #tpu.memory_space<semaphore_mem>>
    %dma_wait3A_1149 = tpu.memref_squeeze %dma_wait3A_1148 : memref<1x!tpu.dma_semaphore, #tpu.memory_space<semaphore_mem>> -> memref<!tpu.dma_semaphore, #tpu.memory_space<semaphore_mem>>
    %dma_wait3A_1150 = arith.constant 0 : i32
    %dma_wait3A_1151 = arith.constant 0 : i32
    %dma_wait3A_1152 = tpu.memref_slice %arg4[%multiple_of3A, %dma_wait3A_1150, %dma_wait3A_1151] : memref<4096x50x32xf32, #tpu.memory_space<hbm>> -> memref<1x50x32xf32, #tpu.memory_space<hbm>>
    %dma_wait3A_1153 = tpu.memref_squeeze %dma_wait3A_1152 : memref<1x50x32xf32, #tpu.memory_space<hbm>> -> memref<50x32xf32, #tpu.memory_space<hbm>>
    %dma_wait3A_1154 = arith.constant 0 : i32
    %dma_wait3A_1155 = arith.constant 0 : i32
    %dma_wait3A_1156 = tpu.memref_slice %arg6[%dma_wait3A_1138, %dma_wait3A_1154, %dma_wait3A_1155] : memref<8x50x32xf32, #tpu.memory_space<vmem>> -> memref<1x50x32xf32, #tpu.memory_space<vmem>>
    %dma_wait3A_1157 = tpu.memref_squeeze %dma_wait3A_1156 : memref<1x50x32xf32, #tpu.memory_space<vmem>> -> memref<50x32xf32, #tpu.memory_space<vmem>>
    tpu.wait_dma2 semaphore(%dma_wait3A_1149 : memref<!tpu.dma_semaphore, #tpu.memory_space<semaphore_mem>>) src(%dma_wait3A_1157 : memref<50x32xf32, #tpu.memory_space<vmem>>) dst(%dma_wait3A_1153 : memref<50x32xf32, #tpu.memory_space<hbm>>)
    return
  }
}

</mosaic_0001>

<sc_bundles>
// kernel: kernel.3.cloned.1.call-start
scs
__scs_entry_jumppad:
0x0: {  	(pc) =	sbr.rel $0x88, $3  }
0x1: {  	(tag) =	ssettag $0x0;
	lr =	simm.s32 $0x1  }
0x2: {  	[smem:$0x3F9F] =	sst lr;
	_ =	strace $0xD0000000  }
0x3: {  	_ = 	snop  }
0x4: {  	_ = 	snop  }
0x5: {  	_ = 	snop  }
0x6: {  	_ = 	snop  }
0x7: {  	_ = 	snop  }
__scs_overlays_trampoline_lowered:
0x8: {  	[smem:$0x3FAE] =	sst s0  }
0x9: {  	[smem:$0x3FAF] =	sst s1  }
0xa: {  	[smem:$0x3FB0] =	sst s2  }
0xb: {  	[smem:$0x3FB1] =	sst s3  }
0xc: {  	[smem:$0x3FB2] =	sst s4  }
0xd: {  	[smem:$0x3FB3] =	sst s5  }
0xe: {  	[smem:$0x3FB4] =	sst s6  }
0xf: {  	[smem:$0x3FB5] =	sst s7  }
0x10: {  	[smem:$0x3FB6] =	sst s8  }
0x11: {  	[smem:$0x3FB7] =	sst s9;
	s0 =	simm.s32 @!p0 $0x0  }
0x12: {  	s1 =	sld [smem:$0x3F9D];
	s0 =	simm.s32 @p0 $0x1  }
0x13: {  	[smem:$0x3FB8] =	sst s0;
	s0 =	simm.s32 @!p1 $0x0  }
0x14: {  	s2 =	sld [smem:$0x3F9C];
	s0 =	simm.s32 @p1 $0x1  }
0x15: {  	[smem:$0x3FB9] =	sst s0;
	s0 =	simm.s32 @!p2 $0x0  }
0x16: {  	s3 =	sld [smem:$0x3FDB];
	s0 =	simm.s32 @p2 $0x1  }
0x17: {  	s4 =	simm.s32 $0x1BF5;
	[smem:$0x3FBB] =	sst s0  }
0x18: {  	s0 =	sld [smem:$0x3F9E];
	_ =	swait.ge [sflag:s4], $0x0  }
0x19: {  	s7 =	sld [smem:$0x3F9F]  }
0x1a: {  	s8 =	sadd.s32 $0xFFFFE003, lr  }
0x1b: {  	s9 =	sadd.s32 $0xFFFFFEF7, lr;
	s5 =	simm.s32 $0xFFFFFFFF;
	p2 =	slt.u32 s8, $0xFFFFF086  }
0x1c: {  	p1 =	slt.u32 s9, $0xF7A;
	s5 =	simm.s32 @!p2 $0x0  }
0x1d: {  	s5 =	simm.s32 @p1 $0x1;
	p0 =	seq.s32 s7, s2  }
0x1e: {  	s7 =	smul.u32 @!p0 $0xF7A, s2;
	p2 =	seq.s32 @!p0 s5, $0x0  }
0x1f: {  	s9 =	smul.u32 $0xF7A, s1;
	s8 =	simm.s32 @!p0 $0x1BF5;
	p2 =	por !p2, p0  }
0x20: {  	[sflag:s8] =	ssyncset.s32 @!p0 $0xFFFFF086;
	s6 =	sadd.s32 @!p0 s3, s7;
	s7 =	simm.s32 @!p0 $0x108  }
0x21: {  	s3 =	sadd.s32 s3, s9;
	s6 =	sadd.s32 @!p0 $0x88, s6;
	s7 =	simm.s32 @p2 $0x1082  }
0x22: {  	[simem:s7], [sflag:s8] =	dma.local @!p0 [hbm:s6], $0xF7A  }
0x23: {  	s9 =	sor.u32 $0xD0000000, s2;
	s6 =	simm.s32 $0x108;
	_ =	swait.ge @!p0 [sflag:s8], $0x0  }
0x24: {  	s3 =	sadd.s32 $0x88, s3;
	s6 =	simm.s32 @!p1 $0x1082;
	[sflag:s4] =	ssyncset.s32 $0xFFFFF086  }
0x25: {  	[simem:s6], [sflag:s4] =	dma.local [hbm:s3], $0xF7A  }
0x26: {  	[smem:$0x3F9F] =	sst s1;
	(tag) =	ssettag s2;
	_ =	strace s9  }
0x27: {  	s1 =	sld [smem:$0x3FAF]  }
0x28: {  	s2 =	sld [smem:$0x3FB0]  }
0x29: {  	s4 =	sld [smem:$0x3FB2]  }
0x2a: {  	p0 =	seq.s32 s5, $0x0;
	s5 =	sld [smem:$0x3FB3]  }
0x2b: {  	s6 =	sld [smem:$0x3FB4]  }
0x2c: {  	s7 =	sld [smem:$0x3FB5]  }
0x2d: {  	s3 =	simm.s32 $0x108;
	s8 =	sld [smem:$0x3FB6]  }
0x2e: {  	s3 =	simm.s32 @!p0 $0x1082;
	s9 =	sld [smem:$0x3FB7]  }
0x2f: {  	lr =	sadd.s32 s0, s3;
	s0 =	sld [smem:$0x3FAE]  }
0x30: {  	s3 =	sld [smem:$0x3FB1]  }
0x31: {  	[smem:$0x3FBA] =	sst s10  }
0x32: {  	s10 =	sld [smem:$0x3FB8];
	_ =	sdelay $0x3  }
0x33: {  	p0 =	seq.s32 s10, $0x1;
	s10 =	sld [smem:$0x3FBA];
	_ =	sdelay $0x3  }
0x34: {  	[smem:$0x3FBA] =	sst s10  }
0x35: {  	s10 =	sld [smem:$0x3FB9];
	_ =	sdelay $0x3  }
0x36: {  	p1 =	seq.s32 s10, $0x1;
	s10 =	sld [smem:$0x3FBA];
	_ =	sdelay $0x3  }
0x37: {  	[smem:$0x3FBA] =	sst s10  }
0x38: {  	s10 =	sld [smem:$0x3FBB]  }
0x39: {  	_ = 	snop;
	(pc) =	sbr.ind lr, $3  }
0x3a: {  	_ = 	snop  }
0x3b: {  	_ = 	snop  }
0x3c: {  	p2 =	seq.s32 s10, $0x1;
	s10 =	sld [smem:$0x3FBA]  }
0x3d: {  	_ =	shalt  }
0x3e: {  	_ =	shalt  }
0x3f: {  	_ =	shalt  }
0x40: {  	_ =	shalt  }
0x41: {  	_ =	shalt  }
0x42: {  	_ =	shalt  }
0x43: {  	_ =	shalt  }
0x44: {  	_ =	shalt  }
0x45: {  	_ =	shalt  }
0x46: {  	_ =	shalt  }
0x47: {  	_ =	shalt  }
0x48: {  	_ =	shalt  }
0x49: {  	_ =	shalt  }
0x4a: {  	_ =	shalt  }
0x4b: {  	_ =	shalt  }
0x4c: {  	_ =	shalt  }
0x4d: {  	_ =	shalt  }
0x4e: {  	_ =	shalt  }
0x4f: {  	_ =	shalt  }
0x50: {  	_ =	shalt  }
0x51: {  	_ =	shalt  }
0x52: {  	_ =	shalt  }
0x53: {  	_ =	shalt  }
0x54: {  	_ =	shalt  }
0x55: {  	_ =	shalt  }
0x56: {  	_ =	shalt  }
0x57: {  	_ =	shalt  }
0x58: {  	_ =	shalt  }
0x59: {  	_ =	shalt  }
0x5a: {  	_ =	shalt  }
0x5b: {  	_ =	shalt  }
0x5c: {  	_ =	shalt  }
0x5d: {  	_ =	shalt  }
0x5e: {  	_ =	shalt  }
0x5f: {  	_ =	shalt  }
0x60: {  	_ =	shalt  }
0x61: {  	_ =	shalt  }
0x62: {  	_ =	shalt  }
0x63: {  	_ =	shalt  }
0x64: {  	_ =	shalt  }
0x65: {  	_ =	shalt  }
0x66: {  	_ =	shalt  }
0x67: {  	_ =	shalt  }
0x68: {  	_ =	shalt  }
0x69: {  	_ =	shalt  }
0x6a: {  	_ =	shalt  }
0x6b: {  	_ =	shalt  }
0x6c: {  	_ =	shalt  }
0x6d: {  	_ =	shalt  }
0x6e: {  	_ =	shalt  }
0x6f: {  	_ =	shalt  }
0x70: {  	_ =	shalt  }
0x71: {  	_ =	shalt  }
0x72: {  	_ =	shalt  }
0x73: {  	_ =	shalt  }
0x74: {  	_ =	shalt  }
0x75: {  	_ =	shalt  }
0x76: {  	_ =	shalt  }
0x77: {  	_ =	shalt  }
0x78: {  	_ =	shalt  }
0x79: {  	_ =	shalt  }
0x7a: {  	_ =	shalt  }
0x7b: {  	_ =	shalt  }
0x7c: {  	_ =	shalt  }
0x7d: {  	_ =	shalt  }
0x7e: {  	_ =	shalt  }
0x7f: {  	_ =	shalt  }
0x80: {  	_ =	shalt  }
0x81: {  	_ =	shalt  }
0x82: {  	_ =	shalt  }
0x83: {  	_ =	shalt  }
0x84: {  	_ =	shalt  }
0x85: {  	_ =	shalt  }
0x86: {  	_ =	shalt  }
0x87: {  	_ =	shalt  }
.Lfunc_end0:
.L_simem_size_0:
called_computation_lowered:
.L_overlay_start_0:
0x88: {  	s2 =	sld [smem:$0x3FD9]  }
0x89: {  	s3 =	sld [smem:$0x3FFE];
	_ =	sdelay $0x1  }
0x8a: {  	s1 =	srdreg.scid  }
0x8b: {  	s0 =	sand.u32 $0x1, s1  }
0x8c: {  	s17 =	sshll.u32 s0, $0xA;
	s2 =	sadd.s32 s3, s2  }
0x8d: {  	s2 =	sadd.s32 s2, s17  }
0x8e: {  	[smem:$0x3FC6] =	sst s2  }
0x8f: {  	_ = 	snop  }
0x90: {  	s2 =	sld [smem:$0x3FD0];
	(tm) =	ssettm $0x1  }
0x91: {  	s18 =	sld [smem:$0x3FFB];
	_ =	sdelay $0x3  }
0x92: {  	_ =	strace s18  }
0x93: {  	s3 =	sld [smem:$0x3FFC];
	_ =	sdelay $0x3  }
0x94: {  	_ =	strace s3  }
0x95: {  	s3 =	sld [smem:$0x3FFD];
	_ =	sdelay $0x3  }
0x96: {  	_ =	strace s3  }
0x97: {  	_ =	strace $0x8FFFFFFF  }
0x98: {  	s19 =	sld [smem:$0x3FDB];
	_ =	sdelay $0x1  }
0x99: {  	s4 =	simm.s32 $_scs_section_size  }
0x9a: {  	s5 =	simm.s32 $_size__tile_overlayer_lowered;
	s6 =	simm.s32 $_tile_overlayer_lowered  }
0x9b: {  	s22 =	simm.s32 $0x1BFF;
	s21 =	sshll.u32 s6, $0x1;
	s3 =	sadd.s32 s4, s19  }
0x9c: {  	s7 =	simm.s32 $0x0;
	s20 =	sshll.u32 s5, $0x1;
	s5 =	sadd.s32 s21, s3  }
0x9d: {  	[timem:s7], [sflag:s22] =	dma.local [hbm:s5], s20  }
0x9e: {  	_ =	swait.ge [sflag:s22], s20  }
0x9f: {  	s4 =	ssub.s32 $0x0, s20;
	[sflag:s22] =	ssyncset.done $0x0  }
0xa0: {  	[sflag:s22] =	ssyncadd.s32 s4;
	_ =	sdelay $0x1  }
0xa1: {  	s23 =	simm.s32 $0x1B8B  }
0xa2: {  	_ =	swait.ge [sflag:s23], $0x1  }
0xa3: {  	[sflag:s23] =	ssyncset.done $0x0  }
0xa4: {  	s25 =	simm.s32 $0x1B8E;
	s24 =	sld [smem:$0x3FFE];
	[sflag:s23] =	ssyncadd.s32 $0xFFFFFFFF  }
0xa5: {  	s26 =	simm.s32 $execute0_lowered;
	[smem:$0x3FD2] =	sst s25  }
0xa6: {  	s5 =	sshll.u32 s26, $0x1;
	_ =	strace $0x80000046;
	[dreg:$0x1] =	wrdreg $0xFFFFFFFF  }
0xa7: {  	s28 =	simm.s32 $_size_execute0_lowered;
	s3 =	sadd.s32 s3, s5;
	[dreg:$0x0] =	wrdreg $0x0  }
0xa8: {  	s5 =	sshll.u32 s28, $0x1;
	[dreg:$0x2] =	wrdreg s3  }
0xa9: {  	[dreg:$0x3] =	wrdreg s5  }
0xaa: {  	[dreg:$0x4] =	wrdreg $0xC0  }
0xab: {  	_ =	task [dreg:s7], $0x5FFFF  }
0xac: {  	[dreg:$0x1] =	wrdreg $0xFFFFFFFF  }
0xad: {  	[dreg:$0x0] =	wrdreg $0x60  }
0xae: {  	[dreg:$0x2] =	wrdreg s24  }
0xaf: {  	[dreg:$0x3] =	wrdreg s2  }
0xb0: {  	[dreg:$0x4] =	wrdreg $0x9  }
0xb1: {  	_ =	task.clear_ibuf [dreg:s7], $0x5FFFF;
	_ =	strace $0x90000046  }
0xb2: {  	s29 =	simm.s32 $0x9;
	_ =	strace $0x80000048  }
0xb3: {  	_ =	swait.ge [sflag:s29], $0x1  }
0xb4: {  	[sflag:s29] =	ssyncadd.s32 $0xFFFFFFFF  }
0xb5: {  	_ =	strace $0x90000048  }
0xb6: {  	_ =	sfence  }
0xb7: {  	s30 =	sld [smem:$0x0];
	_ =	sdelay $0x2  }
0xb8: {  	s31 =	sshll.u32 s1, $0xD;
	s1 =	sshrl.u32 s1, $0x2  }
0xb9: {  	s3 =	sand.u32 $0x4000, s31;
	s1 =	sadd.s32 s1, s30  }
0xba: {  	s0 =	sor.u32 s3, s0;
	s1 =	sshll.u32 s1, $0x11  }
0xbb: {  	s0 =	sor.u32 s1, s0  }
0xbc: {  	s0 =	sadd.s32 $0x8F2B, s0  }
0xbd: {  	[sflag:s0] =	ssyncadd.remote.s32 $0x1  }
0xbe: {  	_ =	sfence.sel $0xFFFF  }
0xbf: {  	[dreg:$0x0] =	wrdreg $0xFFFFFFFF;
	(pc) =	sbr.abs _section_cstart, $3  }
0xc0: {  	[dreg:$0x1] =	wrdreg $0xFFFFFFFF  }
0xc1: {  	_ =	task.clear_ibuf [dreg:s7], $0x2FFFF;
	_ =	strace $0x9FFFFFFF  }
0xc2: {  	(tm) =	ssettm $0x7FFFFFFF  }
0xc3: {  	_ =	shalt  }
tec
execute0_lowered:
.L_overlay_start_1:
0x0: {  	(tag) =	ssettag $0x1  }
0x1: {  	s0 =	srdreg.scid;
	s1 =	rddreg [dreg:$0x0]  }
0x2: {  	s10 =	stileid.u32;
	s4 =	rddreg [dreg:$0x1];
	s2 =	simm.s32 $0x0  }
0x3: {  	s28 =	simm.s32 $0x2240;
	s30 =	simm.s32 $0x2880;
	s31 =	simm.s32 $0x3B40  }
0x4: {  	s29 =	simm.s32 $0x4180;
	s0 =	sand.u32 $0x1, s0;
	s3 =	sshll.u32 s10, $0x8  }
0x5: {  	[smem:$0x7FF] =	sst s2;
	s19 =	smul.u32 $0xC800, s10;
	s5 =	sshll.u32 s0, $0x7  }
0x6: {  	s7 =	ssub.s32 $0x2, s0;
	s0 =	smul.u32 $0x6400, s0;
	s5 =	sor.u32 s5, s3  }
0x7: {  	s10 =	simm.s32 $0x6;
	s9 =	sshrl.u32 s7, $0x1;
	s6 =	smul.u32 $0x7, s5  }
0x8: {  	_ =	strace $0x80000047;
	s8 =	smul.u32 $0xC8, s5;
	s26 =	ssub.s32 s7, s9  }
0x9: {  	s3 =	sadd.s32 $0xF42A00, s1;
	s5 =	smul.u32 $0x640, s5;
	s26 =	smax.u32 s26, $0x1  }
0xa: {  	s1 =	sadd.s32 s6, s1;
	s8 =	sadd.s32 s4, s8;
	[dreg:$0x14] =	wrdreg s26  }
0xb: {  	s7 =	simm.s32 $0x3;
	s1 =	sadd.s32 $0x600, s1;
	[dreg:$0x3] =	wrdreg s8  }
0xc: {  	s11 =	sshrl.u32 s5, $0x3;
	s9 =	sadd.s32 $0xC8, s8;
	[dreg:$0x4] =	wrdreg s1  }
0xd: {  	s26 =	simm.s32 $0x3500;
	s12 =	sadd.s32 $0x190, s8;
	[dreg:$0x5] =	wrdreg s9  }
0xe: {  	s5 =	simm.s32 $0x1;
	s13 =	sadd.s32 $0x258, s8;
	[dreg:$0x6] =	wrdreg s12  }
0xf: {  	s6 =	simm.s32 $0x2;
	s14 =	sadd.s32 $0x320, s8;
	[dreg:$0x7] =	wrdreg s13  }
0x10: {  	s15 =	sadd.s32 $0x3E8, s8;
	s1 =	sadd.s32 s4, s11;
	[dreg:$0x8] =	wrdreg s14  }
0x11: {  	s8 =	simm.s32 $0x4;
	[dreg:$0x9] =	wrdreg s15;
	s16 =	sadd.s32 $0x4B0, s1  }
0x12: {  	s4 =	sadd.s32 s19, s4;
	s17 =	sadd.s32 $0x578, s1;
	[dreg:$0xa] =	wrdreg s16  }
0x13: {  	s9 =	simm.s32 $0x5;
	s18 =	sadd.s32 $0x5DC0, s1;
	[dreg:$0xb] =	wrdreg s17  }
0x14: {  	s11 =	simm.s32 $0x7;
	s20 =	sadd.s32 $0x5E88, s1;
	[dreg:$0xc] =	wrdreg s18  }
0x15: {  	s12 =	simm.s32 $0x8;
	s21 =	sadd.s32 $0x5F50, s1;
	[dreg:$0xd] =	wrdreg s20  }
0x16: {  	s13 =	simm.s32 $0x9;
	s22 =	sadd.s32 $0x6018, s1;
	[dreg:$0xe] =	wrdreg s21  }
0x17: {  	s14 =	simm.s32 $0xA;
	s23 =	sadd.s32 $0x60E0, s1;
	[dreg:$0xf] =	wrdreg s22  }
0x18: {  	s15 =	simm.s32 $0xB;
	s24 =	sadd.s32 $0x61A8, s1;
	[dreg:$0x10] =	wrdreg s23  }
0x19: {  	s19 =	simm.s32 $0xF;
	s25 =	sadd.s32 $0x6270, s1;
	[dreg:$0x11] =	wrdreg s24  }
0x1a: {  	s0 =	sadd.s32 s0, s4;
	s1 =	sadd.s32 $0x6338, s1;
	[dreg:$0x12] =	wrdreg s25  }
0x1b: {  	[dreg:$0x13] =	wrdreg s1;
	s0 =	sadd.s32 $0x640, s0;
	s24 =	simm.s32 $0x32  }
0x1c: {  	s25 =	simm.s32 $0x1C00;
	s1 =	simm.s32 $0x2EC0;
	s16 =	simm.s32 $0xC  }
0x1d: {  	s17 =	simm.s32 $0xD;
	s18 =	simm.s32 $0xE;
	s20 =	simm.s32 $0x10  }
0x1e: {  	s21 =	simm.s32 $0x0;
	[dreg:$0x15] =	wrdreg s0;
	s0 =	simm.s32 $0x47C0  }
.LBB2_1:
0x1f: {  	[dreg:$0x16] =	wrdreg s21  }
0x20: {  	s4 =	rddreg [dreg:$0x4];
	s21 =	simm.s32 $0x11  }
0x21: {  	[tilespmem:s2], [sflag:$0x11] =	stream.linear.gather [hbm4b:s4+s2], $0x1C00, $0x38;
	[tilespmem:$0x4E00] =	vst v63  }
0x22: {  	_ =	swait.ge [sflag:s21], $0x1C00  }
0x23: {  	[sflag:s21] =	ssyncset.done $0x0  }
0x24: {  	[sflag:s21] =	ssyncadd.s32 $0xFFFFE400  }
0x25: {  	[tilespmem:s25], [sflag:$0x1] =	stream.indirect.gather [hbm4b:s3+s24], $0x20, s2, s24, $0xb8;
	[tilespmem:$0x4E00] =	vst v63  }
0x26: {  	s22 =	simm.s32 $0x38  }
0x27: {  	[tilespmem:s28], [sflag:$0x2] =	stream.indirect.gather [hbm4b:s3+s24], $0x20, s22, s24, $0xb8;
	[tilespmem:$0x4E00] =	vst v63  }
0x28: {  	s23 =	simm.s32 $0x70  }
0x29: {  	[tilespmem:s30], [sflag:$0x3] =	stream.indirect.gather [hbm4b:s3+s24], $0x20, s23, s24, $0xb8;
	[tilespmem:$0x4E00] =	vst v63  }
0x2a: {  	s21 =	simm.s32 $0xA8  }
0x2b: {  	[tilespmem:s1], [sflag:$0x4] =	stream.indirect.gather [hbm4b:s3+s24], $0x20, s21, s24, $0xb8;
	[tilespmem:$0x4E00] =	vst v63  }
0x2c: {  	s22 =	simm.s32 $0xE0  }
0x2d: {  	[tilespmem:s26], [sflag:$0x5] =	stream.indirect.gather [hbm4b:s3+s24], $0x20, s22, s24, $0xb8;
	[tilespmem:$0x4E00] =	vst v63  }
0x2e: {  	s23 =	simm.s32 $0x118  }
0x2f: {  	[tilespmem:s31], [sflag:$0x6] =	stream.indirect.gather [hbm4b:s3+s24], $0x20, s23, s24, $0xb8;
	[tilespmem:$0x4E00] =	vst v63  }
0x30: {  	s21 =	simm.s32 $0x150  }
0x31: {  	[tilespmem:s29], [sflag:$0x7] =	stream.indirect.gather [hbm4b:s3+s24], $0x20, s21, s24, $0xb8;
	[tilespmem:$0x4E00] =	vst v63  }
0x32: {  	s22 =	simm.s32 $0x188  }
0x33: {  	[tilespmem:s0], [sflag:$0x8] =	stream.indirect.gather [hbm4b:s3+s24], $0x20, s22, s24, $0xb8;
	[tilespmem:$0x4E00] =	vst v63  }
0x34: {  	_ =	swait.ge [sflag:s5], $0x640  }
0x35: {  	[sflag:s5] =	ssyncset.done $0x0  }
0x36: {  	s23 =	rddreg [dreg:$0x3];
	[sflag:s5] =	ssyncadd.s32 $0xFFFFF9C0  }
0x37: {  	[hbm4b:s23+s2] =	stream.linear.scatter [tilespmem:s25], [sflag:$0x9], $0x640, $0x38;
	[tilespmem:$0x4E00] =	vst v63  }
0x38: {  	s21 =	simm.s32 $0x1C0  }
0x39: {  	[tilespmem:s25], [sflag:$0x1] =	stream.indirect.gather [hbm4b:s3+s24], $0x20, s21, s24, $0xb8;
	[tilespmem:$0x4E00] =	vst v63  }
0x3a: {  	_ =	swait.ge [sflag:s6], $0x640  }
0x3b: {  	[sflag:s6] =	ssyncset.done $0x0  }
0x3c: {  	s22 =	rddreg [dreg:$0x5];
	[sflag:s6] =	ssyncadd.s32 $0xFFFFF9C0  }
0x3d: {  	[hbm4b:s22+s2] =	stream.linear.scatter [tilespmem:s28], [sflag:$0xA], $0x640, $0x38;
	[tilespmem:$0x4E00] =	vst v63  }
0x3e: {  	s23 =	simm.s32 $0x1F8  }
0x3f: {  	[tilespmem:s28], [sflag:$0x2] =	stream.indirect.gather [hbm4b:s3+s24], $0x20, s23, s24, $0xb8;
	[tilespmem:$0x4E00] =	vst v63  }
0x40: {  	_ =	swait.ge [sflag:s7], $0x640  }
0x41: {  	[sflag:s7] =	ssyncset.done $0x0  }
0x42: {  	s21 =	rddreg [dreg:$0x6];
	[sflag:s7] =	ssyncadd.s32 $0xFFFFF9C0  }
0x43: {  	[hbm4b:s21+s2] =	stream.linear.scatter [tilespmem:s30], [sflag:$0xB], $0x640, $0x38;
	[tilespmem:$0x4E00] =	vst v63  }
0x44: {  	s22 =	simm.s32 $0x230  }
0x45: {  	[tilespmem:s30], [sflag:$0x3] =	stream.indirect.gather [hbm4b:s3+s24], $0x20, s22, s24, $0xb8;
	[tilespmem:$0x4E00] =	vst v63  }
0x46: {  	_ =	swait.ge [sflag:s8], $0x640  }
0x47: {  	[sflag:s8] =	ssyncset.done $0x0  }
0x48: {  	s23 =	rddreg [dreg:$0x7];
	[sflag:s8] =	ssyncadd.s32 $0xFFFFF9C0  }
0x49: {  	[hbm4b:s23+s2] =	stream.linear.scatter [tilespmem:s1], [sflag:$0xC], $0x640, $0x38;
	[tilespmem:$0x4E00] =	vst v63  }
0x4a: {  	s21 =	simm.s32 $0x268  }
0x4b: {  	[tilespmem:s1], [sflag:$0x4] =	stream.indirect.gather [hbm4b:s3+s24], $0x20, s21, s24, $0xb8;
	[tilespmem:$0x4E00] =	vst v63  }
0x4c: {  	_ =	swait.ge [sflag:s9], $0x640  }
0x4d: {  	[sflag:s9] =	ssyncset.done $0x0  }
0x4e: {  	s22 =	rddreg [dreg:$0x8];
	[sflag:s9] =	ssyncadd.s32 $0xFFFFF9C0  }
0x4f: {  	[hbm4b:s22+s2] =	stream.linear.scatter [tilespmem:s26], [sflag:$0xD], $0x640, $0x38;
	[tilespmem:$0x4E00] =	vst v63  }
0x50: {  	s23 =	simm.s32 $0x2A0  }
0x51: {  	[tilespmem:s26], [sflag:$0x5] =	stream.indirect.gather [hbm4b:s3+s24], $0x20, s23, s24, $0xb8;
	[tilespmem:$0x4E00] =	vst v63  }
0x52: {  	_ =	swait.ge [sflag:s10], $0x640  }
0x53: {  	[sflag:s10] =	ssyncset.done $0x0  }
0x54: {  	s21 =	rddreg [dreg:$0x9];
	[sflag:s10] =	ssyncadd.s32 $0xFFFFF9C0  }
0x55: {  	[hbm4b:s21+s2] =	stream.linear.scatter [tilespmem:s31], [sflag:$0xE], $0x640, $0x38;
	[tilespmem:$0x4E00] =	vst v63  }
0x56: {  	s22 =	simm.s32 $0x2D8  }
0x57: {  	[tilespmem:s31], [sflag:$0x6] =	stream.indirect.gather [hbm4b:s3+s24], $0x20, s22, s24, $0xb8;
	[tilespmem:$0x4E00] =	vst v63  }
0x58: {  	_ =	swait.ge [sflag:s11], $0x640  }
0x59: {  	[sflag:s11] =	ssyncset.done $0x0  }
0x5a: {  	s23 =	rddreg [dreg:$0xa];
	[sflag:s11] =	ssyncadd.s32 $0xFFFFF9C0  }
0x5b: {  	[hbm4b:s23+s2] =	stream.linear.scatter [tilespmem:s29], [sflag:$0xF], $0x640, $0x38;
	[tilespmem:$0x4E00] =	vst v63  }
0x5c: {  	s21 =	simm.s32 $0x310  }
0x5d: {  	[tilespmem:s29], [sflag:$0x7] =	stream.indirect.gather [hbm4b:s3+s24], $0x20, s21, s24, $0xb8;
	[tilespmem:$0x4E00] =	vst v63  }
0x5e: {  	_ =	swait.ge [sflag:s12], $0x640  }
0x5f: {  	[sflag:s12] =	ssyncset.done $0x0  }
0x60: {  	s22 =	rddreg [dreg:$0xb];
	[sflag:s12] =	ssyncadd.s32 $0xFFFFF9C0  }
0x61: {  	[hbm4b:s22+s2] =	stream.linear.scatter [tilespmem:s0], [sflag:$0x10], $0x640, $0x38;
	[tilespmem:$0x4E00] =	vst v63  }
0x62: {  	s23 =	simm.s32 $0x348  }
0x63: {  	[tilespmem:s0], [sflag:$0x8] =	stream.indirect.gather [hbm4b:s3+s24], $0x20, s23, s24, $0xb8;
	[tilespmem:$0x4E00] =	vst v63  }
0x64: {  	_ =	swait.ge [sflag:s5], $0x640  }
0x65: {  	[sflag:s5] =	ssyncset.done $0x0  }
0x66: {  	[sflag:s5] =	ssyncadd.s32 $0xFFFFF9C0  }
0x67: {  	_ =	swait.ge [sflag:s13], $0x640  }
0x68: {  	[sflag:s13] =	ssyncset.done $0x0  }
0x69: {  	s22 =	rddreg [dreg:$0x15];
	[sflag:s13] =	ssyncadd.s32 $0xFFFFF9C0  }
0x6a: {  	[hbm4b:s22+s2] =	stream.linear.scatter [tilespmem:s25], [sflag:$0x9], $0x640, $0x38;
	[tilespmem:$0x4E00] =	vst v63  }
0x6b: {  	s21 =	simm.s32 $0x380  }
0x6c: {  	[tilespmem:s25], [sflag:$0x1] =	stream.indirect.gather [hbm4b:s3+s24], $0x20, s21, s24, $0xb8;
	[tilespmem:$0x4E00] =	vst v63  }
0x6d: {  	_ =	swait.ge [sflag:s6], $0x640  }
0x6e: {  	[sflag:s6] =	ssyncset.done $0x0  }
0x6f: {  	[sflag:s6] =	ssyncadd.s32 $0xFFFFF9C0  }
0x70: {  	_ =	swait.ge [sflag:s14], $0x640  }
0x71: {  	[sflag:s14] =	ssyncset.done $0x0  }
0x72: {  	s23 =	sadd.s32 $0xC8, s22;
	[sflag:s14] =	ssyncadd.s32 $0xFFFFF9C0  }
0x73: {  	[hbm4b:s23+s2] =	stream.linear.scatter [tilespmem:s28], [sflag:$0xA], $0x640, $0x38;
	[tilespmem:$0x4E00] =	vst v63  }
0x74: {  	s21 =	simm.s32 $0x3B8  }
0x75: {  	[tilespmem:s28], [sflag:$0x2] =	stream.indirect.gather [hbm4b:s3+s24], $0x20, s21, s24, $0xb8;
	[tilespmem:$0x4E00] =	vst v63  }
0x76: {  	_ =	swait.ge [sflag:s7], $0x640  }
0x77: {  	[sflag:s7] =	ssyncset.done $0x0  }
0x78: {  	[sflag:s7] =	ssyncadd.s32 $0xFFFFF9C0  }
0x79: {  	_ =	swait.ge [sflag:s15], $0x640  }
0x7a: {  	[sflag:s15] =	ssyncset.done $0x0  }
0x7b: {  	s23 =	sadd.s32 $0x190, s22;
	[sflag:s15] =	ssyncadd.s32 $0xFFFFF9C0  }
0x7c: {  	[hbm4b:s23+s2] =	stream.linear.scatter [tilespmem:s30], [sflag:$0xB], $0x640, $0x38;
	[tilespmem:$0x4E00] =	vst v63  }
0x7d: {  	s21 =	simm.s32 $0x3F0  }
0x7e: {  	[tilespmem:s30], [sflag:$0x3] =	stream.indirect.gather [hbm4b:s3+s24], $0x20, s21, s24, $0xb8;
	[tilespmem:$0x4E00] =	vst v63  }
0x7f: {  	_ =	swait.ge [sflag:s8], $0x640  }
0x80: {  	[sflag:s8] =	ssyncset.done $0x0  }
0x81: {  	[sflag:s8] =	ssyncadd.s32 $0xFFFFF9C0  }
0x82: {  	_ =	swait.ge [sflag:s16], $0x640  }
0x83: {  	[sflag:s16] =	ssyncset.done $0x0  }
0x84: {  	s23 =	sadd.s32 $0x258, s22;
	[sflag:s16] =	ssyncadd.s32 $0xFFFFF9C0  }
0x85: {  	[hbm4b:s23+s2] =	stream.linear.scatter [tilespmem:s1], [sflag:$0xC], $0x640, $0x38;
	[tilespmem:$0x4E00] =	vst v63  }
0x86: {  	s21 =	simm.s32 $0x428  }
0x87: {  	[tilespmem:s1], [sflag:$0x4] =	stream.indirect.gather [hbm4b:s3+s24], $0x20, s21, s24, $0xb8;
	[tilespmem:$0x4E00] =	vst v63  }
0x88: {  	_ =	swait.ge [sflag:s9], $0x640  }
0x89: {  	[sflag:s9] =	ssyncset.done $0x0  }
0x8a: {  	[sflag:s9] =	ssyncadd.s32 $0xFFFFF9C0  }
0x8b: {  	_ =	swait.ge [sflag:s17], $0x640  }
0x8c: {  	[sflag:s17] =	ssyncset.done $0x0  }
0x8d: {  	s23 =	sadd.s32 $0x320, s22;
	[sflag:s17] =	ssyncadd.s32 $0xFFFFF9C0  }
0x8e: {  	[hbm4b:s23+s2] =	stream.linear.scatter [tilespmem:s26], [sflag:$0xD], $0x640, $0x38;
	[tilespmem:$0x4E00] =	vst v63  }
0x8f: {  	s21 =	simm.s32 $0x460  }
0x90: {  	[tilespmem:s26], [sflag:$0x5] =	stream.indirect.gather [hbm4b:s3+s24], $0x20, s21, s24, $0xb8;
	[tilespmem:$0x4E00] =	vst v63  }
0x91: {  	_ =	swait.ge [sflag:s10], $0x640  }
0x92: {  	[sflag:s10] =	ssyncset.done $0x0  }
0x93: {  	[sflag:s10] =	ssyncadd.s32 $0xFFFFF9C0  }
0x94: {  	_ =	swait.ge [sflag:s18], $0x640  }
0x95: {  	[sflag:s18] =	ssyncset.done $0x0  }
0x96: {  	s23 =	sadd.s32 $0x3E8, s22;
	[sflag:s18] =	ssyncadd.s32 $0xFFFFF9C0  }
0x97: {  	[hbm4b:s23+s2] =	stream.linear.scatter [tilespmem:s31], [sflag:$0xE], $0x640, $0x38;
	[tilespmem:$0x4E00] =	vst v63  }
0x98: {  	s21 =	simm.s32 $0x498  }
0x99: {  	[tilespmem:s31], [sflag:$0x6] =	stream.indirect.gather [hbm4b:s3+s24], $0x20, s21, s24, $0xb8;
	[tilespmem:$0x4E00] =	vst v63  }
0x9a: {  	_ =	swait.ge [sflag:s11], $0x640  }
0x9b: {  	[sflag:s11] =	ssyncset.done $0x0  }
0x9c: {  	[sflag:s11] =	ssyncadd.s32 $0xFFFFF9C0  }
0x9d: {  	_ =	swait.ge [sflag:s19], $0x640  }
0x9e: {  	[sflag:s19] =	ssyncset.done $0x0  }
0x9f: {  	s23 =	sadd.s32 $0x4B0, s22;
	[sflag:s19] =	ssyncadd.s32 $0xFFFFF9C0  }
0xa0: {  	[hbm4b:s23+s2] =	stream.linear.scatter [tilespmem:s29], [sflag:$0xF], $0x640, $0x38;
	[tilespmem:$0x4E00] =	vst v63  }
0xa1: {  	s21 =	simm.s32 $0x4D0  }
0xa2: {  	[tilespmem:s29], [sflag:$0x7] =	stream.indirect.gather [hbm4b:s3+s24], $0x20, s21, s24, $0xb8;
	[tilespmem:$0x4E00] =	vst v63  }
0xa3: {  	_ =	swait.ge [sflag:s12], $0x640  }
0xa4: {  	[sflag:s12] =	ssyncset.done $0x0  }
0xa5: {  	[sflag:s12] =	ssyncadd.s32 $0xFFFFF9C0  }
0xa6: {  	_ =	swait.ge [sflag:s20], $0x640  }
0xa7: {  	[sflag:s20] =	ssyncset.done $0x0  }
0xa8: {  	s23 =	sadd.s32 $0x578, s22;
	[sflag:s20] =	ssyncadd.s32 $0xFFFFF9C0  }
0xa9: {  	[hbm4b:s23+s2] =	stream.linear.scatter [tilespmem:s0], [sflag:$0x10], $0x640, $0x38;
	[tilespmem:$0x4E00] =	vst v63  }
0xaa: {  	s4 =	simm.s32 $0x700;
	s21 =	simm.s32 $0x508;
	s23 =	sadd.s32 $0x640, s22  }
.LBB2_2:
0xab: {  	[tilespmem:s0], [sflag:$0x8] =	stream.indirect.gather [hbm4b:s3+s24], $0x20, s21, s24, $0xb8;
	[tilespmem:$0x4E00] =	vst v63  }
0xac: {  	s21 =	smov.u32 s4  }
0xad: {  	p0 =	sne.s32 s4, $0x5B00;
	s4 =	sadd.s32 $0x700, s4;
	_ =	swait.ge [sflag:s5], $0x640  }
0xae: {  	[sflag:s5] =	ssyncset.done $0x0  }
0xaf: {  	[sflag:s5] =	ssyncadd.s32 $0xFFFFF9C0  }
0xb0: {  	_ =	swait.ge [sflag:s13], $0x640  }
0xb1: {  	[sflag:s13] =	ssyncset.done $0x0  }
0xb2: {  	s21 =	sshra.s32 s21, $0x2;
	[sflag:s13] =	ssyncadd.s32 $0xFFFFF9C0  }
0xb3: {  	[hbm4b:s23+s2] =	stream.linear.scatter [tilespmem:s25], [sflag:$0x9], $0x640, $0x38;
	[tilespmem:$0x4E00] =	vst v63  }
0xb4: {  	s22 =	sadd.s32 $0x380, s21  }
0xb5: {  	[tilespmem:s25], [sflag:$0x1] =	stream.indirect.gather [hbm4b:s3+s24], $0x20, s22, s24, $0xb8;
	[tilespmem:$0x4E00] =	vst v63  }
0xb6: {  	_ =	swait.ge [sflag:s6], $0x640  }
0xb7: {  	[sflag:s6] =	ssyncset.done $0x0  }
0xb8: {  	[sflag:s6] =	ssyncadd.s32 $0xFFFFF9C0  }
0xb9: {  	_ =	swait.ge [sflag:s14], $0x640  }
0xba: {  	[sflag:s14] =	ssyncset.done $0x0  }
0xbb: {  	s22 =	sadd.s32 $0xC8, s23;
	[sflag:s14] =	ssyncadd.s32 $0xFFFFF9C0  }
0xbc: {  	[hbm4b:s22+s2] =	stream.linear.scatter [tilespmem:s28], [sflag:$0xA], $0x640, $0x38;
	[tilespmem:$0x4E00] =	vst v63  }
0xbd: {  	s22 =	sadd.s32 $0x3B8, s21  }
0xbe: {  	[tilespmem:s28], [sflag:$0x2] =	stream.indirect.gather [hbm4b:s3+s24], $0x20, s22, s24, $0xb8;
	[tilespmem:$0x4E00] =	vst v63  }
0xbf: {  	_ =	swait.ge [sflag:s7], $0x640  }
0xc0: {  	[sflag:s7] =	ssyncset.done $0x0  }
0xc1: {  	[sflag:s7] =	ssyncadd.s32 $0xFFFFF9C0  }
0xc2: {  	_ =	swait.ge [sflag:s15], $0x640  }
0xc3: {  	[sflag:s15] =	ssyncset.done $0x0  }
0xc4: {  	s22 =	sadd.s32 $0x190, s23;
	[sflag:s15] =	ssyncadd.s32 $0xFFFFF9C0  }
0xc5: {  	[hbm4b:s22+s2] =	stream.linear.scatter [tilespmem:s30], [sflag:$0xB], $0x640, $0x38;
	[tilespmem:$0x4E00] =	vst v63  }
0xc6: {  	s22 =	sadd.s32 $0x3F0, s21  }
0xc7: {  	[tilespmem:s30], [sflag:$0x3] =	stream.indirect.gather [hbm4b:s3+s24], $0x20, s22, s24, $0xb8;
	[tilespmem:$0x4E00] =	vst v63  }
0xc8: {  	_ =	swait.ge [sflag:s8], $0x640  }
0xc9: {  	[sflag:s8] =	ssyncset.done $0x0  }
0xca: {  	[sflag:s8] =	ssyncadd.s32 $0xFFFFF9C0  }
0xcb: {  	_ =	swait.ge [sflag:s16], $0x640  }
0xcc: {  	[sflag:s16] =	ssyncset.done $0x0  }
0xcd: {  	s22 =	sadd.s32 $0x258, s23;
	[sflag:s16] =	ssyncadd.s32 $0xFFFFF9C0  }
0xce: {  	[hbm4b:s22+s2] =	stream.linear.scatter [tilespmem:s1], [sflag:$0xC], $0x640, $0x38;
	[tilespmem:$0x4E00] =	vst v63  }
0xcf: {  	s22 =	sadd.s32 $0x428, s21  }
0xd0: {  	[tilespmem:s1], [sflag:$0x4] =	stream.indirect.gather [hbm4b:s3+s24], $0x20, s22, s24, $0xb8;
	[tilespmem:$0x4E00] =	vst v63  }
0xd1: {  	_ =	swait.ge [sflag:s9], $0x640  }
0xd2: {  	[sflag:s9] =	ssyncset.done $0x0  }
0xd3: {  	[sflag:s9] =	ssyncadd.s32 $0xFFFFF9C0  }
0xd4: {  	_ =	swait.ge [sflag:s17], $0x640  }
0xd5: {  	[sflag:s17] =	ssyncset.done $0x0  }
0xd6: {  	s22 =	sadd.s32 $0x320, s23;
	[sflag:s17] =	ssyncadd.s32 $0xFFFFF9C0  }
0xd7: {  	[hbm4b:s22+s2] =	stream.linear.scatter [tilespmem:s26], [sflag:$0xD], $0x640, $0x38;
	[tilespmem:$0x4E00] =	vst v63  }
0xd8: {  	s22 =	sadd.s32 $0x460, s21  }
0xd9: {  	[tilespmem:s26], [sflag:$0x5] =	stream.indirect.gather [hbm4b:s3+s24], $0x20, s22, s24, $0xb8;
	[tilespmem:$0x4E00] =	vst v63  }
0xda: {  	_ =	swait.ge [sflag:s10], $0x640  }
0xdb: {  	[sflag:s10] =	ssyncset.done $0x0  }
0xdc: {  	[sflag:s10] =	ssyncadd.s32 $0xFFFFF9C0  }
0xdd: {  	_ =	swait.ge [sflag:s18], $0x640  }
0xde: {  	[sflag:s18] =	ssyncset.done $0x0  }
0xdf: {  	s22 =	sadd.s32 $0x3E8, s23;
	[sflag:s18] =	ssyncadd.s32 $0xFFFFF9C0  }
0xe0: {  	[hbm4b:s22+s2] =	stream.linear.scatter [tilespmem:s31], [sflag:$0xE], $0x640, $0x38;
	[tilespmem:$0x4E00] =	vst v63  }
0xe1: {  	s22 =	sadd.s32 $0x498, s21  }
0xe2: {  	[tilespmem:s31], [sflag:$0x6] =	stream.indirect.gather [hbm4b:s3+s24], $0x20, s22, s24, $0xb8;
	[tilespmem:$0x4E00] =	vst v63  }
0xe3: {  	_ =	swait.ge [sflag:s11], $0x640  }
0xe4: {  	[sflag:s11] =	ssyncset.done $0x0  }
0xe5: {  	[sflag:s11] =	ssyncadd.s32 $0xFFFFF9C0  }
0xe6: {  	_ =	swait.ge [sflag:s19], $0x640  }
0xe7: {  	[sflag:s19] =	ssyncset.done $0x0  }
0xe8: {  	s22 =	sadd.s32 $0x4B0, s23;
	[sflag:s19] =	ssyncadd.s32 $0xFFFFF9C0  }
0xe9: {  	[hbm4b:s22+s2] =	stream.linear.scatter [tilespmem:s29], [sflag:$0xF], $0x640, $0x38;
	[tilespmem:$0x4E00] =	vst v63  }
0xea: {  	s22 =	sadd.s32 $0x4D0, s21  }
0xeb: {  	[tilespmem:s29], [sflag:$0x7] =	stream.indirect.gather [hbm4b:s3+s24], $0x20, s22, s24, $0xb8;
	[tilespmem:$0x4E00] =	vst v63  }
0xec: {  	_ =	swait.ge [sflag:s12], $0x640  }
0xed: {  	[sflag:s12] =	ssyncset.done $0x0  }
0xee: {  	[sflag:s12] =	ssyncadd.s32 $0xFFFFF9C0  }
.Ltmp0:
0xef: {  	_ =	swait.ge [sflag:s20], $0x640;
	(pc) =	sbr.rel @p0 .LBB2_2-.Ltmp0, $4  }
0xf0: {  	[sflag:s20] =	ssyncset.done $0x0  }
0xf1: {  	s22 =	sadd.s32 $0x578, s23;
	[sflag:s20] =	ssyncadd.s32 $0xFFFFF9C0  }
0xf2: {  	[hbm4b:s22+s2] =	stream.linear.scatter [tilespmem:s0], [sflag:$0x10], $0x640, $0x38;
	[tilespmem:$0x4E00] =	vst v63  }
0xf3: {  	s21 =	sadd.s32 $0x508, s21;
	s23 =	sadd.s32 $0x640, s23  }
0xf4: {  	[tilespmem:s0], [sflag:$0x8] =	stream.indirect.gather [hbm4b:s3+s24], $0x20, s21, s24, $0xb8;
	[tilespmem:$0x4E00] =	vst v63  }
0xf5: {  	_ =	swait.ge [sflag:s5], $0x640  }
0xf6: {  	[sflag:s5] =	ssyncset.done $0x0  }
0xf7: {  	[sflag:s5] =	ssyncadd.s32 $0xFFFFF9C0  }
0xf8: {  	_ =	swait.ge [sflag:s13], $0x640  }
0xf9: {  	[sflag:s13] =	ssyncset.done $0x0  }
0xfa: {  	s4 =	rddreg [dreg:$0xc];
	[sflag:s13] =	ssyncadd.s32 $0xFFFFF9C0  }
0xfb: {  	[hbm4b:s4+s2] =	stream.linear.scatter [tilespmem:s25], [sflag:$0x9], $0x640, $0x38;
	[tilespmem:$0x4E00] =	vst v63  }
0xfc: {  	_ =	swait.ge [sflag:s6], $0x640  }
0xfd: {  	[sflag:s6] =	ssyncset.done $0x0  }
0xfe: {  	[sflag:s6] =	ssyncadd.s32 $0xFFFFF9C0  }
0xff: {  	_ =	swait.ge [sflag:s14], $0x640  }
0x100: {  	[sflag:s14] =	ssyncset.done $0x0  }
0x101: {  	s21 =	rddreg [dreg:$0xd];
	[sflag:s14] =	ssyncadd.s32 $0xFFFFF9C0  }
0x102: {  	[hbm4b:s21+s2] =	stream.linear.scatter [tilespmem:s28], [sflag:$0xA], $0x640, $0x38;
	[tilespmem:$0x4E00] =	vst v63  }
0x103: {  	_ =	swait.ge [sflag:s7], $0x640  }
0x104: {  	[sflag:s7] =	ssyncset.done $0x0  }
0x105: {  	[sflag:s7] =	ssyncadd.s32 $0xFFFFF9C0  }
0x106: {  	_ =	swait.ge [sflag:s15], $0x640  }
0x107: {  	[sflag:s15] =	ssyncset.done $0x0  }
0x108: {  	s22 =	rddreg [dreg:$0xe];
	[sflag:s15] =	ssyncadd.s32 $0xFFFFF9C0  }
0x109: {  	[hbm4b:s22+s2] =	stream.linear.scatter [tilespmem:s30], [sflag:$0xB], $0x640, $0x38;
	[tilespmem:$0x4E00] =	vst v63  }
0x10a: {  	_ =	swait.ge [sflag:s8], $0x640  }
0x10b: {  	[sflag:s8] =	ssyncset.done $0x0  }
0x10c: {  	[sflag:s8] =	ssyncadd.s32 $0xFFFFF9C0  }
0x10d: {  	_ =	swait.ge [sflag:s16], $0x640  }
0x10e: {  	[sflag:s16] =	ssyncset.done $0x0  }
0x10f: {  	s23 =	rddreg [dreg:$0xf];
	[sflag:s16] =	ssyncadd.s32 $0xFFFFF9C0  }
0x110: {  	[hbm4b:s23+s2] =	stream.linear.scatter [tilespmem:s1], [sflag:$0xC], $0x640, $0x38;
	[tilespmem:$0x4E00] =	vst v63  }
0x111: {  	_ =	swait.ge [sflag:s9], $0x640  }
0x112: {  	[sflag:s9] =	ssyncset.done $0x0  }
0x113: {  	[sflag:s9] =	ssyncadd.s32 $0xFFFFF9C0  }
0x114: {  	_ =	swait.ge [sflag:s17], $0x640  }
0x115: {  	[sflag:s17] =	ssyncset.done $0x0  }
0x116: {  	s21 =	rddreg [dreg:$0x10];
	[sflag:s17] =	ssyncadd.s32 $0xFFFFF9C0  }
0x117: {  	[hbm4b:s21+s2] =	stream.linear.scatter [tilespmem:s26], [sflag:$0xD], $0x640, $0x38;
	[tilespmem:$0x4E00] =	vst v63  }
0x118: {  	_ =	swait.ge [sflag:s10], $0x640  }
0x119: {  	[sflag:s10] =	ssyncset.done $0x0  }
0x11a: {  	[sflag:s10] =	ssyncadd.s32 $0xFFFFF9C0  }
0x11b: {  	_ =	swait.ge [sflag:s18], $0x640  }
0x11c: {  	[sflag:s18] =	ssyncset.done $0x0  }
0x11d: {  	s22 =	rddreg [dreg:$0x11];
	[sflag:s18] =	ssyncadd.s32 $0xFFFFF9C0  }
0x11e: {  	[hbm4b:s22+s2] =	stream.linear.scatter [tilespmem:s31], [sflag:$0xE], $0x640, $0x38;
	[tilespmem:$0x4E00] =	vst v63  }
0x11f: {  	_ =	swait.ge [sflag:s11], $0x640  }
0x120: {  	[sflag:s11] =	ssyncset.done $0x0  }
0x121: {  	[sflag:s11] =	ssyncadd.s32 $0xFFFFF9C0  }
0x122: {  	_ =	swait.ge [sflag:s19], $0x640  }
0x123: {  	[sflag:s19] =	ssyncset.done $0x0  }
0x124: {  	s23 =	rddreg [dreg:$0x12];
	[sflag:s19] =	ssyncadd.s32 $0xFFFFF9C0  }
0x125: {  	[hbm4b:s23+s2] =	stream.linear.scatter [tilespmem:s29], [sflag:$0xF], $0x640, $0x38;
	[tilespmem:$0x4E00] =	vst v63  }
0x126: {  	_ =	swait.ge [sflag:s12], $0x640  }
0x127: {  	[sflag:s12] =	ssyncset.done $0x0  }
0x128: {  	[sflag:s12] =	ssyncadd.s32 $0xFFFFF9C0  }
0x129: {  	_ =	swait.ge [sflag:s20], $0x640  }
0x12a: {  	[sflag:s20] =	ssyncset.done $0x0  }
0x12b: {  	s21 =	rddreg [dreg:$0x13];
	[sflag:s20] =	ssyncadd.s32 $0xFFFFF9C0  }
0x12c: {  	[hbm4b:s21+s2] =	stream.linear.scatter [tilespmem:s0], [sflag:$0x10], $0x640, $0x38;
	[tilespmem:$0x4E00] =	vst v63  }
0x12d: {  	_ =	swait.ge [sflag:s13], $0x640  }
0x12e: {  	[sflag:s13] =	ssyncset.done $0x0  }
0x12f: {  	[sflag:s13] =	ssyncadd.s32 $0xFFFFF9C0  }
0x130: {  	_ =	swait.ge [sflag:s14], $0x640  }
0x131: {  	[sflag:s14] =	ssyncset.done $0x0  }
0x132: {  	[sflag:s14] =	ssyncadd.s32 $0xFFFFF9C0  }
0x133: {  	_ =	swait.ge [sflag:s15], $0x640  }
0x134: {  	[sflag:s15] =	ssyncset.done $0x0  }
0x135: {  	[sflag:s15] =	ssyncadd.s32 $0xFFFFF9C0  }
0x136: {  	_ =	swait.ge [sflag:s16], $0x640  }
0x137: {  	[sflag:s16] =	ssyncset.done $0x0  }
0x138: {  	[sflag:s16] =	ssyncadd.s32 $0xFFFFF9C0  }
0x139: {  	_ =	swait.ge [sflag:s17], $0x640  }
0x13a: {  	[sflag:s17] =	ssyncset.done $0x0  }
0x13b: {  	[sflag:s17] =	ssyncadd.s32 $0xFFFFF9C0  }
0x13c: {  	_ =	swait.ge [sflag:s18], $0x640  }
0x13d: {  	[sflag:s18] =	ssyncset.done $0x0  }
0x13e: {  	[sflag:s18] =	ssyncadd.s32 $0xFFFFF9C0  }
0x13f: {  	_ =	swait.ge [sflag:s19], $0x640  }
0x140: {  	[sflag:s19] =	ssyncset.done $0x0  }
0x141: {  	[sflag:s19] =	ssyncadd.s32 $0xFFFFF9C0  }
0x142: {  	_ =	swait.ge [sflag:s20], $0x640  }
0x143: {  	s22 =	rddreg [dreg:$0x16]  }
0x144: {  	s23 =	rddreg [dreg:$0x14];
	s21 =	sadd.s32 $0x1, s22  }
0x145: {  	p0 =	sne.s32 s21, s23  }
.Ltmp1:
0x146: {  	_ = 	snop;
	(pc) =	sbr.rel @p0 .LBB2_1-.Ltmp1, $3  }
0x147: {  	_ =	sdelay $0x1  }
0x148: {  	[sflag:s20] =	ssyncset.done $0x0  }
0x149: {  	[sflag:s20] =	ssyncadd.s32 $0xFFFFF9C0  }
0x14a: {  	_ =	sfence.sel $0x180000  }
0x14b: {  	[bflag:$0x0] =	sbarrier.arrive $0xFFFF  }
0x14c: {  	_ =	strace $0x90000047  }
0x14d: {  	s0 =	stileid.u32;
	[bflag:$0x2] =	sbarrier.arrive $0xFFFF  }
0x14e: {  	p0 =	sne.s32 s0, $0x0;
	s0 =	rddreg [dreg:$0x2]  }
0x14f: {  	s0 =	sadd.s32 @!p0 $0x100000, s0  }
0x150: {  	[sflag:s0] =	ssyncadd.tile.s32 @!p0 $0x1;
	_ =	shalt  }
.Lfunc_end2:
_tile_overlayer_lowered:
.L_overlay_start_2:
0x151: {  	(tag) =	ssettag $0x2  }
0x152: {  	s0 =	rddreg [dreg:$0x0];
	s2 =	stileid.u32  }
0x153: {  	s1 =	rddreg [dreg:$0x1];
	p0 =	sne.s32 s2, $0x0  }
0x154: {  	s3 =	rddreg [dreg:$0x2];
	[bflag:$0x3] =	sbarrier.arrive $0xFFFF;
	s2 =	simm.s32 @!p0 $0x1C11  }
0x155: {  	[timem:s3], [sflag:s2] =	dma.local @!p0 [hbm:s0], s1  }
0x156: {  	s0 =	simm.s32 @!p0 $0x11  }
0x157: {  	_ =	swait.ge @!p0 [sflag:s0], s1  }
0x158: {  	s1 =	ssub.s32 @!p0 $0x0, s1;
	[sflag:s0] =	ssyncset.done @!p0 $0x0  }
0x159: {  	[sflag:s0] =	ssyncadd.s32 @!p0 s1  }
0x15a: {  	[bflag:$0x3] =	sbarrier.arrive $0xFFFF  }
0x15b: {  	_ =	shalt  }

</sc_bundles>
